<compile_context>
chip_gen: v7x
topology: tpu7x:2x2x1
jax: 0.10.2.dev20260603
libtpu: 0.0.44.dev20260713+nightly
codegen_flags: <defaults>
</compile_context>

<pallas_src>
import dataclasses
import functools

import jax
import jax.numpy as jnp
from jax import lax
from jax.experimental import pallas as pl
from jax.experimental.pallas import tpu as pltpu
from jax.experimental.pallas import tpu_sc as plsc

N = 10000
D_IN = 128
D_H = 64
D_EMB = 32
E = 320000


_BM = 200
_MB = N // _BM
_NP = N


def _gcn_body(a_ref, x_ref, w1_ref, b1_ref, w2_ref, b2_ref, o_ref,
              s1_ref, s2_ref):
    i = pl.program_id(0)

    @pl.when(i == 0)
    def _():
        s1_ref[...] = jnp.dot(x_ref[...], w1_ref[...],
                              preferred_element_type=jnp.float32)

    @pl.when(i < _MB)
    def _():
        z1 = jnp.dot(a_ref[...], s1_ref[...],
                     preferred_element_type=jnp.float32) + b1_ref[...]
        z1 = jnp.maximum(z1, 0.0)
        s2b = jnp.dot(z1, w2_ref[...], preferred_element_type=jnp.float32)
        s2_ref[pl.ds(i * _BM, _BM), :] = s2b
        o_ref[...] = s2b

    @pl.when(i >= _MB)
    def _():
        o_ref[...] = jnp.dot(a_ref[...], s2_ref[...],
                             preferred_element_type=jnp.float32) + b2_ref[...]


def _gcn(adj, x, W1, b1r, W2, b2r):
    return pl.pallas_call(
        _gcn_body,
        grid=(2 * _MB,),
        in_specs=[
            pl.BlockSpec((_BM, N), lambda i: (i % _MB, 0)),
            pl.BlockSpec((N, D_IN), lambda i: (0, 0)),
            pl.BlockSpec((D_IN, D_H), lambda i: (0, 0)),
            pl.BlockSpec((1, D_H), lambda i: (0, 0)),
            pl.BlockSpec((D_H, D_EMB), lambda i: (0, 0)),
            pl.BlockSpec((1, D_EMB), lambda i: (0, 0)),
        ],
        out_specs=pl.BlockSpec((_BM, D_EMB), lambda i: (i % _MB, 0)),
        out_shape=jax.ShapeDtypeStruct((N, D_EMB), jnp.float32),
        scratch_shapes=[
            pltpu.VMEM((N, D_H), jnp.float32),
            pltpu.VMEM((N, D_EMB), jnp.float32),
        ],
    )(adj, x, W1, b1r, W2, b2r)


def _tr_body(x_ref, o_ref):
    o_ref[...] = x_ref[...].T


def _transpose(z2):
    return pl.pallas_call(
        _tr_body,
        in_specs=[pl.BlockSpec((N, D_EMB), lambda: (0, 0))],
        out_specs=pl.BlockSpec((D_EMB, N), lambda: (0, 0)),
        out_shape=jax.ShapeDtypeStruct((D_EMB, N), jnp.float32),
    )(z2)



_NQ = 4
_DQ = D_EMB // _NQ
_NR = 4
_ER = E // _NR
_CH = 3200
_NCH = _ER // _CH
_L = 16


def _sc_decoder(z2t, src, dst):
    mesh = plsc.VectorSubcoreMesh(core_axis_name="c", subcore_axis_name="s")
    cp = pltpu.CompilerParams()
    if "needs_layout_passes" in pltpu.CompilerParams.__dataclass_fields__:
        cp = dataclasses.replace(cp, needs_layout_passes=False)

    @functools.partial(
        pl.kernel,
        out_type=(jax.ShapeDtypeStruct((_NQ, E), jnp.float32),
                  jax.ShapeDtypeStruct((E,), jnp.float32)),
        mesh=mesh,
        scratch_types=[
            pltpu.VMEM((8, _NP), jnp.float32),
            pltpu.VMEM((2, _CH), jnp.int32),
            pltpu.VMEM((2, _CH), jnp.int32),
            pltpu.VMEM((2, _CH), jnp.float32),
            pltpu.VMEM((_NQ, _CH), jnp.float32),
            pltpu.SemaphoreType.DMA((2,)),
            pltpu.SemaphoreType.DMA((2,)),
            pltpu.SemaphoreType.DMA((2,)),
        ],
        compiler_params=cp,
    )
    def kern(z2t_hbm, si_hbm, di_hbm, op_hbm, os_hbm, tq, sv, dv, pv, tmp,
             sem_s, sem_d, sem_o):
        c = lax.axis_index("c")
        s = lax.axis_index("s")
        q = s % _NQ
        u = c * 4 + s // _NQ
        r = u // 2
        h = u % 2
        nch = 13 - h

        def base_of(i):
            return r * _ER + (h + 2 * i) * _CH

        def in_copies(i, slot):
            b = base_of(i)
            cs = pltpu.make_async_copy(si_hbm.at[pl.ds(b, _CH)],
                                       sv.at[slot], sem_s.at[slot])
            cd = pltpu.make_async_copy(di_hbm.at[pl.ds(b, _CH)],
                                       dv.at[slot], sem_d.at[slot])
            return cs, cd

        def out_copy(i, slot):
            return pltpu.make_async_copy(
                pv.at[slot], op_hbm.at[q].at[pl.ds(base_of(i), _CH)],
                sem_o.at[slot])

        cs0, cd0 = in_copies(0, 0)
        cs0.start()
        cd0.start()
        pltpu.sync_copy(z2t_hbm.at[pl.ds(q * _DQ, _DQ)], tq)

        @pl.loop(0, nch)
        def _(i):
            slot = lax.rem(i, 2)
            cs, cd = in_copies(i, slot)
            cs.wait()
            cd.wait()

            @pl.when(i + 1 < nch)
            def _():
                ns, nd = in_copies(i + 1, 1 - slot)
                ns.start()
                nd.start()

            @pl.when(i >= 2)
            def _():
                out_copy(i - 2, slot).wait()

            @pl.loop(0, _CH // _L, unroll=4)
            def _(g):
                sl = pl.ds(g * _L, _L)
                s16 = sv[slot, sl]
                d16 = dv[slot, sl]
                acc = jnp.zeros((_L,), jnp.float32)
                for d in range(_DQ):
                    row = jnp.full((_L,), d, jnp.int32)
                    va = plsc.load_gather(tq, [row, s16])
                    vb = plsc.load_gather(tq, [row, d16])
                    acc = acc + va * vb
                pv[slot, sl] = acc

            out_copy(i, slot).start()

        out_copy(0, 0).wait()
        out_copy(0, 1).wait()

        plsc.subcore_barrier()

        @pl.loop(s, (2 * _ER) // _CH, step=16)
        def _(ch2):
            b2 = c * (2 * _ER) + ch2 * _CH
            for j in range(_NQ):
                pltpu.sync_copy(op_hbm.at[j].at[pl.ds(b2, _CH)], tmp.at[j])

            @pl.loop(0, _CH // _L, unroll=4)
            def _(g):
                sl = pl.ds(g * _L, _L)
                acc = tmp[0, sl] + tmp[1, sl] + tmp[2, sl] + tmp[3, sl]
                pv[0, sl] = acc

            pltpu.sync_copy(pv.at[0], os_hbm.at[pl.ds(b2, _CH)])

    return kern(z2t, src, dst)[1]



_BE = 6400


def _comb_body(p_ref, o_ref):
    o_ref[...] = jnp.sum(p_ref[...], axis=0, keepdims=True)


def _combine(partials):
    out = pl.pallas_call(
        _comb_body,
        grid=(E // _BE,),
        in_specs=[pl.BlockSpec((_NQ, _BE), lambda i: (0, i))],
        out_specs=pl.BlockSpec((1, _BE), lambda i: (0, i)),
        out_shape=jax.ShapeDtypeStruct((1, E), jnp.float32),
    )(partials)
    return out.reshape(E)


def kernel(x, adj_norm, edge_index, W1, b1, W2, b2):
    ei = edge_index.astype(jnp.int32)
    z2 = _gcn(adj_norm, x, W1, b1.reshape(1, D_H), W2, b2.reshape(1, D_EMB))
    z2t = _transpose(z2)
    return _sc_decoder(z2t, ei[0], ei[1])

# --- scband reference (transcript-rebuilt; emitter-appended) ---
"""Pipeline reference for scband-gcnlink-predictor-68779606278430 (READ-ONLY COPY).

The authoritative reference and input builder live on the scoring server;
editing this copy changes nothing except your own understanding.
"""

import jax, jax.numpy as jnp
import numpy as np

N = 10000
D_IN = 128
D_H = 64
D_EMB = 32
E = 320000


def setup_inputs(seed: int = 0) -> dict:
    key = jax.random.key(seed)
    k_x, k_adj, k_ei, k_w1, k_w2 = jax.random.split(key, 5)
    x = jax.random.normal(k_x, (N, D_IN), dtype=jnp.float32)
    adj_norm = jax.random.uniform(k_adj, (N, N), dtype=jnp.float32)
    edge_index = jax.random.randint(k_ei, (2, E), 0, N, dtype=jnp.int64)
    # Xavier-uniform-like init for weights, zeros for biases
    lim1 = float(np.sqrt(6.0 / (D_IN + D_H)))
    W1 = jax.random.uniform(k_w1, (D_IN, D_H), minval=-lim1, maxval=lim1, dtype=jnp.float32)
    b1 = jnp.zeros((D_H,), dtype=jnp.float32)
    lim2 = float(np.sqrt(6.0 / (D_H + D_EMB)))
    W2 = jax.random.uniform(k_w2, (D_H, D_EMB), minval=-lim2, maxval=lim2, dtype=jnp.float32)
    b2 = jnp.zeros((D_EMB,), dtype=jnp.float32)
    return {"x": x, "adj_norm": adj_norm, "edge_index": edge_index,
            "W1": W1, "b1": b1, "W2": W2, "b2": b2}


def reference(x, adj_norm, edge_index, W1, b1, W2, b2):
    # GCN layer 1: Z1 = ReLU(A (X W1) + b1)
    support1 = x @ W1
    z1 = adj_norm @ support1 + b1
    z1 = jax.nn.relu(z1)
    # GCN layer 2: Z2 = A (Z1 W2) + b2
    support2 = z1 @ W2
    z2 = adj_norm @ support2 + b2
    # Inner-product decoder: score_uv = z_u . z_v (gather on src/dst)
    src = edge_index[0]
    dst = edge_index[1]
    scores = jnp.sum(jnp.take(z2, src, axis=0) * jnp.take(z2, dst, axis=0), axis=1)
    return scores

if __name__ == "__main__":
    import jax
    _d = setup_inputs()
    print(jax.jit(kernel)(*tuple(_d.values())))

</pallas_src>

<mosaic_0001>
#map = affine_map<(d0, d1) -> (0, 0)>
#map1 = affine_map<(d0, d1) -> (0)>
module attributes {stable_mosaic.version = 14 : i64} {
  func.func @kern(%arg0: i32, %arg1: i32, %arg2: memref<32x10000xf32, #tpu.memory_space<hbm>>, %arg3: memref<320000xi32, #tpu.memory_space<hbm>>, %arg4: memref<320000xi32, #tpu.memory_space<hbm>>, %arg5: memref<4x320000xf32, #tpu.memory_space<hbm>>, %arg6: memref<320000xf32, #tpu.memory_space<hbm>>, %arg7: memref<8x10000xf32, #tpu.memory_space<vmem>>, %arg8: memref<2x3200xi32, #tpu.memory_space<vmem>>, %arg9: memref<2x3200xi32, #tpu.memory_space<vmem>>, %arg10: memref<2x3200xf32, #tpu.memory_space<vmem>>, %arg11: memref<4x3200xf32, #tpu.memory_space<vmem>>, %arg12: memref<2x!tpu.dma_semaphore, #tpu.memory_space<semaphore_mem>>, %arg13: memref<2x!tpu.dma_semaphore, #tpu.memory_space<semaphore_mem>>, %arg14: memref<2x!tpu.dma_semaphore, #tpu.memory_space<semaphore_mem>>) attributes {dimension_semantics = [#tpu.dimension_semantics<core_parallel>, #tpu.dimension_semantics<subcore_parallel>], iteration_bounds = array<i64: 2, 16>, scalar_prefetch = 0 : i64, scratch_operands = 8 : i64, tpu.core_type = #tpu.core_type<sc_vector_subcore>, window_params = [{transform_indices = #map}, {transform_indices = #map1}, {transform_indices = #map1}, {transform_indices = #map}, {transform_indices = #map1}]} {
    %jit3A = arith.constant 4 : i32
    %eq3A = arith.constant 0 : i32
    %eq3A_0 = arith.cmpi eq, %jit3A, %eq3A : i32
    %jit3A_1 = arith.constant 1 : i32
    %select_n3A = arith.select %eq3A_0, %jit3A_1, %jit3A : i32
    %rem3A = arith.remsi %arg1, %select_n3A : i32
    %ne3A = arith.constant 0 : i32
    %ne3A_2 = arith.cmpi ne, %rem3A, %ne3A : i32
    %lt3A = arith.constant 0 : i32
    %lt3A_3 = arith.cmpi slt, %rem3A, %lt3A : i32
    %lt3A_4 = arith.constant 0 : i32
    %lt3A_5 = arith.cmpi slt, %select_n3A, %lt3A_4 : i32
    %ne3A_6 = arith.xori %lt3A_3, %lt3A_5 : i1
    %and3A = arith.andi %ne3A_6, %ne3A_2 : i1
    %add3A = arith.addi %rem3A, %select_n3A : i32
    %select_n3A_7 = arith.select %and3A, %add3A, %rem3A : i32
    %mul3A = arith.constant 4 : i32
    %mul3A_8 = arith.muli %arg0, %mul3A : i32
    %jit3A_9 = arith.constant 4 : i32
    %div3A = arith.divsi %arg1, %jit3A_9 : i32
    %sign3A = arith.constant 0 : i32
    %sign3A_10 = arith.cmpi sgt, %arg1, %sign3A : i32
    %sign3A_11 = arith.extui %sign3A_10 : i1 to i32
    %sign3A_12 = arith.constant 0 : i32
    %sign3A_13 = arith.cmpi slt, %arg1, %sign3A_12 : i32
    %sign3A_14 = arith.extui %sign3A_13 : i1 to i32
    %sign3A_15 = arith.subi %sign3A_11, %sign3A_14 : i32
    %sign3A_16 = arith.constant 0 : i32
    %sign3A_17 = arith.cmpi sgt, %jit3A_9, %sign3A_16 : i32
    %sign3A_18 = arith.extui %sign3A_17 : i1 to i32
    %sign3A_19 = arith.constant 0 : i32
    %sign3A_20 = arith.cmpi slt, %jit3A_9, %sign3A_19 : i32
    %sign3A_21 = arith.extui %sign3A_20 : i1 to i32
    %sign3A_22 = arith.subi %sign3A_18, %sign3A_21 : i32
    %ne3A_23 = arith.cmpi ne, %sign3A_15, %sign3A_22 : i32
    %rem3A_24 = arith.remsi %arg1, %jit3A_9 : i32
    %ne3A_25 = arith.constant 0 : i32
    %ne3A_26 = arith.cmpi ne, %rem3A_24, %ne3A_25 : i32
    %and3A_27 = arith.andi %ne3A_23, %ne3A_26 : i1
    %sub3A = arith.constant 1 : i32
    %sub3A_28 = arith.subi %div3A, %sub3A : i32
    %select_n3A_29 = arith.select %and3A_27, %sub3A_28, %div3A : i32
    %add3A_30 = arith.addi %mul3A_8, %select_n3A_29 : i32
    %jit3A_31 = arith.constant 2 : i32
    %div3A_32 = arith.divsi %add3A_30, %jit3A_31 : i32
    %sign3A_33 = arith.constant 0 : i32
    %sign3A_34 = arith.cmpi sgt, %add3A_30, %sign3A_33 : i32
    %sign3A_35 = arith.extui %sign3A_34 : i1 to i32
    %sign3A_36 = arith.constant 0 : i32
    %sign3A_37 = arith.cmpi slt, %add3A_30, %sign3A_36 : i32
    %sign3A_38 = arith.extui %sign3A_37 : i1 to i32
    %sign3A_39 = arith.subi %sign3A_35, %sign3A_38 : i32
    %sign3A_40 = arith.constant 0 : i32
    %sign3A_41 = arith.cmpi sgt, %jit3A_31, %sign3A_40 : i32
    %sign3A_42 = arith.extui %sign3A_41 : i1 to i32
    %sign3A_43 = arith.constant 0 : i32
    %sign3A_44 = arith.cmpi slt, %jit3A_31, %sign3A_43 : i32
    %sign3A_45 = arith.extui %sign3A_44 : i1 to i32
    %sign3A_46 = arith.subi %sign3A_42, %sign3A_45 : i32
    %ne3A_47 = arith.cmpi ne, %sign3A_39, %sign3A_46 : i32
    %rem3A_48 = arith.remsi %add3A_30, %jit3A_31 : i32
    %ne3A_49 = arith.constant 0 : i32
    %ne3A_50 = arith.cmpi ne, %rem3A_48, %ne3A_49 : i32
    %and3A_51 = arith.andi %ne3A_47, %ne3A_50 : i1
    %sub3A_52 = arith.constant 1 : i32
    %sub3A_53 = arith.subi %div3A_32, %sub3A_52 : i32
    %select_n3A_54 = arith.select %and3A_51, %sub3A_53, %div3A_32 : i32
    %jit3A_55 = arith.constant 2 : i32
    %eq3A_56 = arith.constant 0 : i32
    %eq3A_57 = arith.cmpi eq, %jit3A_55, %eq3A_56 : i32
    %jit3A_58 = arith.constant 1 : i32
    %select_n3A_59 = arith.select %eq3A_57, %jit3A_58, %jit3A_55 : i32
    %rem3A_60 = arith.remsi %add3A_30, %select_n3A_59 : i32
    %ne3A_61 = arith.constant 0 : i32
    %ne3A_62 = arith.cmpi ne, %rem3A_60, %ne3A_61 : i32
    %lt3A_63 = arith.constant 0 : i32
    %lt3A_64 = arith.cmpi slt, %rem3A_60, %lt3A_63 : i32
    %lt3A_65 = arith.constant 0 : i32
    %lt3A_66 = arith.cmpi slt, %select_n3A_59, %lt3A_65 : i32
    %ne3A_67 = arith.xori %lt3A_64, %lt3A_66 : i1
    %and3A_68 = arith.andi %ne3A_67, %ne3A_62 : i1
    %add3A_69 = arith.addi %rem3A_60, %select_n3A_59 : i32
    %select_n3A_70 = arith.select %and3A_68, %add3A_69, %rem3A_60 : i32
    %sub3A_71 = arith.constant 13 : i32
    %sub3A_72 = arith.subi %sub3A_71, %select_n3A_70 : i32
    %mul3A_73 = arith.constant 80000 : i32
    %mul3A_74 = arith.muli %select_n3A_54, %mul3A_73 : i32
    %add3A_75 = arith.constant 0 : i32
    %add3A_76 = arith.addi %select_n3A_70, %add3A_75 : i32
    %mul3A_77 = arith.constant 3200 : i32
    %mul3A_78 = arith.muli %add3A_76, %mul3A_77 : i32
    %add3A_79 = arith.addi %mul3A_74, %mul3A_78 : i32
    %dma_start3A = arith.constant 0 : i32
    %dma_start3A_80 = arith.constant 0 : i32
    %dma_start3A_81 = arith.constant 0 : i32
    %dma_start3A_82 = tpu.memref_slice %arg8[%dma_start3A, %dma_start3A_81] : memref<2x3200xi32, #tpu.memory_space<vmem>> -> memref<1x3200xi32, #tpu.memory_space<vmem>>
    %dma_start3A_83 = tpu.memref_squeeze %dma_start3A_82 : memref<1x3200xi32, #tpu.memory_space<vmem>> -> memref<3200xi32, #tpu.memory_space<vmem>>
    %dma_start3A_84 = tpu.memref_slice %arg3[%add3A_79] : memref<320000xi32, #tpu.memory_space<hbm>> -> memref<3200xi32, #tpu.memory_space<hbm>>
    %dma_start3A_85 = tpu.memref_slice %arg12[%dma_start3A_80] : memref<2x!tpu.dma_semaphore, #tpu.memory_space<semaphore_mem>> -> memref<1x!tpu.dma_semaphore, #tpu.memory_space<semaphore_mem>>
    %dma_start3A_86 = tpu.memref_squeeze %dma_start3A_85 : memref<1x!tpu.dma_semaphore, #tpu.memory_space<semaphore_mem>> -> memref<!tpu.dma_semaphore, #tpu.memory_space<semaphore_mem>>
    %dma_start3A_87 = arith.constant 0 : i32
    %dma_start3A_88 = tpu.memref_slice %arg8[%dma_start3A, %dma_start3A_87] : memref<2x3200xi32, #tpu.memory_space<vmem>> -> memref<1x3200xi32, #tpu.memory_space<vmem>>
    %dma_start3A_89 = tpu.memref_squeeze %dma_start3A_88 : memref<1x3200xi32, #tpu.memory_space<vmem>> -> memref<3200xi32, #tpu.memory_space<vmem>>
    %dma_start3A_90 = tpu.memref_slice %arg3[%add3A_79] : memref<320000xi32, #tpu.memory_space<hbm>> -> memref<3200xi32, #tpu.memory_space<hbm>>
    tpu.enqueue_dma source(%dma_start3A_90 : memref<3200xi32, #tpu.memory_space<hbm>>) target(%dma_start3A_89 : memref<3200xi32, #tpu.memory_space<vmem>>) target_semaphore(%dma_start3A_86 : memref<!tpu.dma_semaphore, #tpu.memory_space<semaphore_mem>>)
    %dma_start3A_91 = arith.constant 0 : i32
    %dma_start3A_92 = arith.constant 0 : i32
    %dma_start3A_93 = arith.constant 0 : i32
    %dma_start3A_94 = tpu.memref_slice %arg9[%dma_start3A_91, %dma_start3A_93] : memref<2x3200xi32, #tpu.memory_space<vmem>> -> memref<1x3200xi32, #tpu.memory_space<vmem>>
    %dma_start3A_95 = tpu.memref_squeeze %dma_start3A_94 : memref<1x3200xi32, #tpu.memory_space<vmem>> -> memref<3200xi32, #tpu.memory_space<vmem>>
    %dma_start3A_96 = tpu.memref_slice %arg4[%add3A_79] : memref<320000xi32, #tpu.memory_space<hbm>> -> memref<3200xi32, #tpu.memory_space<hbm>>
    %dma_start3A_97 = tpu.memref_slice %arg13[%dma_start3A_92] : memref<2x!tpu.dma_semaphore, #tpu.memory_space<semaphore_mem>> -> memref<1x!tpu.dma_semaphore, #tpu.memory_space<semaphore_mem>>
    %dma_start3A_98 = tpu.memref_squeeze %dma_start3A_97 : memref<1x!tpu.dma_semaphore, #tpu.memory_space<semaphore_mem>> -> memref<!tpu.dma_semaphore, #tpu.memory_space<semaphore_mem>>
    %dma_start3A_99 = arith.constant 0 : i32
    %dma_start3A_100 = tpu.memref_slice %arg9[%dma_start3A_91, %dma_start3A_99] : memref<2x3200xi32, #tpu.memory_space<vmem>> -> memref<1x3200xi32, #tpu.memory_space<vmem>>
    %dma_start3A_101 = tpu.memref_squeeze %dma_start3A_100 : memref<1x3200xi32, #tpu.memory_space<vmem>> -> memref<3200xi32, #tpu.memory_space<vmem>>
    %dma_start3A_102 = tpu.memref_slice %arg4[%add3A_79] : memref<320000xi32, #tpu.memory_space<hbm>> -> memref<3200xi32, #tpu.memory_space<hbm>>
    tpu.enqueue_dma source(%dma_start3A_102 : memref<3200xi32, #tpu.memory_space<hbm>>) target(%dma_start3A_101 : memref<3200xi32, #tpu.memory_space<vmem>>) target_semaphore(%dma_start3A_98 : memref<!tpu.dma_semaphore, #tpu.memory_space<semaphore_mem>>)
    %mul3A_103 = arith.constant 8 : i32
    %mul3A_104 = arith.muli %select_n3A_7, %mul3A_103 : i32
    "tpu.region"() ({
      %run_scoped3A = tpu.sem_alloc : memref<!tpu.dma_semaphore, #tpu.memory_space<semaphore_mem>>
      %dma_start3A_190 = arith.constant 0 : i32
      %dma_start3A_191 = tpu.memref_slice %arg2[%mul3A_104, %dma_start3A_190] : memref<32x10000xf32, #tpu.memory_space<hbm>> -> memref<8x10000xf32, #tpu.memory_space<hbm>>
      %dma_start3A_192 = arith.constant 0 : i32
      %dma_start3A_193 = tpu.memref_slice %arg2[%mul3A_104, %dma_start3A_192] : memref<32x10000xf32, #tpu.memory_space<hbm>> -> memref<8x10000xf32, #tpu.memory_space<hbm>>
      tpu.enqueue_dma source(%dma_start3A_193 : memref<8x10000xf32, #tpu.memory_space<hbm>>) target(%arg7 : memref<8x10000xf32, #tpu.memory_space<vmem>>) target_semaphore(%run_scoped3A : memref<!tpu.dma_semaphore, #tpu.memory_space<semaphore_mem>>)
      %dma_wait3A_194 = arith.constant 0 : i32
      %dma_wait3A_195 = tpu.memref_slice %arg2[%mul3A_104, %dma_wait3A_194] : memref<32x10000xf32, #tpu.memory_space<hbm>> -> memref<8x10000xf32, #tpu.memory_space<hbm>>
      %dma_wait3A_196 = arith.constant 0 : i32
      %dma_wait3A_197 = tpu.memref_slice %arg2[%mul3A_104, %dma_wait3A_196] : memref<32x10000xf32, #tpu.memory_space<hbm>> -> memref<8x10000xf32, #tpu.memory_space<hbm>>
      tpu.wait_dma2 semaphore(%run_scoped3A : memref<!tpu.dma_semaphore, #tpu.memory_space<semaphore_mem>>) src(%dma_wait3A_197 : memref<8x10000xf32, #tpu.memory_space<hbm>>) dst(%arg7 : memref<8x10000xf32, #tpu.memory_space<vmem>>)
      tpu.yield
    }) : () -> ()
    %sub3A_105 = arith.constant 0 : i32
    %sub3A_106 = arith.subi %sub3A_72, %sub3A_105 : i32
    %sub3A_107 = arith.constant 1 : i32
    %sub3A_108 = arith.constant 1 : i32
    %sub3A_109 = arith.subi %sub3A_107, %sub3A_108 : i32
    %add3A_110 = arith.addi %sub3A_106, %sub3A_109 : i32
    %div3A_111 = arith.constant 1 : i32
    %div3A_112 = arith.divsi %add3A_110, %div3A_111 : i32
    %while3A = arith.constant 1 : i32
    %while3A_113 = arith.constant 0 : i32
    %while3A_114 = arith.constant 0 : i32
    %while3A_115 = arith.subi %div3A_112, %while3A_114 : i32
    %while3A_116 = arith.addi %while3A_114, %while3A_115 : i32
    %while3A_117 = arith.constant 1 : i32
    %while3A_118 = arith.divsi %while3A_115, %while3A_117 : i32
    %while3A_119 = arith.muli %while3A_118, %while3A_117 : i32
    %while3A_120 = arith.addi %while3A_114, %while3A_119 : i32
    %while3A_121 = arith.constant 1 : i32
    scf.for %while3A_190 = %while3A_114 to %while3A_120 step %while3A_121  : i32 {
      %mul3A_191 = arith.muli %while3A_190, %while3A : i32
      %add3A_192 = arith.addi %while3A_113, %mul3A_191 : i32
      %rem3A_193 = arith.constant 2 : i32
      %rem3A_194 = arith.remsi %add3A_192, %rem3A_193 : i32
      %mul3A_195 = arith.constant 80000 : i32
      %mul3A_196 = arith.muli %select_n3A_54, %mul3A_195 : i32
      %mul3A_197 = arith.constant 2 : i32
      %mul3A_198 = arith.muli %mul3A_197, %add3A_192 : i32
      %add3A_199 = arith.addi %select_n3A_70, %mul3A_198 : i32
      %mul3A_200 = arith.constant 3200 : i32
      %mul3A_201 = arith.muli %add3A_199, %mul3A_200 : i32
      %add3A_202 = arith.addi %mul3A_196, %mul3A_201 : i32
      %dma_wait3A_203 = arith.constant 0 : i32
      %dma_wait3A_204 = tpu.memref_slice %arg8[%rem3A_194, %dma_wait3A_203] : memref<2x3200xi32, #tpu.memory_space<vmem>> -> memref<1x3200xi32, #tpu.memory_space<vmem>>
      %dma_wait3A_205 = tpu.memref_squeeze %dma_wait3A_204 : memref<1x3200xi32, #tpu.memory_space<vmem>> -> memref<3200xi32, #tpu.memory_space<vmem>>
      %dma_wait3A_206 = tpu.memref_slice %arg3[%add3A_202] : memref<320000xi32, #tpu.memory_space<hbm>> -> memref<3200xi32, #tpu.memory_space<hbm>>
      %dma_wait3A_207 = tpu.memref_slice %arg12[%rem3A_194] : memref<2x!tpu.dma_semaphore, #tpu.memory_space<semaphore_mem>> -> memref<1x!tpu.dma_semaphore, #tpu.memory_space<semaphore_mem>>
      %dma_wait3A_208 = tpu.memref_squeeze %dma_wait3A_207 : memref<1x!tpu.dma_semaphore, #tpu.memory_space<semaphore_mem>> -> memref<!tpu.dma_semaphore, #tpu.memory_space<semaphore_mem>>
      %dma_wait3A_209 = arith.constant 0 : i32
      %dma_wait3A_210 = tpu.memref_slice %arg8[%rem3A_194, %dma_wait3A_209] : memref<2x3200xi32, #tpu.memory_space<vmem>> -> memref<1x3200xi32, #tpu.memory_space<vmem>>
      %dma_wait3A_211 = tpu.memref_squeeze %dma_wait3A_210 : memref<1x3200xi32, #tpu.memory_space<vmem>> -> memref<3200xi32, #tpu.memory_space<vmem>>
      %dma_wait3A_212 = tpu.memref_slice %arg3[%add3A_202] : memref<320000xi32, #tpu.memory_space<hbm>> -> memref<3200xi32, #tpu.memory_space<hbm>>
      tpu.wait_dma2 semaphore(%dma_wait3A_208 : memref<!tpu.dma_semaphore, #tpu.memory_space<semaphore_mem>>) src(%dma_wait3A_212 : memref<3200xi32, #tpu.memory_space<hbm>>) dst(%dma_wait3A_211 : memref<3200xi32, #tpu.memory_space<vmem>>)
      %dma_wait3A_213 = arith.constant 0 : i32
      %dma_wait3A_214 = tpu.memref_slice %arg9[%rem3A_194, %dma_wait3A_213] : memref<2x3200xi32, #tpu.memory_space<vmem>> -> memref<1x3200xi32, #tpu.memory_space<vmem>>
      %dma_wait3A_215 = tpu.memref_squeeze %dma_wait3A_214 : memref<1x3200xi32, #tpu.memory_space<vmem>> -> memref<3200xi32, #tpu.memory_space<vmem>>
      %dma_wait3A_216 = tpu.memref_slice %arg4[%add3A_202] : memref<320000xi32, #tpu.memory_space<hbm>> -> memref<3200xi32, #tpu.memory_space<hbm>>
      %dma_wait3A_217 = tpu.memref_slice %arg13[%rem3A_194] : memref<2x!tpu.dma_semaphore, #tpu.memory_space<semaphore_mem>> -> memref<1x!tpu.dma_semaphore, #tpu.memory_space<semaphore_mem>>
      %dma_wait3A_218 = tpu.memref_squeeze %dma_wait3A_217 : memref<1x!tpu.dma_semaphore, #tpu.memory_space<semaphore_mem>> -> memref<!tpu.dma_semaphore, #tpu.memory_space<semaphore_mem>>
      %dma_wait3A_219 = arith.constant 0 : i32
      %dma_wait3A_220 = tpu.memref_slice %arg9[%rem3A_194, %dma_wait3A_219] : memref<2x3200xi32, #tpu.memory_space<vmem>> -> memref<1x3200xi32, #tpu.memory_space<vmem>>
      %dma_wait3A_221 = tpu.memref_squeeze %dma_wait3A_220 : memref<1x3200xi32, #tpu.memory_space<vmem>> -> memref<3200xi32, #tpu.memory_space<vmem>>
      %dma_wait3A_222 = tpu.memref_slice %arg4[%add3A_202] : memref<320000xi32, #tpu.memory_space<hbm>> -> memref<3200xi32, #tpu.memory_space<hbm>>
      tpu.wait_dma2 semaphore(%dma_wait3A_218 : memref<!tpu.dma_semaphore, #tpu.memory_space<semaphore_mem>>) src(%dma_wait3A_222 : memref<3200xi32, #tpu.memory_space<hbm>>) dst(%dma_wait3A_221 : memref<3200xi32, #tpu.memory_space<vmem>>)
      %add3A_223 = arith.constant 1 : i32
      %add3A_224 = arith.addi %add3A_192, %add3A_223 : i32
      %lt3A_225 = arith.cmpi slt, %add3A_224, %sub3A_72 : i32
      %convert_element_type3A = arith.extui %lt3A_225 : i1 to i32
      %cond3A = arith.constant 0 : i32
      %cond3A_226 = arith.cmpi ne, %convert_element_type3A, %cond3A : i32
      scf.if %cond3A_226 {
        %add3A_259 = arith.constant 1 : i32
        %add3A_260 = arith.addi %add3A_192, %add3A_259 : i32
        %sub3A_261 = arith.constant 1 : i32
        %sub3A_262 = arith.subi %sub3A_261, %rem3A_194 : i32
        %mul3A_263 = arith.constant 80000 : i32
        %mul3A_264 = arith.muli %select_n3A_54, %mul3A_263 : i32
        %mul3A_265 = arith.constant 2 : i32
        %mul3A_266 = arith.muli %mul3A_265, %add3A_260 : i32
        %add3A_267 = arith.addi %select_n3A_70, %mul3A_266 : i32
        %mul3A_268 = arith.constant 3200 : i32
        %mul3A_269 = arith.muli %add3A_267, %mul3A_268 : i32
        %add3A_270 = arith.addi %mul3A_264, %mul3A_269 : i32
        %dma_start3A_271 = arith.constant 0 : i32
        %dma_start3A_272 = tpu.memref_slice %arg8[%sub3A_262, %dma_start3A_271] : memref<2x3200xi32, #tpu.memory_space<vmem>> -> memref<1x3200xi32, #tpu.memory_space<vmem>>
        %dma_start3A_273 = tpu.memref_squeeze %dma_start3A_272 : memref<1x3200xi32, #tpu.memory_space<vmem>> -> memref<3200xi32, #tpu.memory_space<vmem>>
        %dma_start3A_274 = tpu.memref_slice %arg3[%add3A_270] : memref<320000xi32, #tpu.memory_space<hbm>> -> memref<3200xi32, #tpu.memory_space<hbm>>
        %dma_start3A_275 = tpu.memref_slice %arg12[%sub3A_262] : memref<2x!tpu.dma_semaphore, #tpu.memory_space<semaphore_mem>> -> memref<1x!tpu.dma_semaphore, #tpu.memory_space<semaphore_mem>>
        %dma_start3A_276 = tpu.memref_squeeze %dma_start3A_275 : memref<1x!tpu.dma_semaphore, #tpu.memory_space<semaphore_mem>> -> memref<!tpu.dma_semaphore, #tpu.memory_space<semaphore_mem>>
        %dma_start3A_277 = arith.constant 0 : i32
        %dma_start3A_278 = tpu.memref_slice %arg8[%sub3A_262, %dma_start3A_277] : memref<2x3200xi32, #tpu.memory_space<vmem>> -> memref<1x3200xi32, #tpu.memory_space<vmem>>
        %dma_start3A_279 = tpu.memref_squeeze %dma_start3A_278 : memref<1x3200xi32, #tpu.memory_space<vmem>> -> memref<3200xi32, #tpu.memory_space<vmem>>
        %dma_start3A_280 = tpu.memref_slice %arg3[%add3A_270] : memref<320000xi32, #tpu.memory_space<hbm>> -> memref<3200xi32, #tpu.memory_space<hbm>>
        tpu.enqueue_dma source(%dma_start3A_280 : memref<3200xi32, #tpu.memory_space<hbm>>) target(%dma_start3A_279 : memref<3200xi32, #tpu.memory_space<vmem>>) target_semaphore(%dma_start3A_276 : memref<!tpu.dma_semaphore, #tpu.memory_space<semaphore_mem>>)
        %dma_start3A_281 = arith.constant 0 : i32
        %dma_start3A_282 = tpu.memref_slice %arg9[%sub3A_262, %dma_start3A_281] : memref<2x3200xi32, #tpu.memory_space<vmem>> -> memref<1x3200xi32, #tpu.memory_space<vmem>>
        %dma_start3A_283 = tpu.memref_squeeze %dma_start3A_282 : memref<1x3200xi32, #tpu.memory_space<vmem>> -> memref<3200xi32, #tpu.memory_space<vmem>>
        %dma_start3A_284 = tpu.memref_slice %arg4[%add3A_270] : memref<320000xi32, #tpu.memory_space<hbm>> -> memref<3200xi32, #tpu.memory_space<hbm>>
        %dma_start3A_285 = tpu.memref_slice %arg13[%sub3A_262] : memref<2x!tpu.dma_semaphore, #tpu.memory_space<semaphore_mem>> -> memref<1x!tpu.dma_semaphore, #tpu.memory_space<semaphore_mem>>
        %dma_start3A_286 = tpu.memref_squeeze %dma_start3A_285 : memref<1x!tpu.dma_semaphore, #tpu.memory_space<semaphore_mem>> -> memref<!tpu.dma_semaphore, #tpu.memory_space<semaphore_mem>>
        %dma_start3A_287 = arith.constant 0 : i32
        %dma_start3A_288 = tpu.memref_slice %arg9[%sub3A_262, %dma_start3A_287] : memref<2x3200xi32, #tpu.memory_space<vmem>> -> memref<1x3200xi32, #tpu.memory_space<vmem>>
        %dma_start3A_289 = tpu.memref_squeeze %dma_start3A_288 : memref<1x3200xi32, #tpu.memory_space<vmem>> -> memref<3200xi32, #tpu.memory_space<vmem>>
        %dma_start3A_290 = tpu.memref_slice %arg4[%add3A_270] : memref<320000xi32, #tpu.memory_space<hbm>> -> memref<3200xi32, #tpu.memory_space<hbm>>
        tpu.enqueue_dma source(%dma_start3A_290 : memref<3200xi32, #tpu.memory_space<hbm>>) target(%dma_start3A_289 : memref<3200xi32, #tpu.memory_space<vmem>>) target_semaphore(%dma_start3A_286 : memref<!tpu.dma_semaphore, #tpu.memory_space<semaphore_mem>>)
      } else {
      }
      %ge3A = arith.constant 2 : i32
      %ge3A_227 = arith.cmpi sge, %add3A_192, %ge3A : i32
      %convert_element_type3A_228 = arith.extui %ge3A_227 : i1 to i32
      %cond3A_229 = arith.constant 0 : i32
      %cond3A_230 = arith.cmpi ne, %convert_element_type3A_228, %cond3A_229 : i32
      scf.if %cond3A_230 {
        %sub3A_259 = arith.constant 2 : i32
        %sub3A_260 = arith.subi %add3A_192, %sub3A_259 : i32
        %mul3A_261 = arith.constant 80000 : i32
        %mul3A_262 = arith.muli %select_n3A_54, %mul3A_261 : i32
        %mul3A_263 = arith.constant 2 : i32
        %mul3A_264 = arith.muli %mul3A_263, %sub3A_260 : i32
        %add3A_265 = arith.addi %select_n3A_70, %mul3A_264 : i32
        %mul3A_266 = arith.constant 3200 : i32
        %mul3A_267 = arith.muli %add3A_265, %mul3A_266 : i32
        %add3A_268 = arith.addi %mul3A_262, %mul3A_267 : i32
        %dma_wait3A_269 = arith.constant 0 : i32
        %dma_wait3A_270 = tpu.memref_slice %arg10[%rem3A_194, %dma_wait3A_269] : memref<2x3200xf32, #tpu.memory_space<vmem>> -> memref<1x3200xf32, #tpu.memory_space<vmem>>
        %dma_wait3A_271 = tpu.memref_squeeze %dma_wait3A_270 : memref<1x3200xf32, #tpu.memory_space<vmem>> -> memref<3200xf32, #tpu.memory_space<vmem>>
        %dma_wait3A_272 = arith.constant 0 : i32
        %dma_wait3A_273 = tpu.memref_slice %arg5[%select_n3A_7, %dma_wait3A_272] : memref<4x320000xf32, #tpu.memory_space<hbm>> -> memref<1x320000xf32, #tpu.memory_space<hbm>>
        %dma_wait3A_274 = tpu.memref_squeeze %dma_wait3A_273 : memref<1x320000xf32, #tpu.memory_space<hbm>> -> memref<320000xf32, #tpu.memory_space<hbm>>
        %dma_wait3A_275 = tpu.memref_slice %dma_wait3A_274[%add3A_268] : memref<320000xf32, #tpu.memory_space<hbm>> -> memref<3200xf32, #tpu.memory_space<hbm>>
        %dma_wait3A_276 = tpu.memref_slice %arg14[%rem3A_194] : memref<2x!tpu.dma_semaphore, #tpu.memory_space<semaphore_mem>> -> memref<1x!tpu.dma_semaphore, #tpu.memory_space<semaphore_mem>>
        %dma_wait3A_277 = tpu.memref_squeeze %dma_wait3A_276 : memref<1x!tpu.dma_semaphore, #tpu.memory_space<semaphore_mem>> -> memref<!tpu.dma_semaphore, #tpu.memory_space<semaphore_mem>>
        %dma_wait3A_278 = arith.constant 0 : i32
        %dma_wait3A_279 = tpu.memref_slice %arg5[%select_n3A_7, %dma_wait3A_278] : memref<4x320000xf32, #tpu.memory_space<hbm>> -> memref<1x320000xf32, #tpu.memory_space<hbm>>
        %dma_wait3A_280 = tpu.memref_squeeze %dma_wait3A_279 : memref<1x320000xf32, #tpu.memory_space<hbm>> -> memref<320000xf32, #tpu.memory_space<hbm>>
        %dma_wait3A_281 = tpu.memref_slice %dma_wait3A_280[%add3A_268] : memref<320000xf32, #tpu.memory_space<hbm>> -> memref<3200xf32, #tpu.memory_space<hbm>>
        %dma_wait3A_282 = arith.constant 0 : i32
        %dma_wait3A_283 = tpu.memref_slice %arg10[%rem3A_194, %dma_wait3A_282] : memref<2x3200xf32, #tpu.memory_space<vmem>> -> memref<1x3200xf32, #tpu.memory_space<vmem>>
        %dma_wait3A_284 = tpu.memref_squeeze %dma_wait3A_283 : memref<1x3200xf32, #tpu.memory_space<vmem>> -> memref<3200xf32, #tpu.memory_space<vmem>>
        tpu.wait_dma2 semaphore(%dma_wait3A_277 : memref<!tpu.dma_semaphore, #tpu.memory_space<semaphore_mem>>) src(%dma_wait3A_284 : memref<3200xf32, #tpu.memory_space<vmem>>) dst(%dma_wait3A_281 : memref<3200xf32, #tpu.memory_space<hbm>>)
      } else {
      }
      %scan3A = arith.constant 0 : i32
      %scan3A_231 = arith.constant 200 : i32
      %scan3A_232 = arith.addi %scan3A, %scan3A_231 : i32
      %scan3A_233 = arith.constant 4 : i32
      scf.for %scan3A_259 = %scan3A to %scan3A_232 step %scan3A_233  : i32 {
        %mul3A_260 = arith.constant 1 : i32
        %mul3A_261 = arith.muli %scan3A_259, %mul3A_260 : i32
        %add3A_262 = arith.constant 0 : i32
        %add3A_263 = arith.addi %add3A_262, %mul3A_261 : i32
        %mul3A_264 = arith.constant 16 : i32
        %mul3A_265 = arith.muli %add3A_263, %mul3A_264 : i32
        %get3A = arith.index_cast %rem3A_194 : i32 to index
        %get3A_266 = arith.index_cast %mul3A_265 : i32 to index
        %get3A_267 = tpu.vector_load %arg8[%get3A, %get3A_266] {strides = array<i32>} : memref<2x3200xi32, #tpu.memory_space<vmem>>, vector<16xi32>,
        %get3A_268 = arith.index_cast %rem3A_194 : i32 to index
        %get3A_269 = arith.index_cast %mul3A_265 : i32 to index
        %get3A_270 = tpu.vector_load %arg9[%get3A_268, %get3A_269] {strides = array<i32>} : memref<2x3200xi32, #tpu.memory_space<vmem>>, vector<16xi32>,
        %broadcast_in_dim3A = arith.constant 0.000000e+00 : f32
        %broadcast_in_dim3A_271 = vector.broadcast %broadcast_in_dim3A : f32 to vector<16xf32>
        %broadcast_in_dim3A_272 = arith.constant 0 : i32
        %broadcast_in_dim3A_273 = vector.broadcast %broadcast_in_dim3A_272 : i32 to vector<16xi32>
        %gather3A = tpu.vector_load_idx %arg7[%broadcast_in_dim3A_273, %get3A_267] : memref<8x10000xf32, #tpu.memory_space<vmem>>[vector<16xi32>, vector<16xi32>], vector<16xf32>,
        %gather3A_274 = tpu.vector_load_idx %arg7[%broadcast_in_dim3A_273, %get3A_270] : memref<8x10000xf32, #tpu.memory_space<vmem>>[vector<16xi32>, vector<16xi32>], vector<16xf32>,
        %mul3A_275 = arith.mulf %gather3A, %gather3A_274 : vector<16xf32>
        %add3A_276 = arith.addf %broadcast_in_dim3A_271, %mul3A_275 : vector<16xf32>
        %broadcast_in_dim3A_277 = arith.constant 1 : i32
        %broadcast_in_dim3A_278 = vector.broadcast %broadcast_in_dim3A_277 : i32 to vector<16xi32>
        %gather3A_279 = tpu.vector_load_idx %arg7[%broadcast_in_dim3A_278, %get3A_267] : memref<8x10000xf32, #tpu.memory_space<vmem>>[vector<16xi32>, vector<16xi32>], vector<16xf32>,
        %gather3A_280 = tpu.vector_load_idx %arg7[%broadcast_in_dim3A_278, %get3A_270] : memref<8x10000xf32, #tpu.memory_space<vmem>>[vector<16xi32>, vector<16xi32>], vector<16xf32>,
        %mul3A_281 = arith.mulf %gather3A_279, %gather3A_280 : vector<16xf32>
        %add3A_282 = arith.addf %add3A_276, %mul3A_281 : vector<16xf32>
        %broadcast_in_dim3A_283 = arith.constant 2 : i32
        %broadcast_in_dim3A_284 = vector.broadcast %broadcast_in_dim3A_283 : i32 to vector<16xi32>
        %gather3A_285 = tpu.vector_load_idx %arg7[%broadcast_in_dim3A_284, %get3A_267] : memref<8x10000xf32, #tpu.memory_space<vmem>>[vector<16xi32>, vector<16xi32>], vector<16xf32>,
        %gather3A_286 = tpu.vector_load_idx %arg7[%broadcast_in_dim3A_284, %get3A_270] : memref<8x10000xf32, #tpu.memory_space<vmem>>[vector<16xi32>, vector<16xi32>], vector<16xf32>,
        %mul3A_287 = arith.mulf %gather3A_285, %gather3A_286 : vector<16xf32>
        %add3A_288 = arith.addf %add3A_282, %mul3A_287 : vector<16xf32>
        %broadcast_in_dim3A_289 = arith.constant 3 : i32
        %broadcast_in_dim3A_290 = vector.broadcast %broadcast_in_dim3A_289 : i32 to vector<16xi32>
        %gather3A_291 = tpu.vector_load_idx %arg7[%broadcast_in_dim3A_290, %get3A_267] : memref<8x10000xf32, #tpu.memory_space<vmem>>[vector<16xi32>, vector<16xi32>], vector<16xf32>,
        %gather3A_292 = tpu.vector_load_idx %arg7[%broadcast_in_dim3A_290, %get3A_270] : memref<8x10000xf32, #tpu.memory_space<vmem>>[vector<16xi32>, vector<16xi32>], vector<16xf32>,
        %mul3A_293 = arith.mulf %gather3A_291, %gather3A_292 : vector<16xf32>
        %add3A_294 = arith.addf %add3A_288, %mul3A_293 : vector<16xf32>
        %broadcast_in_dim3A_295 = arith.constant 4 : i32
        %broadcast_in_dim3A_296 = vector.broadcast %broadcast_in_dim3A_295 : i32 to vector<16xi32>
        %gather3A_297 = tpu.vector_load_idx %arg7[%broadcast_in_dim3A_296, %get3A_267] : memref<8x10000xf32, #tpu.memory_space<vmem>>[vector<16xi32>, vector<16xi32>], vector<16xf32>,
        %gather3A_298 = tpu.vector_load_idx %arg7[%broadcast_in_dim3A_296, %get3A_270] : memref<8x10000xf32, #tpu.memory_space<vmem>>[vector<16xi32>, vector<16xi32>], vector<16xf32>,
        %mul3A_299 = arith.mulf %gather3A_297, %gather3A_298 : vector<16xf32>
        %add3A_300 = arith.addf %add3A_294, %mul3A_299 : vector<16xf32>
        %broadcast_in_dim3A_301 = arith.constant 5 : i32
        %broadcast_in_dim3A_302 = vector.broadcast %broadcast_in_dim3A_301 : i32 to vector<16xi32>
        %gather3A_303 = tpu.vector_load_idx %arg7[%broadcast_in_dim3A_302, %get3A_267] : memref<8x10000xf32, #tpu.memory_space<vmem>>[vector<16xi32>, vector<16xi32>], vector<16xf32>,
        %gather3A_304 = tpu.vector_load_idx %arg7[%broadcast_in_dim3A_302, %get3A_270] : memref<8x10000xf32, #tpu.memory_space<vmem>>[vector<16xi32>, vector<16xi32>], vector<16xf32>,
        %mul3A_305 = arith.mulf %gather3A_303, %gather3A_304 : vector<16xf32>
        %add3A_306 = arith.addf %add3A_300, %mul3A_305 : vector<16xf32>
        %broadcast_in_dim3A_307 = arith.constant 6 : i32
        %broadcast_in_dim3A_308 = vector.broadcast %broadcast_in_dim3A_307 : i32 to vector<16xi32>
        %gather3A_309 = tpu.vector_load_idx %arg7[%broadcast_in_dim3A_308, %get3A_267] : memref<8x10000xf32, #tpu.memory_space<vmem>>[vector<16xi32>, vector<16xi32>], vector<16xf32>,
        %gather3A_310 = tpu.vector_load_idx %arg7[%broadcast_in_dim3A_308, %get3A_270] : memref<8x10000xf32, #tpu.memory_space<vmem>>[vector<16xi32>, vector<16xi32>], vector<16xf32>,
        %mul3A_311 = arith.mulf %gather3A_309, %gather3A_310 : vector<16xf32>
        %add3A_312 = arith.addf %add3A_306, %mul3A_311 : vector<16xf32>
        %broadcast_in_dim3A_313 = arith.constant 7 : i32
        %broadcast_in_dim3A_314 = vector.broadcast %broadcast_in_dim3A_313 : i32 to vector<16xi32>
        %gather3A_315 = tpu.vector_load_idx %arg7[%broadcast_in_dim3A_314, %get3A_267] : memref<8x10000xf32, #tpu.memory_space<vmem>>[vector<16xi32>, vector<16xi32>], vector<16xf32>,
        %gather3A_316 = tpu.vector_load_idx %arg7[%broadcast_in_dim3A_314, %get3A_270] : memref<8x10000xf32, #tpu.memory_space<vmem>>[vector<16xi32>, vector<16xi32>], vector<16xf32>,
        %mul3A_317 = arith.mulf %gather3A_315, %gather3A_316 : vector<16xf32>
        %add3A_318 = arith.addf %add3A_312, %mul3A_317 : vector<16xf32>
        %swap3A = arith.index_cast %rem3A_194 : i32 to index
        %swap3A_319 = arith.index_cast %mul3A_265 : i32 to index
        %swap3A_320 = tpu.vector_load %arg10[%swap3A, %swap3A_319] {strides = array<i32>} : memref<2x3200xf32, #tpu.memory_space<vmem>>, vector<16xf32>,
        tpu.vector_store %arg10[%swap3A, %swap3A_319], %add3A_318 {strides = array<i32>} : memref<2x3200xf32, #tpu.memory_space<vmem>>, vector<16xf32>,
        %scan3A_321 = arith.constant 1 : i32
        %scan3A_322 = arith.addi %scan3A_259, %scan3A_321 : i32
        %mul3A_323 = arith.constant 1 : i32
        %mul3A_324 = arith.muli %scan3A_322, %mul3A_323 : i32
        %add3A_325 = arith.constant 0 : i32
        %add3A_326 = arith.addi %add3A_325, %mul3A_324 : i32
        %mul3A_327 = arith.constant 16 : i32
        %mul3A_328 = arith.muli %add3A_326, %mul3A_327 : i32
        %get3A_329 = arith.index_cast %rem3A_194 : i32 to index
        %get3A_330 = arith.index_cast %mul3A_328 : i32 to index
        %get3A_331 = tpu.vector_load %arg8[%get3A_329, %get3A_330] {strides = array<i32>} : memref<2x3200xi32, #tpu.memory_space<vmem>>, vector<16xi32>,
        %get3A_332 = arith.index_cast %rem3A_194 : i32 to index
        %get3A_333 = arith.index_cast %mul3A_328 : i32 to index
        %get3A_334 = tpu.vector_load %arg9[%get3A_332, %get3A_333] {strides = array<i32>} : memref<2x3200xi32, #tpu.memory_space<vmem>>, vector<16xi32>,
        %broadcast_in_dim3A_335 = arith.constant 0.000000e+00 : f32
        %broadcast_in_dim3A_336 = vector.broadcast %broadcast_in_dim3A_335 : f32 to vector<16xf32>
        %broadcast_in_dim3A_337 = arith.constant 0 : i32
        %broadcast_in_dim3A_338 = vector.broadcast %broadcast_in_dim3A_337 : i32 to vector<16xi32>
        %gather3A_339 = tpu.vector_load_idx %arg7[%broadcast_in_dim3A_338, %get3A_331] : memref<8x10000xf32, #tpu.memory_space<vmem>>[vector<16xi32>, vector<16xi32>], vector<16xf32>,
        %gather3A_340 = tpu.vector_load_idx %arg7[%broadcast_in_dim3A_338, %get3A_334] : memref<8x10000xf32, #tpu.memory_space<vmem>>[vector<16xi32>, vector<16xi32>], vector<16xf32>,
        %mul3A_341 = arith.mulf %gather3A_339, %gather3A_340 : vector<16xf32>
        %add3A_342 = arith.addf %broadcast_in_dim3A_336, %mul3A_341 : vector<16xf32>
        %broadcast_in_dim3A_343 = arith.constant 1 : i32
        %broadcast_in_dim3A_344 = vector.broadcast %broadcast_in_dim3A_343 : i32 to vector<16xi32>
        %gather3A_345 = tpu.vector_load_idx %arg7[%broadcast_in_dim3A_344, %get3A_331] : memref<8x10000xf32, #tpu.memory_space<vmem>>[vector<16xi32>, vector<16xi32>], vector<16xf32>,
        %gather3A_346 = tpu.vector_load_idx %arg7[%broadcast_in_dim3A_344, %get3A_334] : memref<8x10000xf32, #tpu.memory_space<vmem>>[vector<16xi32>, vector<16xi32>], vector<16xf32>,
        %mul3A_347 = arith.mulf %gather3A_345, %gather3A_346 : vector<16xf32>
        %add3A_348 = arith.addf %add3A_342, %mul3A_347 : vector<16xf32>
        %broadcast_in_dim3A_349 = arith.constant 2 : i32
        %broadcast_in_dim3A_350 = vector.broadcast %broadcast_in_dim3A_349 : i32 to vector<16xi32>
        %gather3A_351 = tpu.vector_load_idx %arg7[%broadcast_in_dim3A_350, %get3A_331] : memref<8x10000xf32, #tpu.memory_space<vmem>>[vector<16xi32>, vector<16xi32>], vector<16xf32>,
        %gather3A_352 = tpu.vector_load_idx %arg7[%broadcast_in_dim3A_350, %get3A_334] : memref<8x10000xf32, #tpu.memory_space<vmem>>[vector<16xi32>, vector<16xi32>], vector<16xf32>,
        %mul3A_353 = arith.mulf %gather3A_351, %gather3A_352 : vector<16xf32>
        %add3A_354 = arith.addf %add3A_348, %mul3A_353 : vector<16xf32>
        %broadcast_in_dim3A_355 = arith.constant 3 : i32
        %broadcast_in_dim3A_356 = vector.broadcast %broadcast_in_dim3A_355 : i32 to vector<16xi32>
        %gather3A_357 = tpu.vector_load_idx %arg7[%broadcast_in_dim3A_356, %get3A_331] : memref<8x10000xf32, #tpu.memory_space<vmem>>[vector<16xi32>, vector<16xi32>], vector<16xf32>,
        %gather3A_358 = tpu.vector_load_idx %arg7[%broadcast_in_dim3A_356, %get3A_334] : memref<8x10000xf32, #tpu.memory_space<vmem>>[vector<16xi32>, vector<16xi32>], vector<16xf32>,
        %mul3A_359 = arith.mulf %gather3A_357, %gather3A_358 : vector<16xf32>
        %add3A_360 = arith.addf %add3A_354, %mul3A_359 : vector<16xf32>
        %broadcast_in_dim3A_361 = arith.constant 4 : i32
        %broadcast_in_dim3A_362 = vector.broadcast %broadcast_in_dim3A_361 : i32 to vector<16xi32>
        %gather3A_363 = tpu.vector_load_idx %arg7[%broadcast_in_dim3A_362, %get3A_331] : memref<8x10000xf32, #tpu.memory_space<vmem>>[vector<16xi32>, vector<16xi32>], vector<16xf32>,
        %gather3A_364 = tpu.vector_load_idx %arg7[%broadcast_in_dim3A_362, %get3A_334] : memref<8x10000xf32, #tpu.memory_space<vmem>>[vector<16xi32>, vector<16xi32>], vector<16xf32>,
        %mul3A_365 = arith.mulf %gather3A_363, %gather3A_364 : vector<16xf32>
        %add3A_366 = arith.addf %add3A_360, %mul3A_365 : vector<16xf32>
        %broadcast_in_dim3A_367 = arith.constant 5 : i32
        %broadcast_in_dim3A_368 = vector.broadcast %broadcast_in_dim3A_367 : i32 to vector<16xi32>
        %gather3A_369 = tpu.vector_load_idx %arg7[%broadcast_in_dim3A_368, %get3A_331] : memref<8x10000xf32, #tpu.memory_space<vmem>>[vector<16xi32>, vector<16xi32>], vector<16xf32>,
        %gather3A_370 = tpu.vector_load_idx %arg7[%broadcast_in_dim3A_368, %get3A_334] : memref<8x10000xf32, #tpu.memory_space<vmem>>[vector<16xi32>, vector<16xi32>], vector<16xf32>,
        %mul3A_371 = arith.mulf %gather3A_369, %gather3A_370 : vector<16xf32>
        %add3A_372 = arith.addf %add3A_366, %mul3A_371 : vector<16xf32>
        %broadcast_in_dim3A_373 = arith.constant 6 : i32
        %broadcast_in_dim3A_374 = vector.broadcast %broadcast_in_dim3A_373 : i32 to vector<16xi32>
        %gather3A_375 = tpu.vector_load_idx %arg7[%broadcast_in_dim3A_374, %get3A_331] : memref<8x10000xf32, #tpu.memory_space<vmem>>[vector<16xi32>, vector<16xi32>], vector<16xf32>,
        %gather3A_376 = tpu.vector_load_idx %arg7[%broadcast_in_dim3A_374, %get3A_334] : memref<8x10000xf32, #tpu.memory_space<vmem>>[vector<16xi32>, vector<16xi32>], vector<16xf32>,
        %mul3A_377 = arith.mulf %gather3A_375, %gather3A_376 : vector<16xf32>
        %add3A_378 = arith.addf %add3A_372, %mul3A_377 : vector<16xf32>
        %broadcast_in_dim3A_379 = arith.constant 7 : i32
        %broadcast_in_dim3A_380 = vector.broadcast %broadcast_in_dim3A_379 : i32 to vector<16xi32>
        %gather3A_381 = tpu.vector_load_idx %arg7[%broadcast_in_dim3A_380, %get3A_331] : memref<8x10000xf32, #tpu.memory_space<vmem>>[vector<16xi32>, vector<16xi32>], vector<16xf32>,
        %gather3A_382 = tpu.vector_load_idx %arg7[%broadcast_in_dim3A_380, %get3A_334] : memref<8x10000xf32, #tpu.memory_space<vmem>>[vector<16xi32>, vector<16xi32>], vector<16xf32>,
        %mul3A_383 = arith.mulf %gather3A_381, %gather3A_382 : vector<16xf32>
        %add3A_384 = arith.addf %add3A_378, %mul3A_383 : vector<16xf32>
        %swap3A_385 = arith.index_cast %rem3A_194 : i32 to index
        %swap3A_386 = arith.index_cast %mul3A_328 : i32 to index
        %swap3A_387 = tpu.vector_load %arg10[%swap3A_385, %swap3A_386] {strides = array<i32>} : memref<2x3200xf32, #tpu.memory_space<vmem>>, vector<16xf32>,
        tpu.vector_store %arg10[%swap3A_385, %swap3A_386], %add3A_384 {strides = array<i32>} : memref<2x3200xf32, #tpu.memory_space<vmem>>, vector<16xf32>,
        %scan3A_388 = arith.constant 2 : i32
        %scan3A_389 = arith.addi %scan3A_259, %scan3A_388 : i32
        %mul3A_390 = arith.constant 1 : i32
        %mul3A_391 = arith.muli %scan3A_389, %mul3A_390 : i32
        %add3A_392 = arith.constant 0 : i32
        %add3A_393 = arith.addi %add3A_392, %mul3A_391 : i32
        %mul3A_394 = arith.constant 16 : i32
        %mul3A_395 = arith.muli %add3A_393, %mul3A_394 : i32
        %get3A_396 = arith.index_cast %rem3A_194 : i32 to index
        %get3A_397 = arith.index_cast %mul3A_395 : i32 to index
        %get3A_398 = tpu.vector_load %arg8[%get3A_396, %get3A_397] {strides = array<i32>} : memref<2x3200xi32, #tpu.memory_space<vmem>>, vector<16xi32>,
        %get3A_399 = arith.index_cast %rem3A_194 : i32 to index
        %get3A_400 = arith.index_cast %mul3A_395 : i32 to index
        %get3A_401 = tpu.vector_load %arg9[%get3A_399, %get3A_400] {strides = array<i32>} : memref<2x3200xi32, #tpu.memory_space<vmem>>, vector<16xi32>,
        %broadcast_in_dim3A_402 = arith.constant 0.000000e+00 : f32
        %broadcast_in_dim3A_403 = vector.broadcast %broadcast_in_dim3A_402 : f32 to vector<16xf32>
        %broadcast_in_dim3A_404 = arith.constant 0 : i32
        %broadcast_in_dim3A_405 = vector.broadcast %broadcast_in_dim3A_404 : i32 to vector<16xi32>
        %gather3A_406 = tpu.vector_load_idx %arg7[%broadcast_in_dim3A_405, %get3A_398] : memref<8x10000xf32, #tpu.memory_space<vmem>>[vector<16xi32>, vector<16xi32>], vector<16xf32>,
        %gather3A_407 = tpu.vector_load_idx %arg7[%broadcast_in_dim3A_405, %get3A_401] : memref<8x10000xf32, #tpu.memory_space<vmem>>[vector<16xi32>, vector<16xi32>], vector<16xf32>,
        %mul3A_408 = arith.mulf %gather3A_406, %gather3A_407 : vector<16xf32>
        %add3A_409 = arith.addf %broadcast_in_dim3A_403, %mul3A_408 : vector<16xf32>
        %broadcast_in_dim3A_410 = arith.constant 1 : i32
        %broadcast_in_dim3A_411 = vector.broadcast %broadcast_in_dim3A_410 : i32 to vector<16xi32>
        %gather3A_412 = tpu.vector_load_idx %arg7[%broadcast_in_dim3A_411, %get3A_398] : memref<8x10000xf32, #tpu.memory_space<vmem>>[vector<16xi32>, vector<16xi32>], vector<16xf32>,
        %gather3A_413 = tpu.vector_load_idx %arg7[%broadcast_in_dim3A_411, %get3A_401] : memref<8x10000xf32, #tpu.memory_space<vmem>>[vector<16xi32>, vector<16xi32>], vector<16xf32>,
        %mul3A_414 = arith.mulf %gather3A_412, %gather3A_413 : vector<16xf32>
        %add3A_415 = arith.addf %add3A_409, %mul3A_414 : vector<16xf32>
        %broadcast_in_dim3A_416 = arith.constant 2 : i32
        %broadcast_in_dim3A_417 = vector.broadcast %broadcast_in_dim3A_416 : i32 to vector<16xi32>
        %gather3A_418 = tpu.vector_load_idx %arg7[%broadcast_in_dim3A_417, %get3A_398] : memref<8x10000xf32, #tpu.memory_space<vmem>>[vector<16xi32>, vector<16xi32>], vector<16xf32>,
        %gather3A_419 = tpu.vector_load_idx %arg7[%broadcast_in_dim3A_417, %get3A_401] : memref<8x10000xf32, #tpu.memory_space<vmem>>[vector<16xi32>, vector<16xi32>], vector<16xf32>,
        %mul3A_420 = arith.mulf %gather3A_418, %gather3A_419 : vector<16xf32>
        %add3A_421 = arith.addf %add3A_415, %mul3A_420 : vector<16xf32>
        %broadcast_in_dim3A_422 = arith.constant 3 : i32
        %broadcast_in_dim3A_423 = vector.broadcast %broadcast_in_dim3A_422 : i32 to vector<16xi32>
        %gather3A_424 = tpu.vector_load_idx %arg7[%broadcast_in_dim3A_423, %get3A_398] : memref<8x10000xf32, #tpu.memory_space<vmem>>[vector<16xi32>, vector<16xi32>], vector<16xf32>,
        %gather3A_425 = tpu.vector_load_idx %arg7[%broadcast_in_dim3A_423, %get3A_401] : memref<8x10000xf32, #tpu.memory_space<vmem>>[vector<16xi32>, vector<16xi32>], vector<16xf32>,
        %mul3A_426 = arith.mulf %gather3A_424, %gather3A_425 : vector<16xf32>
        %add3A_427 = arith.addf %add3A_421, %mul3A_426 : vector<16xf32>
        %broadcast_in_dim3A_428 = arith.constant 4 : i32
        %broadcast_in_dim3A_429 = vector.broadcast %broadcast_in_dim3A_428 : i32 to vector<16xi32>
        %gather3A_430 = tpu.vector_load_idx %arg7[%broadcast_in_dim3A_429, %get3A_398] : memref<8x10000xf32, #tpu.memory_space<vmem>>[vector<16xi32>, vector<16xi32>], vector<16xf32>,
        %gather3A_431 = tpu.vector_load_idx %arg7[%broadcast_in_dim3A_429, %get3A_401] : memref<8x10000xf32, #tpu.memory_space<vmem>>[vector<16xi32>, vector<16xi32>], vector<16xf32>,
        %mul3A_432 = arith.mulf %gather3A_430, %gather3A_431 : vector<16xf32>
        %add3A_433 = arith.addf %add3A_427, %mul3A_432 : vector<16xf32>
        %broadcast_in_dim3A_434 = arith.constant 5 : i32
        %broadcast_in_dim3A_435 = vector.broadcast %broadcast_in_dim3A_434 : i32 to vector<16xi32>
        %gather3A_436 = tpu.vector_load_idx %arg7[%broadcast_in_dim3A_435, %get3A_398] : memref<8x10000xf32, #tpu.memory_space<vmem>>[vector<16xi32>, vector<16xi32>], vector<16xf32>,
        %gather3A_437 = tpu.vector_load_idx %arg7[%broadcast_in_dim3A_435, %get3A_401] : memref<8x10000xf32, #tpu.memory_space<vmem>>[vector<16xi32>, vector<16xi32>], vector<16xf32>,
        %mul3A_438 = arith.mulf %gather3A_436, %gather3A_437 : vector<16xf32>
        %add3A_439 = arith.addf %add3A_433, %mul3A_438 : vector<16xf32>
        %broadcast_in_dim3A_440 = arith.constant 6 : i32
        %broadcast_in_dim3A_441 = vector.broadcast %broadcast_in_dim3A_440 : i32 to vector<16xi32>
        %gather3A_442 = tpu.vector_load_idx %arg7[%broadcast_in_dim3A_441, %get3A_398] : memref<8x10000xf32, #tpu.memory_space<vmem>>[vector<16xi32>, vector<16xi32>], vector<16xf32>,
        %gather3A_443 = tpu.vector_load_idx %arg7[%broadcast_in_dim3A_441, %get3A_401] : memref<8x10000xf32, #tpu.memory_space<vmem>>[vector<16xi32>, vector<16xi32>], vector<16xf32>,
        %mul3A_444 = arith.mulf %gather3A_442, %gather3A_443 : vector<16xf32>
        %add3A_445 = arith.addf %add3A_439, %mul3A_444 : vector<16xf32>
        %broadcast_in_dim3A_446 = arith.constant 7 : i32
        %broadcast_in_dim3A_447 = vector.broadcast %broadcast_in_dim3A_446 : i32 to vector<16xi32>
        %gather3A_448 = tpu.vector_load_idx %arg7[%broadcast_in_dim3A_447, %get3A_398] : memref<8x10000xf32, #tpu.memory_space<vmem>>[vector<16xi32>, vector<16xi32>], vector<16xf32>,
        %gather3A_449 = tpu.vector_load_idx %arg7[%broadcast_in_dim3A_447, %get3A_401] : memref<8x10000xf32, #tpu.memory_space<vmem>>[vector<16xi32>, vector<16xi32>], vector<16xf32>,
        %mul3A_450 = arith.mulf %gather3A_448, %gather3A_449 : vector<16xf32>
        %add3A_451 = arith.addf %add3A_445, %mul3A_450 : vector<16xf32>
        %swap3A_452 = arith.index_cast %rem3A_194 : i32 to index
        %swap3A_453 = arith.index_cast %mul3A_395 : i32 to index
        %swap3A_454 = tpu.vector_load %arg10[%swap3A_452, %swap3A_453] {strides = array<i32>} : memref<2x3200xf32, #tpu.memory_space<vmem>>, vector<16xf32>,
        tpu.vector_store %arg10[%swap3A_452, %swap3A_453], %add3A_451 {strides = array<i32>} : memref<2x3200xf32, #tpu.memory_space<vmem>>, vector<16xf32>,
        %scan3A_455 = arith.constant 3 : i32
        %scan3A_456 = arith.addi %scan3A_259, %scan3A_455 : i32
        %mul3A_457 = arith.constant 1 : i32
        %mul3A_458 = arith.muli %scan3A_456, %mul3A_457 : i32
        %add3A_459 = arith.constant 0 : i32
        %add3A_460 = arith.addi %add3A_459, %mul3A_458 : i32
        %mul3A_461 = arith.constant 16 : i32
        %mul3A_462 = arith.muli %add3A_460, %mul3A_461 : i32
        %get3A_463 = arith.index_cast %rem3A_194 : i32 to index
        %get3A_464 = arith.index_cast %mul3A_462 : i32 to index
        %get3A_465 = tpu.vector_load %arg8[%get3A_463, %get3A_464] {strides = array<i32>} : memref<2x3200xi32, #tpu.memory_space<vmem>>, vector<16xi32>,
        %get3A_466 = arith.index_cast %rem3A_194 : i32 to index
        %get3A_467 = arith.index_cast %mul3A_462 : i32 to index
        %get3A_468 = tpu.vector_load %arg9[%get3A_466, %get3A_467] {strides = array<i32>} : memref<2x3200xi32, #tpu.memory_space<vmem>>, vector<16xi32>,
        %broadcast_in_dim3A_469 = arith.constant 0.000000e+00 : f32
        %broadcast_in_dim3A_470 = vector.broadcast %broadcast_in_dim3A_469 : f32 to vector<16xf32>
        %broadcast_in_dim3A_471 = arith.constant 0 : i32
        %broadcast_in_dim3A_472 = vector.broadcast %broadcast_in_dim3A_471 : i32 to vector<16xi32>
        %gather3A_473 = tpu.vector_load_idx %arg7[%broadcast_in_dim3A_472, %get3A_465] : memref<8x10000xf32, #tpu.memory_space<vmem>>[vector<16xi32>, vector<16xi32>], vector<16xf32>,
        %gather3A_474 = tpu.vector_load_idx %arg7[%broadcast_in_dim3A_472, %get3A_468] : memref<8x10000xf32, #tpu.memory_space<vmem>>[vector<16xi32>, vector<16xi32>], vector<16xf32>,
        %mul3A_475 = arith.mulf %gather3A_473, %gather3A_474 : vector<16xf32>
        %add3A_476 = arith.addf %broadcast_in_dim3A_470, %mul3A_475 : vector<16xf32>
        %broadcast_in_dim3A_477 = arith.constant 1 : i32
        %broadcast_in_dim3A_478 = vector.broadcast %broadcast_in_dim3A_477 : i32 to vector<16xi32>
        %gather3A_479 = tpu.vector_load_idx %arg7[%broadcast_in_dim3A_478, %get3A_465] : memref<8x10000xf32, #tpu.memory_space<vmem>>[vector<16xi32>, vector<16xi32>], vector<16xf32>,
        %gather3A_480 = tpu.vector_load_idx %arg7[%broadcast_in_dim3A_478, %get3A_468] : memref<8x10000xf32, #tpu.memory_space<vmem>>[vector<16xi32>, vector<16xi32>], vector<16xf32>,
        %mul3A_481 = arith.mulf %gather3A_479, %gather3A_480 : vector<16xf32>
        %add3A_482 = arith.addf %add3A_476, %mul3A_481 : vector<16xf32>
        %broadcast_in_dim3A_483 = arith.constant 2 : i32
        %broadcast_in_dim3A_484 = vector.broadcast %broadcast_in_dim3A_483 : i32 to vector<16xi32>
        %gather3A_485 = tpu.vector_load_idx %arg7[%broadcast_in_dim3A_484, %get3A_465] : memref<8x10000xf32, #tpu.memory_space<vmem>>[vector<16xi32>, vector<16xi32>], vector<16xf32>,
        %gather3A_486 = tpu.vector_load_idx %arg7[%broadcast_in_dim3A_484, %get3A_468] : memref<8x10000xf32, #tpu.memory_space<vmem>>[vector<16xi32>, vector<16xi32>], vector<16xf32>,
        %mul3A_487 = arith.mulf %gather3A_485, %gather3A_486 : vector<16xf32>
        %add3A_488 = arith.addf %add3A_482, %mul3A_487 : vector<16xf32>
        %broadcast_in_dim3A_489 = arith.constant 3 : i32
        %broadcast_in_dim3A_490 = vector.broadcast %broadcast_in_dim3A_489 : i32 to vector<16xi32>
        %gather3A_491 = tpu.vector_load_idx %arg7[%broadcast_in_dim3A_490, %get3A_465] : memref<8x10000xf32, #tpu.memory_space<vmem>>[vector<16xi32>, vector<16xi32>], vector<16xf32>,
        %gather3A_492 = tpu.vector_load_idx %arg7[%broadcast_in_dim3A_490, %get3A_468] : memref<8x10000xf32, #tpu.memory_space<vmem>>[vector<16xi32>, vector<16xi32>], vector<16xf32>,
        %mul3A_493 = arith.mulf %gather3A_491, %gather3A_492 : vector<16xf32>
        %add3A_494 = arith.addf %add3A_488, %mul3A_493 : vector<16xf32>
        %broadcast_in_dim3A_495 = arith.constant 4 : i32
        %broadcast_in_dim3A_496 = vector.broadcast %broadcast_in_dim3A_495 : i32 to vector<16xi32>
        %gather3A_497 = tpu.vector_load_idx %arg7[%broadcast_in_dim3A_496, %get3A_465] : memref<8x10000xf32, #tpu.memory_space<vmem>>[vector<16xi32>, vector<16xi32>], vector<16xf32>,
        %gather3A_498 = tpu.vector_load_idx %arg7[%broadcast_in_dim3A_496, %get3A_468] : memref<8x10000xf32, #tpu.memory_space<vmem>>[vector<16xi32>, vector<16xi32>], vector<16xf32>,
        %mul3A_499 = arith.mulf %gather3A_497, %gather3A_498 : vector<16xf32>
        %add3A_500 = arith.addf %add3A_494, %mul3A_499 : vector<16xf32>
        %broadcast_in_dim3A_501 = arith.constant 5 : i32
        %broadcast_in_dim3A_502 = vector.broadcast %broadcast_in_dim3A_501 : i32 to vector<16xi32>
        %gather3A_503 = tpu.vector_load_idx %arg7[%broadcast_in_dim3A_502, %get3A_465] : memref<8x10000xf32, #tpu.memory_space<vmem>>[vector<16xi32>, vector<16xi32>], vector<16xf32>,
        %gather3A_504 = tpu.vector_load_idx %arg7[%broadcast_in_dim3A_502, %get3A_468] : memref<8x10000xf32, #tpu.memory_space<vmem>>[vector<16xi32>, vector<16xi32>], vector<16xf32>,
        %mul3A_505 = arith.mulf %gather3A_503, %gather3A_504 : vector<16xf32>
        %add3A_506 = arith.addf %add3A_500, %mul3A_505 : vector<16xf32>
        %broadcast_in_dim3A_507 = arith.constant 6 : i32
        %broadcast_in_dim3A_508 = vector.broadcast %broadcast_in_dim3A_507 : i32 to vector<16xi32>
        %gather3A_509 = tpu.vector_load_idx %arg7[%broadcast_in_dim3A_508, %get3A_465] : memref<8x10000xf32, #tpu.memory_space<vmem>>[vector<16xi32>, vector<16xi32>], vector<16xf32>,
        %gather3A_510 = tpu.vector_load_idx %arg7[%broadcast_in_dim3A_508, %get3A_468] : memref<8x10000xf32, #tpu.memory_space<vmem>>[vector<16xi32>, vector<16xi32>], vector<16xf32>,
        %mul3A_511 = arith.mulf %gather3A_509, %gather3A_510 : vector<16xf32>
        %add3A_512 = arith.addf %add3A_506, %mul3A_511 : vector<16xf32>
        %broadcast_in_dim3A_513 = arith.constant 7 : i32
        %broadcast_in_dim3A_514 = vector.broadcast %broadcast_in_dim3A_513 : i32 to vector<16xi32>
        %gather3A_515 = tpu.vector_load_idx %arg7[%broadcast_in_dim3A_514, %get3A_465] : memref<8x10000xf32, #tpu.memory_space<vmem>>[vector<16xi32>, vector<16xi32>], vector<16xf32>,
        %gather3A_516 = tpu.vector_load_idx %arg7[%broadcast_in_dim3A_514, %get3A_468] : memref<8x10000xf32, #tpu.memory_space<vmem>>[vector<16xi32>, vector<16xi32>], vector<16xf32>,
        %mul3A_517 = arith.mulf %gather3A_515, %gather3A_516 : vector<16xf32>
        %add3A_518 = arith.addf %add3A_512, %mul3A_517 : vector<16xf32>
        %swap3A_519 = arith.index_cast %rem3A_194 : i32 to index
        %swap3A_520 = arith.index_cast %mul3A_462 : i32 to index
        %swap3A_521 = tpu.vector_load %arg10[%swap3A_519, %swap3A_520] {strides = array<i32>} : memref<2x3200xf32, #tpu.memory_space<vmem>>, vector<16xf32>,
        tpu.vector_store %arg10[%swap3A_519, %swap3A_520], %add3A_518 {strides = array<i32>} : memref<2x3200xf32, #tpu.memory_space<vmem>>, vector<16xf32>,
      }
      %scan3A_234 = arith.constant 200 : i32
      %mul3A_235 = arith.constant 80000 : i32
      %mul3A_236 = arith.muli %select_n3A_54, %mul3A_235 : i32
      %mul3A_237 = arith.constant 2 : i32
      %mul3A_238 = arith.muli %mul3A_237, %add3A_192 : i32
      %add3A_239 = arith.addi %select_n3A_70, %mul3A_238 : i32
      %mul3A_240 = arith.constant 3200 : i32
      %mul3A_241 = arith.muli %add3A_239, %mul3A_240 : i32
      %add3A_242 = arith.addi %mul3A_236, %mul3A_241 : i32
      %dma_start3A_243 = arith.constant 0 : i32
      %dma_start3A_244 = tpu.memref_slice %arg10[%rem3A_194, %dma_start3A_243] : memref<2x3200xf32, #tpu.memory_space<vmem>> -> memref<1x3200xf32, #tpu.memory_space<vmem>>
      %dma_start3A_245 = tpu.memref_squeeze %dma_start3A_244 : memref<1x3200xf32, #tpu.memory_space<vmem>> -> memref<3200xf32, #tpu.memory_space<vmem>>
      %dma_start3A_246 = arith.constant 0 : i32
      %dma_start3A_247 = tpu.memref_slice %arg5[%select_n3A_7, %dma_start3A_246] : memref<4x320000xf32, #tpu.memory_space<hbm>> -> memref<1x320000xf32, #tpu.memory_space<hbm>>
      %dma_start3A_248 = tpu.memref_squeeze %dma_start3A_247 : memref<1x320000xf32, #tpu.memory_space<hbm>> -> memref<320000xf32, #tpu.memory_space<hbm>>
      %dma_start3A_249 = tpu.memref_slice %dma_start3A_248[%add3A_242] : memref<320000xf32, #tpu.memory_space<hbm>> -> memref<3200xf32, #tpu.memory_space<hbm>>
      %dma_start3A_250 = tpu.memref_slice %arg14[%rem3A_194] : memref<2x!tpu.dma_semaphore, #tpu.memory_space<semaphore_mem>> -> memref<1x!tpu.dma_semaphore, #tpu.memory_space<semaphore_mem>>
      %dma_start3A_251 = tpu.memref_squeeze %dma_start3A_250 : memref<1x!tpu.dma_semaphore, #tpu.memory_space<semaphore_mem>> -> memref<!tpu.dma_semaphore, #tpu.memory_space<semaphore_mem>>
      %dma_start3A_252 = arith.constant 0 : i32
      %dma_start3A_253 = tpu.memref_slice %arg5[%select_n3A_7, %dma_start3A_252] : memref<4x320000xf32, #tpu.memory_space<hbm>> -> memref<1x320000xf32, #tpu.memory_space<hbm>>
      %dma_start3A_254 = tpu.memref_squeeze %dma_start3A_253 : memref<1x320000xf32, #tpu.memory_space<hbm>> -> memref<320000xf32, #tpu.memory_space<hbm>>
      %dma_start3A_255 = tpu.memref_slice %dma_start3A_254[%add3A_242] : memref<320000xf32, #tpu.memory_space<hbm>> -> memref<3200xf32, #tpu.memory_space<hbm>>
      %dma_start3A_256 = arith.constant 0 : i32
      %dma_start3A_257 = tpu.memref_slice %arg10[%rem3A_194, %dma_start3A_256] : memref<2x3200xf32, #tpu.memory_space<vmem>> -> memref<1x3200xf32, #tpu.memory_space<vmem>>
      %dma_start3A_258 = tpu.memref_squeeze %dma_start3A_257 : memref<1x3200xf32, #tpu.memory_space<vmem>> -> memref<3200xf32, #tpu.memory_space<vmem>>
      tpu.enqueue_dma source(%dma_start3A_258 : memref<3200xf32, #tpu.memory_space<vmem>>) target(%dma_start3A_255 : memref<3200xf32, #tpu.memory_space<hbm>>) target_semaphore(%dma_start3A_251 : memref<!tpu.dma_semaphore, #tpu.memory_space<semaphore_mem>>)
    }
    %while3A_122 = arith.constant 1 : i32
    scf.for %while3A_190 = %while3A_120 to %while3A_116 step %while3A_122  : i32 {
      %mul3A_191 = arith.muli %while3A_190, %while3A : i32
      %add3A_192 = arith.addi %while3A_113, %mul3A_191 : i32
      %rem3A_193 = arith.constant 2 : i32
      %rem3A_194 = arith.remsi %add3A_192, %rem3A_193 : i32
      %mul3A_195 = arith.constant 80000 : i32
      %mul3A_196 = arith.muli %select_n3A_54, %mul3A_195 : i32
      %mul3A_197 = arith.constant 2 : i32
      %mul3A_198 = arith.muli %mul3A_197, %add3A_192 : i32
      %add3A_199 = arith.addi %select_n3A_70, %mul3A_198 : i32
      %mul3A_200 = arith.constant 3200 : i32
      %mul3A_201 = arith.muli %add3A_199, %mul3A_200 : i32
      %add3A_202 = arith.addi %mul3A_196, %mul3A_201 : i32
      %dma_wait3A_203 = arith.constant 0 : i32
      %dma_wait3A_204 = tpu.memref_slice %arg8[%rem3A_194, %dma_wait3A_203] : memref<2x3200xi32, #tpu.memory_space<vmem>> -> memref<1x3200xi32, #tpu.memory_space<vmem>>
      %dma_wait3A_205 = tpu.memref_squeeze %dma_wait3A_204 : memref<1x3200xi32, #tpu.memory_space<vmem>> -> memref<3200xi32, #tpu.memory_space<vmem>>
      %dma_wait3A_206 = tpu.memref_slice %arg3[%add3A_202] : memref<320000xi32, #tpu.memory_space<hbm>> -> memref<3200xi32, #tpu.memory_space<hbm>>
      %dma_wait3A_207 = tpu.memref_slice %arg12[%rem3A_194] : memref<2x!tpu.dma_semaphore, #tpu.memory_space<semaphore_mem>> -> memref<1x!tpu.dma_semaphore, #tpu.memory_space<semaphore_mem>>
      %dma_wait3A_208 = tpu.memref_squeeze %dma_wait3A_207 : memref<1x!tpu.dma_semaphore, #tpu.memory_space<semaphore_mem>> -> memref<!tpu.dma_semaphore, #tpu.memory_space<semaphore_mem>>
      %dma_wait3A_209 = arith.constant 0 : i32
      %dma_wait3A_210 = tpu.memref_slice %arg8[%rem3A_194, %dma_wait3A_209] : memref<2x3200xi32, #tpu.memory_space<vmem>> -> memref<1x3200xi32, #tpu.memory_space<vmem>>
      %dma_wait3A_211 = tpu.memref_squeeze %dma_wait3A_210 : memref<1x3200xi32, #tpu.memory_space<vmem>> -> memref<3200xi32, #tpu.memory_space<vmem>>
      %dma_wait3A_212 = tpu.memref_slice %arg3[%add3A_202] : memref<320000xi32, #tpu.memory_space<hbm>> -> memref<3200xi32, #tpu.memory_space<hbm>>
      tpu.wait_dma2 semaphore(%dma_wait3A_208 : memref<!tpu.dma_semaphore, #tpu.memory_space<semaphore_mem>>) src(%dma_wait3A_212 : memref<3200xi32, #tpu.memory_space<hbm>>) dst(%dma_wait3A_211 : memref<3200xi32, #tpu.memory_space<vmem>>)
      %dma_wait3A_213 = arith.constant 0 : i32
      %dma_wait3A_214 = tpu.memref_slice %arg9[%rem3A_194, %dma_wait3A_213] : memref<2x3200xi32, #tpu.memory_space<vmem>> -> memref<1x3200xi32, #tpu.memory_space<vmem>>
      %dma_wait3A_215 = tpu.memref_squeeze %dma_wait3A_214 : memref<1x3200xi32, #tpu.memory_space<vmem>> -> memref<3200xi32, #tpu.memory_space<vmem>>
      %dma_wait3A_216 = tpu.memref_slice %arg4[%add3A_202] : memref<320000xi32, #tpu.memory_space<hbm>> -> memref<3200xi32, #tpu.memory_space<hbm>>
      %dma_wait3A_217 = tpu.memref_slice %arg13[%rem3A_194] : memref<2x!tpu.dma_semaphore, #tpu.memory_space<semaphore_mem>> -> memref<1x!tpu.dma_semaphore, #tpu.memory_space<semaphore_mem>>
      %dma_wait3A_218 = tpu.memref_squeeze %dma_wait3A_217 : memref<1x!tpu.dma_semaphore, #tpu.memory_space<semaphore_mem>> -> memref<!tpu.dma_semaphore, #tpu.memory_space<semaphore_mem>>
      %dma_wait3A_219 = arith.constant 0 : i32
      %dma_wait3A_220 = tpu.memref_slice %arg9[%rem3A_194, %dma_wait3A_219] : memref<2x3200xi32, #tpu.memory_space<vmem>> -> memref<1x3200xi32, #tpu.memory_space<vmem>>
      %dma_wait3A_221 = tpu.memref_squeeze %dma_wait3A_220 : memref<1x3200xi32, #tpu.memory_space<vmem>> -> memref<3200xi32, #tpu.memory_space<vmem>>
      %dma_wait3A_222 = tpu.memref_slice %arg4[%add3A_202] : memref<320000xi32, #tpu.memory_space<hbm>> -> memref<3200xi32, #tpu.memory_space<hbm>>
      tpu.wait_dma2 semaphore(%dma_wait3A_218 : memref<!tpu.dma_semaphore, #tpu.memory_space<semaphore_mem>>) src(%dma_wait3A_222 : memref<3200xi32, #tpu.memory_space<hbm>>) dst(%dma_wait3A_221 : memref<3200xi32, #tpu.memory_space<vmem>>)
      %add3A_223 = arith.constant 1 : i32
      %add3A_224 = arith.addi %add3A_192, %add3A_223 : i32
      %lt3A_225 = arith.cmpi slt, %add3A_224, %sub3A_72 : i32
      %convert_element_type3A = arith.extui %lt3A_225 : i1 to i32
      %cond3A = arith.constant 0 : i32
      %cond3A_226 = arith.cmpi ne, %convert_element_type3A, %cond3A : i32
      scf.if %cond3A_226 {
        %add3A_259 = arith.constant 1 : i32
        %add3A_260 = arith.addi %add3A_192, %add3A_259 : i32
        %sub3A_261 = arith.constant 1 : i32
        %sub3A_262 = arith.subi %sub3A_261, %rem3A_194 : i32
        %mul3A_263 = arith.constant 80000 : i32
        %mul3A_264 = arith.muli %select_n3A_54, %mul3A_263 : i32
        %mul3A_265 = arith.constant 2 : i32
        %mul3A_266 = arith.muli %mul3A_265, %add3A_260 : i32
        %add3A_267 = arith.addi %select_n3A_70, %mul3A_266 : i32
        %mul3A_268 = arith.constant 3200 : i32
        %mul3A_269 = arith.muli %add3A_267, %mul3A_268 : i32
        %add3A_270 = arith.addi %mul3A_264, %mul3A_269 : i32
        %dma_start3A_271 = arith.constant 0 : i32
        %dma_start3A_272 = tpu.memref_slice %arg8[%sub3A_262, %dma_start3A_271] : memref<2x3200xi32, #tpu.memory_space<vmem>> -> memref<1x3200xi32, #tpu.memory_space<vmem>>
        %dma_start3A_273 = tpu.memref_squeeze %dma_start3A_272 : memref<1x3200xi32, #tpu.memory_space<vmem>> -> memref<3200xi32, #tpu.memory_space<vmem>>
        %dma_start3A_274 = tpu.memref_slice %arg3[%add3A_270] : memref<320000xi32, #tpu.memory_space<hbm>> -> memref<3200xi32, #tpu.memory_space<hbm>>
        %dma_start3A_275 = tpu.memref_slice %arg12[%sub3A_262] : memref<2x!tpu.dma_semaphore, #tpu.memory_space<semaphore_mem>> -> memref<1x!tpu.dma_semaphore, #tpu.memory_space<semaphore_mem>>
        %dma_start3A_276 = tpu.memref_squeeze %dma_start3A_275 : memref<1x!tpu.dma_semaphore, #tpu.memory_space<semaphore_mem>> -> memref<!tpu.dma_semaphore, #tpu.memory_space<semaphore_mem>>
        %dma_start3A_277 = arith.constant 0 : i32
        %dma_start3A_278 = tpu.memref_slice %arg8[%sub3A_262, %dma_start3A_277] : memref<2x3200xi32, #tpu.memory_space<vmem>> -> memref<1x3200xi32, #tpu.memory_space<vmem>>
        %dma_start3A_279 = tpu.memref_squeeze %dma_start3A_278 : memref<1x3200xi32, #tpu.memory_space<vmem>> -> memref<3200xi32, #tpu.memory_space<vmem>>
        %dma_start3A_280 = tpu.memref_slice %arg3[%add3A_270] : memref<320000xi32, #tpu.memory_space<hbm>> -> memref<3200xi32, #tpu.memory_space<hbm>>
        tpu.enqueue_dma source(%dma_start3A_280 : memref<3200xi32, #tpu.memory_space<hbm>>) target(%dma_start3A_279 : memref<3200xi32, #tpu.memory_space<vmem>>) target_semaphore(%dma_start3A_276 : memref<!tpu.dma_semaphore, #tpu.memory_space<semaphore_mem>>)
        %dma_start3A_281 = arith.constant 0 : i32
        %dma_start3A_282 = tpu.memref_slice %arg9[%sub3A_262, %dma_start3A_281] : memref<2x3200xi32, #tpu.memory_space<vmem>> -> memref<1x3200xi32, #tpu.memory_space<vmem>>
        %dma_start3A_283 = tpu.memref_squeeze %dma_start3A_282 : memref<1x3200xi32, #tpu.memory_space<vmem>> -> memref<3200xi32, #tpu.memory_space<vmem>>
        %dma_start3A_284 = tpu.memref_slice %arg4[%add3A_270] : memref<320000xi32, #tpu.memory_space<hbm>> -> memref<3200xi32, #tpu.memory_space<hbm>>
        %dma_start3A_285 = tpu.memref_slice %arg13[%sub3A_262] : memref<2x!tpu.dma_semaphore, #tpu.memory_space<semaphore_mem>> -> memref<1x!tpu.dma_semaphore, #tpu.memory_space<semaphore_mem>>
        %dma_start3A_286 = tpu.memref_squeeze %dma_start3A_285 : memref<1x!tpu.dma_semaphore, #tpu.memory_space<semaphore_mem>> -> memref<!tpu.dma_semaphore, #tpu.memory_space<semaphore_mem>>
        %dma_start3A_287 = arith.constant 0 : i32
        %dma_start3A_288 = tpu.memref_slice %arg9[%sub3A_262, %dma_start3A_287] : memref<2x3200xi32, #tpu.memory_space<vmem>> -> memref<1x3200xi32, #tpu.memory_space<vmem>>
        %dma_start3A_289 = tpu.memref_squeeze %dma_start3A_288 : memref<1x3200xi32, #tpu.memory_space<vmem>> -> memref<3200xi32, #tpu.memory_space<vmem>>
        %dma_start3A_290 = tpu.memref_slice %arg4[%add3A_270] : memref<320000xi32, #tpu.memory_space<hbm>> -> memref<3200xi32, #tpu.memory_space<hbm>>
        tpu.enqueue_dma source(%dma_start3A_290 : memref<3200xi32, #tpu.memory_space<hbm>>) target(%dma_start3A_289 : memref<3200xi32, #tpu.memory_space<vmem>>) target_semaphore(%dma_start3A_286 : memref<!tpu.dma_semaphore, #tpu.memory_space<semaphore_mem>>)
      } else {
      }
      %ge3A = arith.constant 2 : i32
      %ge3A_227 = arith.cmpi sge, %add3A_192, %ge3A : i32
      %convert_element_type3A_228 = arith.extui %ge3A_227 : i1 to i32
      %cond3A_229 = arith.constant 0 : i32
      %cond3A_230 = arith.cmpi ne, %convert_element_type3A_228, %cond3A_229 : i32
      scf.if %cond3A_230 {
        %sub3A_259 = arith.constant 2 : i32
        %sub3A_260 = arith.subi %add3A_192, %sub3A_259 : i32
        %mul3A_261 = arith.constant 80000 : i32
        %mul3A_262 = arith.muli %select_n3A_54, %mul3A_261 : i32
        %mul3A_263 = arith.constant 2 : i32
        %mul3A_264 = arith.muli %mul3A_263, %sub3A_260 : i32
        %add3A_265 = arith.addi %select_n3A_70, %mul3A_264 : i32
        %mul3A_266 = arith.constant 3200 : i32
        %mul3A_267 = arith.muli %add3A_265, %mul3A_266 : i32
        %add3A_268 = arith.addi %mul3A_262, %mul3A_267 : i32
        %dma_wait3A_269 = arith.constant 0 : i32
        %dma_wait3A_270 = tpu.memref_slice %arg10[%rem3A_194, %dma_wait3A_269] : memref<2x3200xf32, #tpu.memory_space<vmem>> -> memref<1x3200xf32, #tpu.memory_space<vmem>>
        %dma_wait3A_271 = tpu.memref_squeeze %dma_wait3A_270 : memref<1x3200xf32, #tpu.memory_space<vmem>> -> memref<3200xf32, #tpu.memory_space<vmem>>
        %dma_wait3A_272 = arith.constant 0 : i32
        %dma_wait3A_273 = tpu.memref_slice %arg5[%select_n3A_7, %dma_wait3A_272] : memref<4x320000xf32, #tpu.memory_space<hbm>> -> memref<1x320000xf32, #tpu.memory_space<hbm>>
        %dma_wait3A_274 = tpu.memref_squeeze %dma_wait3A_273 : memref<1x320000xf32, #tpu.memory_space<hbm>> -> memref<320000xf32, #tpu.memory_space<hbm>>
        %dma_wait3A_275 = tpu.memref_slice %dma_wait3A_274[%add3A_268] : memref<320000xf32, #tpu.memory_space<hbm>> -> memref<3200xf32, #tpu.memory_space<hbm>>
        %dma_wait3A_276 = tpu.memref_slice %arg14[%rem3A_194] : memref<2x!tpu.dma_semaphore, #tpu.memory_space<semaphore_mem>> -> memref<1x!tpu.dma_semaphore, #tpu.memory_space<semaphore_mem>>
        %dma_wait3A_277 = tpu.memref_squeeze %dma_wait3A_276 : memref<1x!tpu.dma_semaphore, #tpu.memory_space<semaphore_mem>> -> memref<!tpu.dma_semaphore, #tpu.memory_space<semaphore_mem>>
        %dma_wait3A_278 = arith.constant 0 : i32
        %dma_wait3A_279 = tpu.memref_slice %arg5[%select_n3A_7, %dma_wait3A_278] : memref<4x320000xf32, #tpu.memory_space<hbm>> -> memref<1x320000xf32, #tpu.memory_space<hbm>>
        %dma_wait3A_280 = tpu.memref_squeeze %dma_wait3A_279 : memref<1x320000xf32, #tpu.memory_space<hbm>> -> memref<320000xf32, #tpu.memory_space<hbm>>
        %dma_wait3A_281 = tpu.memref_slice %dma_wait3A_280[%add3A_268] : memref<320000xf32, #tpu.memory_space<hbm>> -> memref<3200xf32, #tpu.memory_space<hbm>>
        %dma_wait3A_282 = arith.constant 0 : i32
        %dma_wait3A_283 = tpu.memref_slice %arg10[%rem3A_194, %dma_wait3A_282] : memref<2x3200xf32, #tpu.memory_space<vmem>> -> memref<1x3200xf32, #tpu.memory_space<vmem>>
        %dma_wait3A_284 = tpu.memref_squeeze %dma_wait3A_283 : memref<1x3200xf32, #tpu.memory_space<vmem>> -> memref<3200xf32, #tpu.memory_space<vmem>>
        tpu.wait_dma2 semaphore(%dma_wait3A_277 : memref<!tpu.dma_semaphore, #tpu.memory_space<semaphore_mem>>) src(%dma_wait3A_284 : memref<3200xf32, #tpu.memory_space<vmem>>) dst(%dma_wait3A_281 : memref<3200xf32, #tpu.memory_space<hbm>>)
      } else {
      }
      %scan3A = arith.constant 0 : i32
      %scan3A_231 = arith.constant 200 : i32
      %scan3A_232 = arith.addi %scan3A, %scan3A_231 : i32
      %scan3A_233 = arith.constant 4 : i32
      scf.for %scan3A_259 = %scan3A to %scan3A_232 step %scan3A_233  : i32 {
        %mul3A_260 = arith.constant 1 : i32
        %mul3A_261 = arith.muli %scan3A_259, %mul3A_260 : i32
        %add3A_262 = arith.constant 0 : i32
        %add3A_263 = arith.addi %add3A_262, %mul3A_261 : i32
        %mul3A_264 = arith.constant 16 : i32
        %mul3A_265 = arith.muli %add3A_263, %mul3A_264 : i32
        %get3A = arith.index_cast %rem3A_194 : i32 to index
        %get3A_266 = arith.index_cast %mul3A_265 : i32 to index
        %get3A_267 = tpu.vector_load %arg8[%get3A, %get3A_266] {strides = array<i32>} : memref<2x3200xi32, #tpu.memory_space<vmem>>, vector<16xi32>,
        %get3A_268 = arith.index_cast %rem3A_194 : i32 to index
        %get3A_269 = arith.index_cast %mul3A_265 : i32 to index
        %get3A_270 = tpu.vector_load %arg9[%get3A_268, %get3A_269] {strides = array<i32>} : memref<2x3200xi32, #tpu.memory_space<vmem>>, vector<16xi32>,
        %broadcast_in_dim3A = arith.constant 0.000000e+00 : f32
        %broadcast_in_dim3A_271 = vector.broadcast %broadcast_in_dim3A : f32 to vector<16xf32>
        %broadcast_in_dim3A_272 = arith.constant 0 : i32
        %broadcast_in_dim3A_273 = vector.broadcast %broadcast_in_dim3A_272 : i32 to vector<16xi32>
        %gather3A = tpu.vector_load_idx %arg7[%broadcast_in_dim3A_273, %get3A_267] : memref<8x10000xf32, #tpu.memory_space<vmem>>[vector<16xi32>, vector<16xi32>], vector<16xf32>,
        %gather3A_274 = tpu.vector_load_idx %arg7[%broadcast_in_dim3A_273, %get3A_270] : memref<8x10000xf32, #tpu.memory_space<vmem>>[vector<16xi32>, vector<16xi32>], vector<16xf32>,
        %mul3A_275 = arith.mulf %gather3A, %gather3A_274 : vector<16xf32>
        %add3A_276 = arith.addf %broadcast_in_dim3A_271, %mul3A_275 : vector<16xf32>
        %broadcast_in_dim3A_277 = arith.constant 1 : i32
        %broadcast_in_dim3A_278 = vector.broadcast %broadcast_in_dim3A_277 : i32 to vector<16xi32>
        %gather3A_279 = tpu.vector_load_idx %arg7[%broadcast_in_dim3A_278, %get3A_267] : memref<8x10000xf32, #tpu.memory_space<vmem>>[vector<16xi32>, vector<16xi32>], vector<16xf32>,
        %gather3A_280 = tpu.vector_load_idx %arg7[%broadcast_in_dim3A_278, %get3A_270] : memref<8x10000xf32, #tpu.memory_space<vmem>>[vector<16xi32>, vector<16xi32>], vector<16xf32>,
        %mul3A_281 = arith.mulf %gather3A_279, %gather3A_280 : vector<16xf32>
        %add3A_282 = arith.addf %add3A_276, %mul3A_281 : vector<16xf32>
        %broadcast_in_dim3A_283 = arith.constant 2 : i32
        %broadcast_in_dim3A_284 = vector.broadcast %broadcast_in_dim3A_283 : i32 to vector<16xi32>
        %gather3A_285 = tpu.vector_load_idx %arg7[%broadcast_in_dim3A_284, %get3A_267] : memref<8x10000xf32, #tpu.memory_space<vmem>>[vector<16xi32>, vector<16xi32>], vector<16xf32>,
        %gather3A_286 = tpu.vector_load_idx %arg7[%broadcast_in_dim3A_284, %get3A_270] : memref<8x10000xf32, #tpu.memory_space<vmem>>[vector<16xi32>, vector<16xi32>], vector<16xf32>,
        %mul3A_287 = arith.mulf %gather3A_285, %gather3A_286 : vector<16xf32>
        %add3A_288 = arith.addf %add3A_282, %mul3A_287 : vector<16xf32>
        %broadcast_in_dim3A_289 = arith.constant 3 : i32
        %broadcast_in_dim3A_290 = vector.broadcast %broadcast_in_dim3A_289 : i32 to vector<16xi32>
        %gather3A_291 = tpu.vector_load_idx %arg7[%broadcast_in_dim3A_290, %get3A_267] : memref<8x10000xf32, #tpu.memory_space<vmem>>[vector<16xi32>, vector<16xi32>], vector<16xf32>,
        %gather3A_292 = tpu.vector_load_idx %arg7[%broadcast_in_dim3A_290, %get3A_270] : memref<8x10000xf32, #tpu.memory_space<vmem>>[vector<16xi32>, vector<16xi32>], vector<16xf32>,
        %mul3A_293 = arith.mulf %gather3A_291, %gather3A_292 : vector<16xf32>
        %add3A_294 = arith.addf %add3A_288, %mul3A_293 : vector<16xf32>
        %broadcast_in_dim3A_295 = arith.constant 4 : i32
        %broadcast_in_dim3A_296 = vector.broadcast %broadcast_in_dim3A_295 : i32 to vector<16xi32>
        %gather3A_297 = tpu.vector_load_idx %arg7[%broadcast_in_dim3A_296, %get3A_267] : memref<8x10000xf32, #tpu.memory_space<vmem>>[vector<16xi32>, vector<16xi32>], vector<16xf32>,
        %gather3A_298 = tpu.vector_load_idx %arg7[%broadcast_in_dim3A_296, %get3A_270] : memref<8x10000xf32, #tpu.memory_space<vmem>>[vector<16xi32>, vector<16xi32>], vector<16xf32>,
        %mul3A_299 = arith.mulf %gather3A_297, %gather3A_298 : vector<16xf32>
        %add3A_300 = arith.addf %add3A_294, %mul3A_299 : vector<16xf32>
        %broadcast_in_dim3A_301 = arith.constant 5 : i32
        %broadcast_in_dim3A_302 = vector.broadcast %broadcast_in_dim3A_301 : i32 to vector<16xi32>
        %gather3A_303 = tpu.vector_load_idx %arg7[%broadcast_in_dim3A_302, %get3A_267] : memref<8x10000xf32, #tpu.memory_space<vmem>>[vector<16xi32>, vector<16xi32>], vector<16xf32>,
        %gather3A_304 = tpu.vector_load_idx %arg7[%broadcast_in_dim3A_302, %get3A_270] : memref<8x10000xf32, #tpu.memory_space<vmem>>[vector<16xi32>, vector<16xi32>], vector<16xf32>,
        %mul3A_305 = arith.mulf %gather3A_303, %gather3A_304 : vector<16xf32>
        %add3A_306 = arith.addf %add3A_300, %mul3A_305 : vector<16xf32>
        %broadcast_in_dim3A_307 = arith.constant 6 : i32
        %broadcast_in_dim3A_308 = vector.broadcast %broadcast_in_dim3A_307 : i32 to vector<16xi32>
        %gather3A_309 = tpu.vector_load_idx %arg7[%broadcast_in_dim3A_308, %get3A_267] : memref<8x10000xf32, #tpu.memory_space<vmem>>[vector<16xi32>, vector<16xi32>], vector<16xf32>,
        %gather3A_310 = tpu.vector_load_idx %arg7[%broadcast_in_dim3A_308, %get3A_270] : memref<8x10000xf32, #tpu.memory_space<vmem>>[vector<16xi32>, vector<16xi32>], vector<16xf32>,
        %mul3A_311 = arith.mulf %gather3A_309, %gather3A_310 : vector<16xf32>
        %add3A_312 = arith.addf %add3A_306, %mul3A_311 : vector<16xf32>
        %broadcast_in_dim3A_313 = arith.constant 7 : i32
        %broadcast_in_dim3A_314 = vector.broadcast %broadcast_in_dim3A_313 : i32 to vector<16xi32>
        %gather3A_315 = tpu.vector_load_idx %arg7[%broadcast_in_dim3A_314, %get3A_267] : memref<8x10000xf32, #tpu.memory_space<vmem>>[vector<16xi32>, vector<16xi32>], vector<16xf32>,
        %gather3A_316 = tpu.vector_load_idx %arg7[%broadcast_in_dim3A_314, %get3A_270] : memref<8x10000xf32, #tpu.memory_space<vmem>>[vector<16xi32>, vector<16xi32>], vector<16xf32>,
        %mul3A_317 = arith.mulf %gather3A_315, %gather3A_316 : vector<16xf32>
        %add3A_318 = arith.addf %add3A_312, %mul3A_317 : vector<16xf32>
        %swap3A = arith.index_cast %rem3A_194 : i32 to index
        %swap3A_319 = arith.index_cast %mul3A_265 : i32 to index
        %swap3A_320 = tpu.vector_load %arg10[%swap3A, %swap3A_319] {strides = array<i32>} : memref<2x3200xf32, #tpu.memory_space<vmem>>, vector<16xf32>,
        tpu.vector_store %arg10[%swap3A, %swap3A_319], %add3A_318 {strides = array<i32>} : memref<2x3200xf32, #tpu.memory_space<vmem>>, vector<16xf32>,
        %scan3A_321 = arith.constant 1 : i32
        %scan3A_322 = arith.addi %scan3A_259, %scan3A_321 : i32
        %mul3A_323 = arith.constant 1 : i32
        %mul3A_324 = arith.muli %scan3A_322, %mul3A_323 : i32
        %add3A_325 = arith.constant 0 : i32
        %add3A_326 = arith.addi %add3A_325, %mul3A_324 : i32
        %mul3A_327 = arith.constant 16 : i32
        %mul3A_328 = arith.muli %add3A_326, %mul3A_327 : i32
        %get3A_329 = arith.index_cast %rem3A_194 : i32 to index
        %get3A_330 = arith.index_cast %mul3A_328 : i32 to index
        %get3A_331 = tpu.vector_load %arg8[%get3A_329, %get3A_330] {strides = array<i32>} : memref<2x3200xi32, #tpu.memory_space<vmem>>, vector<16xi32>,
        %get3A_332 = arith.index_cast %rem3A_194 : i32 to index
        %get3A_333 = arith.index_cast %mul3A_328 : i32 to index
        %get3A_334 = tpu.vector_load %arg9[%get3A_332, %get3A_333] {strides = array<i32>} : memref<2x3200xi32, #tpu.memory_space<vmem>>, vector<16xi32>,
        %broadcast_in_dim3A_335 = arith.constant 0.000000e+00 : f32
        %broadcast_in_dim3A_336 = vector.broadcast %broadcast_in_dim3A_335 : f32 to vector<16xf32>
        %broadcast_in_dim3A_337 = arith.constant 0 : i32
        %broadcast_in_dim3A_338 = vector.broadcast %broadcast_in_dim3A_337 : i32 to vector<16xi32>
        %gather3A_339 = tpu.vector_load_idx %arg7[%broadcast_in_dim3A_338, %get3A_331] : memref<8x10000xf32, #tpu.memory_space<vmem>>[vector<16xi32>, vector<16xi32>], vector<16xf32>,
        %gather3A_340 = tpu.vector_load_idx %arg7[%broadcast_in_dim3A_338, %get3A_334] : memref<8x10000xf32, #tpu.memory_space<vmem>>[vector<16xi32>, vector<16xi32>], vector<16xf32>,
        %mul3A_341 = arith.mulf %gather3A_339, %gather3A_340 : vector<16xf32>
        %add3A_342 = arith.addf %broadcast_in_dim3A_336, %mul3A_341 : vector<16xf32>
        %broadcast_in_dim3A_343 = arith.constant 1 : i32
        %broadcast_in_dim3A_344 = vector.broadcast %broadcast_in_dim3A_343 : i32 to vector<16xi32>
        %gather3A_345 = tpu.vector_load_idx %arg7[%broadcast_in_dim3A_344, %get3A_331] : memref<8x10000xf32, #tpu.memory_space<vmem>>[vector<16xi32>, vector<16xi32>], vector<16xf32>,
        %gather3A_346 = tpu.vector_load_idx %arg7[%broadcast_in_dim3A_344, %get3A_334] : memref<8x10000xf32, #tpu.memory_space<vmem>>[vector<16xi32>, vector<16xi32>], vector<16xf32>,
        %mul3A_347 = arith.mulf %gather3A_345, %gather3A_346 : vector<16xf32>
        %add3A_348 = arith.addf %add3A_342, %mul3A_347 : vector<16xf32>
        %broadcast_in_dim3A_349 = arith.constant 2 : i32
        %broadcast_in_dim3A_350 = vector.broadcast %broadcast_in_dim3A_349 : i32 to vector<16xi32>
        %gather3A_351 = tpu.vector_load_idx %arg7[%broadcast_in_dim3A_350, %get3A_331] : memref<8x10000xf32, #tpu.memory_space<vmem>>[vector<16xi32>, vector<16xi32>], vector<16xf32>,
        %gather3A_352 = tpu.vector_load_idx %arg7[%broadcast_in_dim3A_350, %get3A_334] : memref<8x10000xf32, #tpu.memory_space<vmem>>[vector<16xi32>, vector<16xi32>], vector<16xf32>,
        %mul3A_353 = arith.mulf %gather3A_351, %gather3A_352 : vector<16xf32>
        %add3A_354 = arith.addf %add3A_348, %mul3A_353 : vector<16xf32>
        %broadcast_in_dim3A_355 = arith.constant 3 : i32
        %broadcast_in_dim3A_356 = vector.broadcast %broadcast_in_dim3A_355 : i32 to vector<16xi32>
        %gather3A_357 = tpu.vector_load_idx %arg7[%broadcast_in_dim3A_356, %get3A_331] : memref<8x10000xf32, #tpu.memory_space<vmem>>[vector<16xi32>, vector<16xi32>], vector<16xf32>,
        %gather3A_358 = tpu.vector_load_idx %arg7[%broadcast_in_dim3A_356, %get3A_334] : memref<8x10000xf32, #tpu.memory_space<vmem>>[vector<16xi32>, vector<16xi32>], vector<16xf32>,
        %mul3A_359 = arith.mulf %gather3A_357, %gather3A_358 : vector<16xf32>
        %add3A_360 = arith.addf %add3A_354, %mul3A_359 : vector<16xf32>
        %broadcast_in_dim3A_361 = arith.constant 4 : i32
        %broadcast_in_dim3A_362 = vector.broadcast %broadcast_in_dim3A_361 : i32 to vector<16xi32>
        %gather3A_363 = tpu.vector_load_idx %arg7[%broadcast_in_dim3A_362, %get3A_331] : memref<8x10000xf32, #tpu.memory_space<vmem>>[vector<16xi32>, vector<16xi32>], vector<16xf32>,
        %gather3A_364 = tpu.vector_load_idx %arg7[%broadcast_in_dim3A_362, %get3A_334] : memref<8x10000xf32, #tpu.memory_space<vmem>>[vector<16xi32>, vector<16xi32>], vector<16xf32>,
        %mul3A_365 = arith.mulf %gather3A_363, %gather3A_364 : vector<16xf32>
        %add3A_366 = arith.addf %add3A_360, %mul3A_365 : vector<16xf32>
        %broadcast_in_dim3A_367 = arith.constant 5 : i32
        %broadcast_in_dim3A_368 = vector.broadcast %broadcast_in_dim3A_367 : i32 to vector<16xi32>
        %gather3A_369 = tpu.vector_load_idx %arg7[%broadcast_in_dim3A_368, %get3A_331] : memref<8x10000xf32, #tpu.memory_space<vmem>>[vector<16xi32>, vector<16xi32>], vector<16xf32>,
        %gather3A_370 = tpu.vector_load_idx %arg7[%broadcast_in_dim3A_368, %get3A_334] : memref<8x10000xf32, #tpu.memory_space<vmem>>[vector<16xi32>, vector<16xi32>], vector<16xf32>,
        %mul3A_371 = arith.mulf %gather3A_369, %gather3A_370 : vector<16xf32>
        %add3A_372 = arith.addf %add3A_366, %mul3A_371 : vector<16xf32>
        %broadcast_in_dim3A_373 = arith.constant 6 : i32
        %broadcast_in_dim3A_374 = vector.broadcast %broadcast_in_dim3A_373 : i32 to vector<16xi32>
        %gather3A_375 = tpu.vector_load_idx %arg7[%broadcast_in_dim3A_374, %get3A_331] : memref<8x10000xf32, #tpu.memory_space<vmem>>[vector<16xi32>, vector<16xi32>], vector<16xf32>,
        %gather3A_376 = tpu.vector_load_idx %arg7[%broadcast_in_dim3A_374, %get3A_334] : memref<8x10000xf32, #tpu.memory_space<vmem>>[vector<16xi32>, vector<16xi32>], vector<16xf32>,
        %mul3A_377 = arith.mulf %gather3A_375, %gather3A_376 : vector<16xf32>
        %add3A_378 = arith.addf %add3A_372, %mul3A_377 : vector<16xf32>
        %broadcast_in_dim3A_379 = arith.constant 7 : i32
        %broadcast_in_dim3A_380 = vector.broadcast %broadcast_in_dim3A_379 : i32 to vector<16xi32>
        %gather3A_381 = tpu.vector_load_idx %arg7[%broadcast_in_dim3A_380, %get3A_331] : memref<8x10000xf32, #tpu.memory_space<vmem>>[vector<16xi32>, vector<16xi32>], vector<16xf32>,
        %gather3A_382 = tpu.vector_load_idx %arg7[%broadcast_in_dim3A_380, %get3A_334] : memref<8x10000xf32, #tpu.memory_space<vmem>>[vector<16xi32>, vector<16xi32>], vector<16xf32>,
        %mul3A_383 = arith.mulf %gather3A_381, %gather3A_382 : vector<16xf32>
        %add3A_384 = arith.addf %add3A_378, %mul3A_383 : vector<16xf32>
        %swap3A_385 = arith.index_cast %rem3A_194 : i32 to index
        %swap3A_386 = arith.index_cast %mul3A_328 : i32 to index
        %swap3A_387 = tpu.vector_load %arg10[%swap3A_385, %swap3A_386] {strides = array<i32>} : memref<2x3200xf32, #tpu.memory_space<vmem>>, vector<16xf32>,
        tpu.vector_store %arg10[%swap3A_385, %swap3A_386], %add3A_384 {strides = array<i32>} : memref<2x3200xf32, #tpu.memory_space<vmem>>, vector<16xf32>,
        %scan3A_388 = arith.constant 2 : i32
        %scan3A_389 = arith.addi %scan3A_259, %scan3A_388 : i32
        %mul3A_390 = arith.constant 1 : i32
        %mul3A_391 = arith.muli %scan3A_389, %mul3A_390 : i32
        %add3A_392 = arith.constant 0 : i32
        %add3A_393 = arith.addi %add3A_392, %mul3A_391 : i32
        %mul3A_394 = arith.constant 16 : i32
        %mul3A_395 = arith.muli %add3A_393, %mul3A_394 : i32
        %get3A_396 = arith.index_cast %rem3A_194 : i32 to index
        %get3A_397 = arith.index_cast %mul3A_395 : i32 to index
        %get3A_398 = tpu.vector_load %arg8[%get3A_396, %get3A_397] {strides = array<i32>} : memref<2x3200xi32, #tpu.memory_space<vmem>>, vector<16xi32>,
        %get3A_399 = arith.index_cast %rem3A_194 : i32 to index
        %get3A_400 = arith.index_cast %mul3A_395 : i32 to index
        %get3A_401 = tpu.vector_load %arg9[%get3A_399, %get3A_400] {strides = array<i32>} : memref<2x3200xi32, #tpu.memory_space<vmem>>, vector<16xi32>,
        %broadcast_in_dim3A_402 = arith.constant 0.000000e+00 : f32
        %broadcast_in_dim3A_403 = vector.broadcast %broadcast_in_dim3A_402 : f32 to vector<16xf32>
        %broadcast_in_dim3A_404 = arith.constant 0 : i32
        %broadcast_in_dim3A_405 = vector.broadcast %broadcast_in_dim3A_404 : i32 to vector<16xi32>
        %gather3A_406 = tpu.vector_load_idx %arg7[%broadcast_in_dim3A_405, %get3A_398] : memref<8x10000xf32, #tpu.memory_space<vmem>>[vector<16xi32>, vector<16xi32>], vector<16xf32>,
        %gather3A_407 = tpu.vector_load_idx %arg7[%broadcast_in_dim3A_405, %get3A_401] : memref<8x10000xf32, #tpu.memory_space<vmem>>[vector<16xi32>, vector<16xi32>], vector<16xf32>,
        %mul3A_408 = arith.mulf %gather3A_406, %gather3A_407 : vector<16xf32>
        %add3A_409 = arith.addf %broadcast_in_dim3A_403, %mul3A_408 : vector<16xf32>
        %broadcast_in_dim3A_410 = arith.constant 1 : i32
        %broadcast_in_dim3A_411 = vector.broadcast %broadcast_in_dim3A_410 : i32 to vector<16xi32>
        %gather3A_412 = tpu.vector_load_idx %arg7[%broadcast_in_dim3A_411, %get3A_398] : memref<8x10000xf32, #tpu.memory_space<vmem>>[vector<16xi32>, vector<16xi32>], vector<16xf32>,
        %gather3A_413 = tpu.vector_load_idx %arg7[%broadcast_in_dim3A_411, %get3A_401] : memref<8x10000xf32, #tpu.memory_space<vmem>>[vector<16xi32>, vector<16xi32>], vector<16xf32>,
        %mul3A_414 = arith.mulf %gather3A_412, %gather3A_413 : vector<16xf32>
        %add3A_415 = arith.addf %add3A_409, %mul3A_414 : vector<16xf32>
        %broadcast_in_dim3A_416 = arith.constant 2 : i32
        %broadcast_in_dim3A_417 = vector.broadcast %broadcast_in_dim3A_416 : i32 to vector<16xi32>
        %gather3A_418 = tpu.vector_load_idx %arg7[%broadcast_in_dim3A_417, %get3A_398] : memref<8x10000xf32, #tpu.memory_space<vmem>>[vector<16xi32>, vector<16xi32>], vector<16xf32>,
        %gather3A_419 = tpu.vector_load_idx %arg7[%broadcast_in_dim3A_417, %get3A_401] : memref<8x10000xf32, #tpu.memory_space<vmem>>[vector<16xi32>, vector<16xi32>], vector<16xf32>,
        %mul3A_420 = arith.mulf %gather3A_418, %gather3A_419 : vector<16xf32>
        %add3A_421 = arith.addf %add3A_415, %mul3A_420 : vector<16xf32>
        %broadcast_in_dim3A_422 = arith.constant 3 : i32
        %broadcast_in_dim3A_423 = vector.broadcast %broadcast_in_dim3A_422 : i32 to vector<16xi32>
        %gather3A_424 = tpu.vector_load_idx %arg7[%broadcast_in_dim3A_423, %get3A_398] : memref<8x10000xf32, #tpu.memory_space<vmem>>[vector<16xi32>, vector<16xi32>], vector<16xf32>,
        %gather3A_425 = tpu.vector_load_idx %arg7[%broadcast_in_dim3A_423, %get3A_401] : memref<8x10000xf32, #tpu.memory_space<vmem>>[vector<16xi32>, vector<16xi32>], vector<16xf32>,
        %mul3A_426 = arith.mulf %gather3A_424, %gather3A_425 : vector<16xf32>
        %add3A_427 = arith.addf %add3A_421, %mul3A_426 : vector<16xf32>
        %broadcast_in_dim3A_428 = arith.constant 4 : i32
        %broadcast_in_dim3A_429 = vector.broadcast %broadcast_in_dim3A_428 : i32 to vector<16xi32>
        %gather3A_430 = tpu.vector_load_idx %arg7[%broadcast_in_dim3A_429, %get3A_398] : memref<8x10000xf32, #tpu.memory_space<vmem>>[vector<16xi32>, vector<16xi32>], vector<16xf32>,
        %gather3A_431 = tpu.vector_load_idx %arg7[%broadcast_in_dim3A_429, %get3A_401] : memref<8x10000xf32, #tpu.memory_space<vmem>>[vector<16xi32>, vector<16xi32>], vector<16xf32>,
        %mul3A_432 = arith.mulf %gather3A_430, %gather3A_431 : vector<16xf32>
        %add3A_433 = arith.addf %add3A_427, %mul3A_432 : vector<16xf32>
        %broadcast_in_dim3A_434 = arith.constant 5 : i32
        %broadcast_in_dim3A_435 = vector.broadcast %broadcast_in_dim3A_434 : i32 to vector<16xi32>
        %gather3A_436 = tpu.vector_load_idx %arg7[%broadcast_in_dim3A_435, %get3A_398] : memref<8x10000xf32, #tpu.memory_space<vmem>>[vector<16xi32>, vector<16xi32>], vector<16xf32>,
        %gather3A_437 = tpu.vector_load_idx %arg7[%broadcast_in_dim3A_435, %get3A_401] : memref<8x10000xf32, #tpu.memory_space<vmem>>[vector<16xi32>, vector<16xi32>], vector<16xf32>,
        %mul3A_438 = arith.mulf %gather3A_436, %gather3A_437 : vector<16xf32>
        %add3A_439 = arith.addf %add3A_433, %mul3A_438 : vector<16xf32>
        %broadcast_in_dim3A_440 = arith.constant 6 : i32
        %broadcast_in_dim3A_441 = vector.broadcast %broadcast_in_dim3A_440 : i32 to vector<16xi32>
        %gather3A_442 = tpu.vector_load_idx %arg7[%broadcast_in_dim3A_441, %get3A_398] : memref<8x10000xf32, #tpu.memory_space<vmem>>[vector<16xi32>, vector<16xi32>], vector<16xf32>,
        %gather3A_443 = tpu.vector_load_idx %arg7[%broadcast_in_dim3A_441, %get3A_401] : memref<8x10000xf32, #tpu.memory_space<vmem>>[vector<16xi32>, vector<16xi32>], vector<16xf32>,
        %mul3A_444 = arith.mulf %gather3A_442, %gather3A_443 : vector<16xf32>
        %add3A_445 = arith.addf %add3A_439, %mul3A_444 : vector<16xf32>
        %broadcast_in_dim3A_446 = arith.constant 7 : i32
        %broadcast_in_dim3A_447 = vector.broadcast %broadcast_in_dim3A_446 : i32 to vector<16xi32>
        %gather3A_448 = tpu.vector_load_idx %arg7[%broadcast_in_dim3A_447, %get3A_398] : memref<8x10000xf32, #tpu.memory_space<vmem>>[vector<16xi32>, vector<16xi32>], vector<16xf32>,
        %gather3A_449 = tpu.vector_load_idx %arg7[%broadcast_in_dim3A_447, %get3A_401] : memref<8x10000xf32, #tpu.memory_space<vmem>>[vector<16xi32>, vector<16xi32>], vector<16xf32>,
        %mul3A_450 = arith.mulf %gather3A_448, %gather3A_449 : vector<16xf32>
        %add3A_451 = arith.addf %add3A_445, %mul3A_450 : vector<16xf32>
        %swap3A_452 = arith.index_cast %rem3A_194 : i32 to index
        %swap3A_453 = arith.index_cast %mul3A_395 : i32 to index
        %swap3A_454 = tpu.vector_load %arg10[%swap3A_452, %swap3A_453] {strides = array<i32>} : memref<2x3200xf32, #tpu.memory_space<vmem>>, vector<16xf32>,
        tpu.vector_store %arg10[%swap3A_452, %swap3A_453], %add3A_451 {strides = array<i32>} : memref<2x3200xf32, #tpu.memory_space<vmem>>, vector<16xf32>,
        %scan3A_455 = arith.constant 3 : i32
        %scan3A_456 = arith.addi %scan3A_259, %scan3A_455 : i32
        %mul3A_457 = arith.constant 1 : i32
        %mul3A_458 = arith.muli %scan3A_456, %mul3A_457 : i32
        %add3A_459 = arith.constant 0 : i32
        %add3A_460 = arith.addi %add3A_459, %mul3A_458 : i32
        %mul3A_461 = arith.constant 16 : i32
        %mul3A_462 = arith.muli %add3A_460, %mul3A_461 : i32
        %get3A_463 = arith.index_cast %rem3A_194 : i32 to index
        %get3A_464 = arith.index_cast %mul3A_462 : i32 to index
        %get3A_465 = tpu.vector_load %arg8[%get3A_463, %get3A_464] {strides = array<i32>} : memref<2x3200xi32, #tpu.memory_space<vmem>>, vector<16xi32>,
        %get3A_466 = arith.index_cast %rem3A_194 : i32 to index
        %get3A_467 = arith.index_cast %mul3A_462 : i32 to index
        %get3A_468 = tpu.vector_load %arg9[%get3A_466, %get3A_467] {strides = array<i32>} : memref<2x3200xi32, #tpu.memory_space<vmem>>, vector<16xi32>,
        %broadcast_in_dim3A_469 = arith.constant 0.000000e+00 : f32
        %broadcast_in_dim3A_470 = vector.broadcast %broadcast_in_dim3A_469 : f32 to vector<16xf32>
        %broadcast_in_dim3A_471 = arith.constant 0 : i32
        %broadcast_in_dim3A_472 = vector.broadcast %broadcast_in_dim3A_471 : i32 to vector<16xi32>
        %gather3A_473 = tpu.vector_load_idx %arg7[%broadcast_in_dim3A_472, %get3A_465] : memref<8x10000xf32, #tpu.memory_space<vmem>>[vector<16xi32>, vector<16xi32>], vector<16xf32>,
        %gather3A_474 = tpu.vector_load_idx %arg7[%broadcast_in_dim3A_472, %get3A_468] : memref<8x10000xf32, #tpu.memory_space<vmem>>[vector<16xi32>, vector<16xi32>], vector<16xf32>,
        %mul3A_475 = arith.mulf %gather3A_473, %gather3A_474 : vector<16xf32>
        %add3A_476 = arith.addf %broadcast_in_dim3A_470, %mul3A_475 : vector<16xf32>
        %broadcast_in_dim3A_477 = arith.constant 1 : i32
        %broadcast_in_dim3A_478 = vector.broadcast %broadcast_in_dim3A_477 : i32 to vector<16xi32>
        %gather3A_479 = tpu.vector_load_idx %arg7[%broadcast_in_dim3A_478, %get3A_465] : memref<8x10000xf32, #tpu.memory_space<vmem>>[vector<16xi32>, vector<16xi32>], vector<16xf32>,
        %gather3A_480 = tpu.vector_load_idx %arg7[%broadcast_in_dim3A_478, %get3A_468] : memref<8x10000xf32, #tpu.memory_space<vmem>>[vector<16xi32>, vector<16xi32>], vector<16xf32>,
        %mul3A_481 = arith.mulf %gather3A_479, %gather3A_480 : vector<16xf32>
        %add3A_482 = arith.addf %add3A_476, %mul3A_481 : vector<16xf32>
        %broadcast_in_dim3A_483 = arith.constant 2 : i32
        %broadcast_in_dim3A_484 = vector.broadcast %broadcast_in_dim3A_483 : i32 to vector<16xi32>
        %gather3A_485 = tpu.vector_load_idx %arg7[%broadcast_in_dim3A_484, %get3A_465] : memref<8x10000xf32, #tpu.memory_space<vmem>>[vector<16xi32>, vector<16xi32>], vector<16xf32>,
        %gather3A_486 = tpu.vector_load_idx %arg7[%broadcast_in_dim3A_484, %get3A_468] : memref<8x10000xf32, #tpu.memory_space<vmem>>[vector<16xi32>, vector<16xi32>], vector<16xf32>,
        %mul3A_487 = arith.mulf %gather3A_485, %gather3A_486 : vector<16xf32>
        %add3A_488 = arith.addf %add3A_482, %mul3A_487 : vector<16xf32>
        %broadcast_in_dim3A_489 = arith.constant 3 : i32
        %broadcast_in_dim3A_490 = vector.broadcast %broadcast_in_dim3A_489 : i32 to vector<16xi32>
        %gather3A_491 = tpu.vector_load_idx %arg7[%broadcast_in_dim3A_490, %get3A_465] : memref<8x10000xf32, #tpu.memory_space<vmem>>[vector<16xi32>, vector<16xi32>], vector<16xf32>,
        %gather3A_492 = tpu.vector_load_idx %arg7[%broadcast_in_dim3A_490, %get3A_468] : memref<8x10000xf32, #tpu.memory_space<vmem>>[vector<16xi32>, vector<16xi32>], vector<16xf32>,
        %mul3A_493 = arith.mulf %gather3A_491, %gather3A_492 : vector<16xf32>
        %add3A_494 = arith.addf %add3A_488, %mul3A_493 : vector<16xf32>
        %broadcast_in_dim3A_495 = arith.constant 4 : i32
        %broadcast_in_dim3A_496 = vector.broadcast %broadcast_in_dim3A_495 : i32 to vector<16xi32>
        %gather3A_497 = tpu.vector_load_idx %arg7[%broadcast_in_dim3A_496, %get3A_465] : memref<8x10000xf32, #tpu.memory_space<vmem>>[vector<16xi32>, vector<16xi32>], vector<16xf32>,
        %gather3A_498 = tpu.vector_load_idx %arg7[%broadcast_in_dim3A_496, %get3A_468] : memref<8x10000xf32, #tpu.memory_space<vmem>>[vector<16xi32>, vector<16xi32>], vector<16xf32>,
        %mul3A_499 = arith.mulf %gather3A_497, %gather3A_498 : vector<16xf32>
        %add3A_500 = arith.addf %add3A_494, %mul3A_499 : vector<16xf32>
        %broadcast_in_dim3A_501 = arith.constant 5 : i32
        %broadcast_in_dim3A_502 = vector.broadcast %broadcast_in_dim3A_501 : i32 to vector<16xi32>
        %gather3A_503 = tpu.vector_load_idx %arg7[%broadcast_in_dim3A_502, %get3A_465] : memref<8x10000xf32, #tpu.memory_space<vmem>>[vector<16xi32>, vector<16xi32>], vector<16xf32>,
        %gather3A_504 = tpu.vector_load_idx %arg7[%broadcast_in_dim3A_502, %get3A_468] : memref<8x10000xf32, #tpu.memory_space<vmem>>[vector<16xi32>, vector<16xi32>], vector<16xf32>,
        %mul3A_505 = arith.mulf %gather3A_503, %gather3A_504 : vector<16xf32>
        %add3A_506 = arith.addf %add3A_500, %mul3A_505 : vector<16xf32>
        %broadcast_in_dim3A_507 = arith.constant 6 : i32
        %broadcast_in_dim3A_508 = vector.broadcast %broadcast_in_dim3A_507 : i32 to vector<16xi32>
        %gather3A_509 = tpu.vector_load_idx %arg7[%broadcast_in_dim3A_508, %get3A_465] : memref<8x10000xf32, #tpu.memory_space<vmem>>[vector<16xi32>, vector<16xi32>], vector<16xf32>,
        %gather3A_510 = tpu.vector_load_idx %arg7[%broadcast_in_dim3A_508, %get3A_468] : memref<8x10000xf32, #tpu.memory_space<vmem>>[vector<16xi32>, vector<16xi32>], vector<16xf32>,
        %mul3A_511 = arith.mulf %gather3A_509, %gather3A_510 : vector<16xf32>
        %add3A_512 = arith.addf %add3A_506, %mul3A_511 : vector<16xf32>
        %broadcast_in_dim3A_513 = arith.constant 7 : i32
        %broadcast_in_dim3A_514 = vector.broadcast %broadcast_in_dim3A_513 : i32 to vector<16xi32>
        %gather3A_515 = tpu.vector_load_idx %arg7[%broadcast_in_dim3A_514, %get3A_465] : memref<8x10000xf32, #tpu.memory_space<vmem>>[vector<16xi32>, vector<16xi32>], vector<16xf32>,
        %gather3A_516 = tpu.vector_load_idx %arg7[%broadcast_in_dim3A_514, %get3A_468] : memref<8x10000xf32, #tpu.memory_space<vmem>>[vector<16xi32>, vector<16xi32>], vector<16xf32>,
        %mul3A_517 = arith.mulf %gather3A_515, %gather3A_516 : vector<16xf32>
        %add3A_518 = arith.addf %add3A_512, %mul3A_517 : vector<16xf32>
        %swap3A_519 = arith.index_cast %rem3A_194 : i32 to index
        %swap3A_520 = arith.index_cast %mul3A_462 : i32 to index
        %swap3A_521 = tpu.vector_load %arg10[%swap3A_519, %swap3A_520] {strides = array<i32>} : memref<2x3200xf32, #tpu.memory_space<vmem>>, vector<16xf32>,
        tpu.vector_store %arg10[%swap3A_519, %swap3A_520], %add3A_518 {strides = array<i32>} : memref<2x3200xf32, #tpu.memory_space<vmem>>, vector<16xf32>,
      }
      %scan3A_234 = arith.constant 200 : i32
      %mul3A_235 = arith.constant 80000 : i32
      %mul3A_236 = arith.muli %select_n3A_54, %mul3A_235 : i32
      %mul3A_237 = arith.constant 2 : i32
      %mul3A_238 = arith.muli %mul3A_237, %add3A_192 : i32
      %add3A_239 = arith.addi %select_n3A_70, %mul3A_238 : i32
      %mul3A_240 = arith.constant 3200 : i32
      %mul3A_241 = arith.muli %add3A_239, %mul3A_240 : i32
      %add3A_242 = arith.addi %mul3A_236, %mul3A_241 : i32
      %dma_start3A_243 = arith.constant 0 : i32
      %dma_start3A_244 = tpu.memref_slice %arg10[%rem3A_194, %dma_start3A_243] : memref<2x3200xf32, #tpu.memory_space<vmem>> -> memref<1x3200xf32, #tpu.memory_space<vmem>>
      %dma_start3A_245 = tpu.memref_squeeze %dma_start3A_244 : memref<1x3200xf32, #tpu.memory_space<vmem>> -> memref<3200xf32, #tpu.memory_space<vmem>>
      %dma_start3A_246 = arith.constant 0 : i32
      %dma_start3A_247 = tpu.memref_slice %arg5[%select_n3A_7, %dma_start3A_246] : memref<4x320000xf32, #tpu.memory_space<hbm>> -> memref<1x320000xf32, #tpu.memory_space<hbm>>
      %dma_start3A_248 = tpu.memref_squeeze %dma_start3A_247 : memref<1x320000xf32, #tpu.memory_space<hbm>> -> memref<320000xf32, #tpu.memory_space<hbm>>
      %dma_start3A_249 = tpu.memref_slice %dma_start3A_248[%add3A_242] : memref<320000xf32, #tpu.memory_space<hbm>> -> memref<3200xf32, #tpu.memory_space<hbm>>
      %dma_start3A_250 = tpu.memref_slice %arg14[%rem3A_194] : memref<2x!tpu.dma_semaphore, #tpu.memory_space<semaphore_mem>> -> memref<1x!tpu.dma_semaphore, #tpu.memory_space<semaphore_mem>>
      %dma_start3A_251 = tpu.memref_squeeze %dma_start3A_250 : memref<1x!tpu.dma_semaphore, #tpu.memory_space<semaphore_mem>> -> memref<!tpu.dma_semaphore, #tpu.memory_space<semaphore_mem>>
      %dma_start3A_252 = arith.constant 0 : i32
      %dma_start3A_253 = tpu.memref_slice %arg5[%select_n3A_7, %dma_start3A_252] : memref<4x320000xf32, #tpu.memory_space<hbm>> -> memref<1x320000xf32, #tpu.memory_space<hbm>>
      %dma_start3A_254 = tpu.memref_squeeze %dma_start3A_253 : memref<1x320000xf32, #tpu.memory_space<hbm>> -> memref<320000xf32, #tpu.memory_space<hbm>>
      %dma_start3A_255 = tpu.memref_slice %dma_start3A_254[%add3A_242] : memref<320000xf32, #tpu.memory_space<hbm>> -> memref<3200xf32, #tpu.memory_space<hbm>>
      %dma_start3A_256 = arith.constant 0 : i32
      %dma_start3A_257 = tpu.memref_slice %arg10[%rem3A_194, %dma_start3A_256] : memref<2x3200xf32, #tpu.memory_space<vmem>> -> memref<1x3200xf32, #tpu.memory_space<vmem>>
      %dma_start3A_258 = tpu.memref_squeeze %dma_start3A_257 : memref<1x3200xf32, #tpu.memory_space<vmem>> -> memref<3200xf32, #tpu.memory_space<vmem>>
      tpu.enqueue_dma source(%dma_start3A_258 : memref<3200xf32, #tpu.memory_space<vmem>>) target(%dma_start3A_255 : memref<3200xf32, #tpu.memory_space<hbm>>) target_semaphore(%dma_start3A_251 : memref<!tpu.dma_semaphore, #tpu.memory_space<semaphore_mem>>)
    }
    %mul3A_123 = arith.constant 80000 : i32
    %mul3A_124 = arith.muli %select_n3A_54, %mul3A_123 : i32
    %add3A_125 = arith.constant 0 : i32
    %add3A_126 = arith.addi %select_n3A_70, %add3A_125 : i32
    %mul3A_127 = arith.constant 3200 : i32
    %mul3A_128 = arith.muli %add3A_126, %mul3A_127 : i32
    %add3A_129 = arith.addi %mul3A_124, %mul3A_128 : i32
    %dma_wait3A = arith.constant 0 : i32
    %dma_wait3A_130 = arith.constant 0 : i32
    %dma_wait3A_131 = arith.constant 0 : i32
    %dma_wait3A_132 = tpu.memref_slice %arg10[%dma_wait3A, %dma_wait3A_131] : memref<2x3200xf32, #tpu.memory_space<vmem>> -> memref<1x3200xf32, #tpu.memory_space<vmem>>
    %dma_wait3A_133 = tpu.memref_squeeze %dma_wait3A_132 : memref<1x3200xf32, #tpu.memory_space<vmem>> -> memref<3200xf32, #tpu.memory_space<vmem>>
    %dma_wait3A_134 = arith.constant 0 : i32
    %dma_wait3A_135 = tpu.memref_slice %arg5[%select_n3A_7, %dma_wait3A_134] : memref<4x320000xf32, #tpu.memory_space<hbm>> -> memref<1x320000xf32, #tpu.memory_space<hbm>>
    %dma_wait3A_136 = tpu.memref_squeeze %dma_wait3A_135 : memref<1x320000xf32, #tpu.memory_space<hbm>> -> memref<320000xf32, #tpu.memory_space<hbm>>
    %dma_wait3A_137 = tpu.memref_slice %dma_wait3A_136[%add3A_129] : memref<320000xf32, #tpu.memory_space<hbm>> -> memref<3200xf32, #tpu.memory_space<hbm>>
    %dma_wait3A_138 = tpu.memref_slice %arg14[%dma_wait3A_130] : memref<2x!tpu.dma_semaphore, #tpu.memory_space<semaphore_mem>> -> memref<1x!tpu.dma_semaphore, #tpu.memory_space<semaphore_mem>>
    %dma_wait3A_139 = tpu.memref_squeeze %dma_wait3A_138 : memref<1x!tpu.dma_semaphore, #tpu.memory_space<semaphore_mem>> -> memref<!tpu.dma_semaphore, #tpu.memory_space<semaphore_mem>>
    %dma_wait3A_140 = arith.constant 0 : i32
    %dma_wait3A_141 = tpu.memref_slice %arg5[%select_n3A_7, %dma_wait3A_140] : memref<4x320000xf32, #tpu.memory_space<hbm>> -> memref<1x320000xf32, #tpu.memory_space<hbm>>
    %dma_wait3A_142 = tpu.memref_squeeze %dma_wait3A_141 : memref<1x320000xf32, #tpu.memory_space<hbm>> -> memref<320000xf32, #tpu.memory_space<hbm>>
    %dma_wait3A_143 = tpu.memref_slice %dma_wait3A_142[%add3A_129] : memref<320000xf32, #tpu.memory_space<hbm>> -> memref<3200xf32, #tpu.memory_space<hbm>>
    %dma_wait3A_144 = arith.constant 0 : i32
    %dma_wait3A_145 = tpu.memref_slice %arg10[%dma_wait3A, %dma_wait3A_144] : memref<2x3200xf32, #tpu.memory_space<vmem>> -> memref<1x3200xf32, #tpu.memory_space<vmem>>
    %dma_wait3A_146 = tpu.memref_squeeze %dma_wait3A_145 : memref<1x3200xf32, #tpu.memory_space<vmem>> -> memref<3200xf32, #tpu.memory_space<vmem>>
    tpu.wait_dma2 semaphore(%dma_wait3A_139 : memref<!tpu.dma_semaphore, #tpu.memory_space<semaphore_mem>>) src(%dma_wait3A_146 : memref<3200xf32, #tpu.memory_space<vmem>>) dst(%dma_wait3A_143 : memref<3200xf32, #tpu.memory_space<hbm>>)
    %mul3A_147 = arith.constant 80000 : i32
    %mul3A_148 = arith.muli %select_n3A_54, %mul3A_147 : i32
    %add3A_149 = arith.constant 0 : i32
    %add3A_150 = arith.addi %select_n3A_70, %add3A_149 : i32
    %mul3A_151 = arith.constant 3200 : i32
    %mul3A_152 = arith.muli %add3A_150, %mul3A_151 : i32
    %add3A_153 = arith.addi %mul3A_148, %mul3A_152 : i32
    %dma_wait3A_154 = arith.constant 1 : i32
    %dma_wait3A_155 = arith.constant 1 : i32
    %dma_wait3A_156 = arith.constant 0 : i32
    %dma_wait3A_157 = tpu.memref_slice %arg10[%dma_wait3A_154, %dma_wait3A_156] : memref<2x3200xf32, #tpu.memory_space<vmem>> -> memref<1x3200xf32, #tpu.memory_space<vmem>>
    %dma_wait3A_158 = tpu.memref_squeeze %dma_wait3A_157 : memref<1x3200xf32, #tpu.memory_space<vmem>> -> memref<3200xf32, #tpu.memory_space<vmem>>
    %dma_wait3A_159 = arith.constant 0 : i32
    %dma_wait3A_160 = tpu.memref_slice %arg5[%select_n3A_7, %dma_wait3A_159] : memref<4x320000xf32, #tpu.memory_space<hbm>> -> memref<1x320000xf32, #tpu.memory_space<hbm>>
    %dma_wait3A_161 = tpu.memref_squeeze %dma_wait3A_160 : memref<1x320000xf32, #tpu.memory_space<hbm>> -> memref<320000xf32, #tpu.memory_space<hbm>>
    %dma_wait3A_162 = tpu.memref_slice %dma_wait3A_161[%add3A_153] : memref<320000xf32, #tpu.memory_space<hbm>> -> memref<3200xf32, #tpu.memory_space<hbm>>
    %dma_wait3A_163 = tpu.memref_slice %arg14[%dma_wait3A_155] : memref<2x!tpu.dma_semaphore, #tpu.memory_space<semaphore_mem>> -> memref<1x!tpu.dma_semaphore, #tpu.memory_space<semaphore_mem>>
    %dma_wait3A_164 = tpu.memref_squeeze %dma_wait3A_163 : memref<1x!tpu.dma_semaphore, #tpu.memory_space<semaphore_mem>> -> memref<!tpu.dma_semaphore, #tpu.memory_space<semaphore_mem>>
    %dma_wait3A_165 = arith.constant 0 : i32
    %dma_wait3A_166 = tpu.memref_slice %arg5[%select_n3A_7, %dma_wait3A_165] : memref<4x320000xf32, #tpu.memory_space<hbm>> -> memref<1x320000xf32, #tpu.memory_space<hbm>>
    %dma_wait3A_167 = tpu.memref_squeeze %dma_wait3A_166 : memref<1x320000xf32, #tpu.memory_space<hbm>> -> memref<320000xf32, #tpu.memory_space<hbm>>
    %dma_wait3A_168 = tpu.memref_slice %dma_wait3A_167[%add3A_153] : memref<320000xf32, #tpu.memory_space<hbm>> -> memref<3200xf32, #tpu.memory_space<hbm>>
    %dma_wait3A_169 = arith.constant 0 : i32
    %dma_wait3A_170 = tpu.memref_slice %arg10[%dma_wait3A_154, %dma_wait3A_169] : memref<2x3200xf32, #tpu.memory_space<vmem>> -> memref<1x3200xf32, #tpu.memory_space<vmem>>
    %dma_wait3A_171 = tpu.memref_squeeze %dma_wait3A_170 : memref<1x3200xf32, #tpu.memory_space<vmem>> -> memref<3200xf32, #tpu.memory_space<vmem>>
    tpu.wait_dma2 semaphore(%dma_wait3A_164 : memref<!tpu.dma_semaphore, #tpu.memory_space<semaphore_mem>>) src(%dma_wait3A_171 : memref<3200xf32, #tpu.memory_space<vmem>>) dst(%dma_wait3A_168 : memref<3200xf32, #tpu.memory_space<hbm>>)
    %barrier3A = arith.constant 0 : index
    tpu.barrier barrier_id(%barrier3A)
    %sub3A_172 = arith.constant 50 : i32
    %sub3A_173 = arith.subi %sub3A_172, %arg1 : i32
    %sub3A_174 = arith.constant 16 : i32
    %sub3A_175 = arith.constant 1 : i32
    %sub3A_176 = arith.subi %sub3A_174, %sub3A_175 : i32
    %add3A_177 = arith.addi %sub3A_173, %sub3A_176 : i32
    %div3A_178 = arith.constant 16 : i32
    %div3A_179 = arith.divsi %add3A_177, %div3A_178 : i32
    %while3A_180 = arith.constant 16 : i32
    %while3A_181 = arith.constant 0 : i32
    %while3A_182 = arith.subi %div3A_179, %while3A_181 : i32
    %while3A_183 = arith.addi %while3A_181, %while3A_182 : i32
    %while3A_184 = arith.constant 1 : i32
    %while3A_185 = arith.divsi %while3A_182, %while3A_184 : i32
    %while3A_186 = arith.muli %while3A_185, %while3A_184 : i32
    %while3A_187 = arith.addi %while3A_181, %while3A_186 : i32
    %while3A_188 = arith.constant 1 : i32
    scf.for %while3A_190 = %while3A_181 to %while3A_187 step %while3A_188  : i32 {
      %mul3A_191 = arith.muli %while3A_190, %while3A_180 : i32
      %add3A_192 = arith.addi %arg1, %mul3A_191 : i32
      %mul3A_193 = arith.constant 160000 : i32
      %mul3A_194 = arith.muli %arg0, %mul3A_193 : i32
      %mul3A_195 = arith.constant 3200 : i32
      %mul3A_196 = arith.muli %add3A_192, %mul3A_195 : i32
      %add3A_197 = arith.addi %mul3A_194, %mul3A_196 : i32
      %run_scoped3A = arith.constant 0 : i32
      %run_scoped3A_198 = arith.constant 0 : i32
      "tpu.region"() ({
        %run_scoped3A_210 = tpu.sem_alloc : memref<!tpu.dma_semaphore, #tpu.memory_space<semaphore_mem>>
        %dma_start3A_211 = arith.constant 0 : i32
        %dma_start3A_212 = tpu.memref_slice %arg11[%run_scoped3A_198, %dma_start3A_211] : memref<4x3200xf32, #tpu.memory_space<vmem>> -> memref<1x3200xf32, #tpu.memory_space<vmem>>
        %dma_start3A_213 = tpu.memref_squeeze %dma_start3A_212 : memref<1x3200xf32, #tpu.memory_space<vmem>> -> memref<3200xf32, #tpu.memory_space<vmem>>
        %dma_start3A_214 = arith.constant 0 : i32
        %dma_start3A_215 = tpu.memref_slice %arg5[%run_scoped3A, %dma_start3A_214] : memref<4x320000xf32, #tpu.memory_space<hbm>> -> memref<1x320000xf32, #tpu.memory_space<hbm>>
        %dma_start3A_216 = tpu.memref_squeeze %dma_start3A_215 : memref<1x320000xf32, #tpu.memory_space<hbm>> -> memref<320000xf32, #tpu.memory_space<hbm>>
        %dma_start3A_217 = tpu.memref_slice %dma_start3A_216[%add3A_197] : memref<320000xf32, #tpu.memory_space<hbm>> -> memref<3200xf32, #tpu.memory_space<hbm>>
        %dma_start3A_218 = arith.constant 0 : i32
        %dma_start3A_219 = tpu.memref_slice %arg11[%run_scoped3A_198, %dma_start3A_218] : memref<4x3200xf32, #tpu.memory_space<vmem>> -> memref<1x3200xf32, #tpu.memory_space<vmem>>
        %dma_start3A_220 = tpu.memref_squeeze %dma_start3A_219 : memref<1x3200xf32, #tpu.memory_space<vmem>> -> memref<3200xf32, #tpu.memory_space<vmem>>
        %dma_start3A_221 = arith.constant 0 : i32
        %dma_start3A_222 = tpu.memref_slice %arg5[%run_scoped3A, %dma_start3A_221] : memref<4x320000xf32, #tpu.memory_space<hbm>> -> memref<1x320000xf32, #tpu.memory_space<hbm>>
        %dma_start3A_223 = tpu.memref_squeeze %dma_start3A_222 : memref<1x320000xf32, #tpu.memory_space<hbm>> -> memref<320000xf32, #tpu.memory_space<hbm>>
        %dma_start3A_224 = tpu.memref_slice %dma_start3A_223[%add3A_197] : memref<320000xf32, #tpu.memory_space<hbm>> -> memref<3200xf32, #tpu.memory_space<hbm>>
        tpu.enqueue_dma source(%dma_start3A_224 : memref<3200xf32, #tpu.memory_space<hbm>>) target(%dma_start3A_220 : memref<3200xf32, #tpu.memory_space<vmem>>) target_semaphore(%run_scoped3A_210 : memref<!tpu.dma_semaphore, #tpu.memory_space<semaphore_mem>>)
        %dma_wait3A_225 = arith.constant 0 : i32
        %dma_wait3A_226 = tpu.memref_slice %arg11[%run_scoped3A_198, %dma_wait3A_225] : memref<4x3200xf32, #tpu.memory_space<vmem>> -> memref<1x3200xf32, #tpu.memory_space<vmem>>
        %dma_wait3A_227 = tpu.memref_squeeze %dma_wait3A_226 : memref<1x3200xf32, #tpu.memory_space<vmem>> -> memref<3200xf32, #tpu.memory_space<vmem>>
        %dma_wait3A_228 = arith.constant 0 : i32
        %dma_wait3A_229 = tpu.memref_slice %arg5[%run_scoped3A, %dma_wait3A_228] : memref<4x320000xf32, #tpu.memory_space<hbm>> -> memref<1x320000xf32, #tpu.memory_space<hbm>>
        %dma_wait3A_230 = tpu.memref_squeeze %dma_wait3A_229 : memref<1x320000xf32, #tpu.memory_space<hbm>> -> memref<320000xf32, #tpu.memory_space<hbm>>
        %dma_wait3A_231 = tpu.memref_slice %dma_wait3A_230[%add3A_197] : memref<320000xf32, #tpu.memory_space<hbm>> -> memref<3200xf32, #tpu.memory_space<hbm>>
        %dma_wait3A_232 = arith.constant 0 : i32
        %dma_wait3A_233 = tpu.memref_slice %arg11[%run_scoped3A_198, %dma_wait3A_232] : memref<4x3200xf32, #tpu.memory_space<vmem>> -> memref<1x3200xf32, #tpu.memory_space<vmem>>
        %dma_wait3A_234 = tpu.memref_squeeze %dma_wait3A_233 : memref<1x3200xf32, #tpu.memory_space<vmem>> -> memref<3200xf32, #tpu.memory_space<vmem>>
        %dma_wait3A_235 = arith.constant 0 : i32
        %dma_wait3A_236 = tpu.memref_slice %arg5[%run_scoped3A, %dma_wait3A_235] : memref<4x320000xf32, #tpu.memory_space<hbm>> -> memref<1x320000xf32, #tpu.memory_space<hbm>>
        %dma_wait3A_237 = tpu.memref_squeeze %dma_wait3A_236 : memref<1x320000xf32, #tpu.memory_space<hbm>> -> memref<320000xf32, #tpu.memory_space<hbm>>
        %dma_wait3A_238 = tpu.memref_slice %dma_wait3A_237[%add3A_197] : memref<320000xf32, #tpu.memory_space<hbm>> -> memref<3200xf32, #tpu.memory_space<hbm>>
        tpu.wait_dma2 semaphore(%run_scoped3A_210 : memref<!tpu.dma_semaphore, #tpu.memory_space<semaphore_mem>>) src(%dma_wait3A_238 : memref<3200xf32, #tpu.memory_space<hbm>>) dst(%dma_wait3A_234 : memref<3200xf32, #tpu.memory_space<vmem>>)
        tpu.yield
      }) : () -> ()
      %run_scoped3A_199 = arith.constant 1 : i32
      %run_scoped3A_200 = arith.constant 1 : i32
      "tpu.region"() ({
        %run_scoped3A_210 = tpu.sem_alloc : memref<!tpu.dma_semaphore, #tpu.memory_space<semaphore_mem>>
        %dma_start3A_211 = arith.constant 0 : i32
        %dma_start3A_212 = tpu.memref_slice %arg11[%run_scoped3A_200, %dma_start3A_211] : memref<4x3200xf32, #tpu.memory_space<vmem>> -> memref<1x3200xf32, #tpu.memory_space<vmem>>
        %dma_start3A_213 = tpu.memref_squeeze %dma_start3A_212 : memref<1x3200xf32, #tpu.memory_space<vmem>> -> memref<3200xf32, #tpu.memory_space<vmem>>
        %dma_start3A_214 = arith.constant 0 : i32
        %dma_start3A_215 = tpu.memref_slice %arg5[%run_scoped3A_199, %dma_start3A_214] : memref<4x320000xf32, #tpu.memory_space<hbm>> -> memref<1x320000xf32, #tpu.memory_space<hbm>>
        %dma_start3A_216 = tpu.memref_squeeze %dma_start3A_215 : memref<1x320000xf32, #tpu.memory_space<hbm>> -> memref<320000xf32, #tpu.memory_space<hbm>>
        %dma_start3A_217 = tpu.memref_slice %dma_start3A_216[%add3A_197] : memref<320000xf32, #tpu.memory_space<hbm>> -> memref<3200xf32, #tpu.memory_space<hbm>>
        %dma_start3A_218 = arith.constant 0 : i32
        %dma_start3A_219 = tpu.memref_slice %arg11[%run_scoped3A_200, %dma_start3A_218] : memref<4x3200xf32, #tpu.memory_space<vmem>> -> memref<1x3200xf32, #tpu.memory_space<vmem>>
        %dma_start3A_220 = tpu.memref_squeeze %dma_start3A_219 : memref<1x3200xf32, #tpu.memory_space<vmem>> -> memref<3200xf32, #tpu.memory_space<vmem>>
        %dma_start3A_221 = arith.constant 0 : i32
        %dma_start3A_222 = tpu.memref_slice %arg5[%run_scoped3A_199, %dma_start3A_221] : memref<4x320000xf32, #tpu.memory_space<hbm>> -> memref<1x320000xf32, #tpu.memory_space<hbm>>
        %dma_start3A_223 = tpu.memref_squeeze %dma_start3A_222 : memref<1x320000xf32, #tpu.memory_space<hbm>> -> memref<320000xf32, #tpu.memory_space<hbm>>
        %dma_start3A_224 = tpu.memref_slice %dma_start3A_223[%add3A_197] : memref<320000xf32, #tpu.memory_space<hbm>> -> memref<3200xf32, #tpu.memory_space<hbm>>
        tpu.enqueue_dma source(%dma_start3A_224 : memref<3200xf32, #tpu.memory_space<hbm>>) target(%dma_start3A_220 : memref<3200xf32, #tpu.memory_space<vmem>>) target_semaphore(%run_scoped3A_210 : memref<!tpu.dma_semaphore, #tpu.memory_space<semaphore_mem>>)
        %dma_wait3A_225 = arith.constant 0 : i32
        %dma_wait3A_226 = tpu.memref_slice %arg11[%run_scoped3A_200, %dma_wait3A_225] : memref<4x3200xf32, #tpu.memory_space<vmem>> -> memref<1x3200xf32, #tpu.memory_space<vmem>>
        %dma_wait3A_227 = tpu.memref_squeeze %dma_wait3A_226 : memref<1x3200xf32, #tpu.memory_space<vmem>> -> memref<3200xf32, #tpu.memory_space<vmem>>
        %dma_wait3A_228 = arith.constant 0 : i32
        %dma_wait3A_229 = tpu.memref_slice %arg5[%run_scoped3A_199, %dma_wait3A_228] : memref<4x320000xf32, #tpu.memory_space<hbm>> -> memref<1x320000xf32, #tpu.memory_space<hbm>>
        %dma_wait3A_230 = tpu.memref_squeeze %dma_wait3A_229 : memref<1x320000xf32, #tpu.memory_space<hbm>> -> memref<320000xf32, #tpu.memory_space<hbm>>
        %dma_wait3A_231 = tpu.memref_slice %dma_wait3A_230[%add3A_197] : memref<320000xf32, #tpu.memory_space<hbm>> -> memref<3200xf32, #tpu.memory_space<hbm>>
        %dma_wait3A_232 = arith.constant 0 : i32
        %dma_wait3A_233 = tpu.memref_slice %arg11[%run_scoped3A_200, %dma_wait3A_232] : memref<4x3200xf32, #tpu.memory_space<vmem>> -> memref<1x3200xf32, #tpu.memory_space<vmem>>
        %dma_wait3A_234 = tpu.memref_squeeze %dma_wait3A_233 : memref<1x3200xf32, #tpu.memory_space<vmem>> -> memref<3200xf32, #tpu.memory_space<vmem>>
        %dma_wait3A_235 = arith.constant 0 : i32
        %dma_wait3A_236 = tpu.memref_slice %arg5[%run_scoped3A_199, %dma_wait3A_235] : memref<4x320000xf32, #tpu.memory_space<hbm>> -> memref<1x320000xf32, #tpu.memory_space<hbm>>
        %dma_wait3A_237 = tpu.memref_squeeze %dma_wait3A_236 : memref<1x320000xf32, #tpu.memory_space<hbm>> -> memref<320000xf32, #tpu.memory_space<hbm>>
        %dma_wait3A_238 = tpu.memref_slice %dma_wait3A_237[%add3A_197] : memref<320000xf32, #tpu.memory_space<hbm>> -> memref<3200xf32, #tpu.memory_space<hbm>>
        tpu.wait_dma2 semaphore(%run_scoped3A_210 : memref<!tpu.dma_semaphore, #tpu.memory_space<semaphore_mem>>) src(%dma_wait3A_238 : memref<3200xf32, #tpu.memory_space<hbm>>) dst(%dma_wait3A_234 : memref<3200xf32, #tpu.memory_space<vmem>>)
        tpu.yield
      }) : () -> ()
      %run_scoped3A_201 = arith.constant 2 : i32
      %run_scoped3A_202 = arith.constant 2 : i32
      "tpu.region"() ({
        %run_scoped3A_210 = tpu.sem_alloc : memref<!tpu.dma_semaphore, #tpu.memory_space<semaphore_mem>>
        %dma_start3A_211 = arith.constant 0 : i32
        %dma_start3A_212 = tpu.memref_slice %arg11[%run_scoped3A_202, %dma_start3A_211] : memref<4x3200xf32, #tpu.memory_space<vmem>> -> memref<1x3200xf32, #tpu.memory_space<vmem>>
        %dma_start3A_213 = tpu.memref_squeeze %dma_start3A_212 : memref<1x3200xf32, #tpu.memory_space<vmem>> -> memref<3200xf32, #tpu.memory_space<vmem>>
        %dma_start3A_214 = arith.constant 0 : i32
        %dma_start3A_215 = tpu.memref_slice %arg5[%run_scoped3A_201, %dma_start3A_214] : memref<4x320000xf32, #tpu.memory_space<hbm>> -> memref<1x320000xf32, #tpu.memory_space<hbm>>
        %dma_start3A_216 = tpu.memref_squeeze %dma_start3A_215 : memref<1x320000xf32, #tpu.memory_space<hbm>> -> memref<320000xf32, #tpu.memory_space<hbm>>
        %dma_start3A_217 = tpu.memref_slice %dma_start3A_216[%add3A_197] : memref<320000xf32, #tpu.memory_space<hbm>> -> memref<3200xf32, #tpu.memory_space<hbm>>
        %dma_start3A_218 = arith.constant 0 : i32
        %dma_start3A_219 = tpu.memref_slice %arg11[%run_scoped3A_202, %dma_start3A_218] : memref<4x3200xf32, #tpu.memory_space<vmem>> -> memref<1x3200xf32, #tpu.memory_space<vmem>>
        %dma_start3A_220 = tpu.memref_squeeze %dma_start3A_219 : memref<1x3200xf32, #tpu.memory_space<vmem>> -> memref<3200xf32, #tpu.memory_space<vmem>>
        %dma_start3A_221 = arith.constant 0 : i32
        %dma_start3A_222 = tpu.memref_slice %arg5[%run_scoped3A_201, %dma_start3A_221] : memref<4x320000xf32, #tpu.memory_space<hbm>> -> memref<1x320000xf32, #tpu.memory_space<hbm>>
        %dma_start3A_223 = tpu.memref_squeeze %dma_start3A_222 : memref<1x320000xf32, #tpu.memory_space<hbm>> -> memref<320000xf32, #tpu.memory_space<hbm>>
        %dma_start3A_224 = tpu.memref_slice %dma_start3A_223[%add3A_197] : memref<320000xf32, #tpu.memory_space<hbm>> -> memref<3200xf32, #tpu.memory_space<hbm>>
        tpu.enqueue_dma source(%dma_start3A_224 : memref<3200xf32, #tpu.memory_space<hbm>>) target(%dma_start3A_220 : memref<3200xf32, #tpu.memory_space<vmem>>) target_semaphore(%run_scoped3A_210 : memref<!tpu.dma_semaphore, #tpu.memory_space<semaphore_mem>>)
        %dma_wait3A_225 = arith.constant 0 : i32
        %dma_wait3A_226 = tpu.memref_slice %arg11[%run_scoped3A_202, %dma_wait3A_225] : memref<4x3200xf32, #tpu.memory_space<vmem>> -> memref<1x3200xf32, #tpu.memory_space<vmem>>
        %dma_wait3A_227 = tpu.memref_squeeze %dma_wait3A_226 : memref<1x3200xf32, #tpu.memory_space<vmem>> -> memref<3200xf32, #tpu.memory_space<vmem>>
        %dma_wait3A_228 = arith.constant 0 : i32
        %dma_wait3A_229 = tpu.memref_slice %arg5[%run_scoped3A_201, %dma_wait3A_228] : memref<4x320000xf32, #tpu.memory_space<hbm>> -> memref<1x320000xf32, #tpu.memory_space<hbm>>
        %dma_wait3A_230 = tpu.memref_squeeze %dma_wait3A_229 : memref<1x320000xf32, #tpu.memory_space<hbm>> -> memref<320000xf32, #tpu.memory_space<hbm>>
        %dma_wait3A_231 = tpu.memref_slice %dma_wait3A_230[%add3A_197] : memref<320000xf32, #tpu.memory_space<hbm>> -> memref<3200xf32, #tpu.memory_space<hbm>>
        %dma_wait3A_232 = arith.constant 0 : i32
        %dma_wait3A_233 = tpu.memref_slice %arg11[%run_scoped3A_202, %dma_wait3A_232] : memref<4x3200xf32, #tpu.memory_space<vmem>> -> memref<1x3200xf32, #tpu.memory_space<vmem>>
        %dma_wait3A_234 = tpu.memref_squeeze %dma_wait3A_233 : memref<1x3200xf32, #tpu.memory_space<vmem>> -> memref<3200xf32, #tpu.memory_space<vmem>>
        %dma_wait3A_235 = arith.constant 0 : i32
        %dma_wait3A_236 = tpu.memref_slice %arg5[%run_scoped3A_201, %dma_wait3A_235] : memref<4x320000xf32, #tpu.memory_space<hbm>> -> memref<1x320000xf32, #tpu.memory_space<hbm>>
        %dma_wait3A_237 = tpu.memref_squeeze %dma_wait3A_236 : memref<1x320000xf32, #tpu.memory_space<hbm>> -> memref<320000xf32, #tpu.memory_space<hbm>>
        %dma_wait3A_238 = tpu.memref_slice %dma_wait3A_237[%add3A_197] : memref<320000xf32, #tpu.memory_space<hbm>> -> memref<3200xf32, #tpu.memory_space<hbm>>
        tpu.wait_dma2 semaphore(%run_scoped3A_210 : memref<!tpu.dma_semaphore, #tpu.memory_space<semaphore_mem>>) src(%dma_wait3A_238 : memref<3200xf32, #tpu.memory_space<hbm>>) dst(%dma_wait3A_234 : memref<3200xf32, #tpu.memory_space<vmem>>)
        tpu.yield
      }) : () -> ()
      %run_scoped3A_203 = arith.constant 3 : i32
      %run_scoped3A_204 = arith.constant 3 : i32
      "tpu.region"() ({
        %run_scoped3A_210 = tpu.sem_alloc : memref<!tpu.dma_semaphore, #tpu.memory_space<semaphore_mem>>
        %dma_start3A_211 = arith.constant 0 : i32
        %dma_start3A_212 = tpu.memref_slice %arg11[%run_scoped3A_204, %dma_start3A_211] : memref<4x3200xf32, #tpu.memory_space<vmem>> -> memref<1x3200xf32, #tpu.memory_space<vmem>>
        %dma_start3A_213 = tpu.memref_squeeze %dma_start3A_212 : memref<1x3200xf32, #tpu.memory_space<vmem>> -> memref<3200xf32, #tpu.memory_space<vmem>>
        %dma_start3A_214 = arith.constant 0 : i32
        %dma_start3A_215 = tpu.memref_slice %arg5[%run_scoped3A_203, %dma_start3A_214] : memref<4x320000xf32, #tpu.memory_space<hbm>> -> memref<1x320000xf32, #tpu.memory_space<hbm>>
        %dma_start3A_216 = tpu.memref_squeeze %dma_start3A_215 : memref<1x320000xf32, #tpu.memory_space<hbm>> -> memref<320000xf32, #tpu.memory_space<hbm>>
        %dma_start3A_217 = tpu.memref_slice %dma_start3A_216[%add3A_197] : memref<320000xf32, #tpu.memory_space<hbm>> -> memref<3200xf32, #tpu.memory_space<hbm>>
        %dma_start3A_218 = arith.constant 0 : i32
        %dma_start3A_219 = tpu.memref_slice %arg11[%run_scoped3A_204, %dma_start3A_218] : memref<4x3200xf32, #tpu.memory_space<vmem>> -> memref<1x3200xf32, #tpu.memory_space<vmem>>
        %dma_start3A_220 = tpu.memref_squeeze %dma_start3A_219 : memref<1x3200xf32, #tpu.memory_space<vmem>> -> memref<3200xf32, #tpu.memory_space<vmem>>
        %dma_start3A_221 = arith.constant 0 : i32
        %dma_start3A_222 = tpu.memref_slice %arg5[%run_scoped3A_203, %dma_start3A_221] : memref<4x320000xf32, #tpu.memory_space<hbm>> -> memref<1x320000xf32, #tpu.memory_space<hbm>>
        %dma_start3A_223 = tpu.memref_squeeze %dma_start3A_222 : memref<1x320000xf32, #tpu.memory_space<hbm>> -> memref<320000xf32, #tpu.memory_space<hbm>>
        %dma_start3A_224 = tpu.memref_slice %dma_start3A_223[%add3A_197] : memref<320000xf32, #tpu.memory_space<hbm>> -> memref<3200xf32, #tpu.memory_space<hbm>>
        tpu.enqueue_dma source(%dma_start3A_224 : memref<3200xf32, #tpu.memory_space<hbm>>) target(%dma_start3A_220 : memref<3200xf32, #tpu.memory_space<vmem>>) target_semaphore(%run_scoped3A_210 : memref<!tpu.dma_semaphore, #tpu.memory_space<semaphore_mem>>)
        %dma_wait3A_225 = arith.constant 0 : i32
        %dma_wait3A_226 = tpu.memref_slice %arg11[%run_scoped3A_204, %dma_wait3A_225] : memref<4x3200xf32, #tpu.memory_space<vmem>> -> memref<1x3200xf32, #tpu.memory_space<vmem>>
        %dma_wait3A_227 = tpu.memref_squeeze %dma_wait3A_226 : memref<1x3200xf32, #tpu.memory_space<vmem>> -> memref<3200xf32, #tpu.memory_space<vmem>>
        %dma_wait3A_228 = arith.constant 0 : i32
        %dma_wait3A_229 = tpu.memref_slice %arg5[%run_scoped3A_203, %dma_wait3A_228] : memref<4x320000xf32, #tpu.memory_space<hbm>> -> memref<1x320000xf32, #tpu.memory_space<hbm>>
        %dma_wait3A_230 = tpu.memref_squeeze %dma_wait3A_229 : memref<1x320000xf32, #tpu.memory_space<hbm>> -> memref<320000xf32, #tpu.memory_space<hbm>>
        %dma_wait3A_231 = tpu.memref_slice %dma_wait3A_230[%add3A_197] : memref<320000xf32, #tpu.memory_space<hbm>> -> memref<3200xf32, #tpu.memory_space<hbm>>
        %dma_wait3A_232 = arith.constant 0 : i32
        %dma_wait3A_233 = tpu.memref_slice %arg11[%run_scoped3A_204, %dma_wait3A_232] : memref<4x3200xf32, #tpu.memory_space<vmem>> -> memref<1x3200xf32, #tpu.memory_space<vmem>>
        %dma_wait3A_234 = tpu.memref_squeeze %dma_wait3A_233 : memref<1x3200xf32, #tpu.memory_space<vmem>> -> memref<3200xf32, #tpu.memory_space<vmem>>
        %dma_wait3A_235 = arith.constant 0 : i32
        %dma_wait3A_236 = tpu.memref_slice %arg5[%run_scoped3A_203, %dma_wait3A_235] : memref<4x320000xf32, #tpu.memory_space<hbm>> -> memref<1x320000xf32, #tpu.memory_space<hbm>>
        %dma_wait3A_237 = tpu.memref_squeeze %dma_wait3A_236 : memref<1x320000xf32, #tpu.memory_space<hbm>> -> memref<320000xf32, #tpu.memory_space<hbm>>
        %dma_wait3A_238 = tpu.memref_slice %dma_wait3A_237[%add3A_197] : memref<320000xf32, #tpu.memory_space<hbm>> -> memref<3200xf32, #tpu.memory_space<hbm>>
        tpu.wait_dma2 semaphore(%run_scoped3A_210 : memref<!tpu.dma_semaphore, #tpu.memory_space<semaphore_mem>>) src(%dma_wait3A_238 : memref<3200xf32, #tpu.memory_space<hbm>>) dst(%dma_wait3A_234 : memref<3200xf32, #tpu.memory_space<vmem>>)
        tpu.yield
      }) : () -> ()
      %scan3A = arith.constant 0 : i32
      %scan3A_205 = arith.constant 200 : i32
      %scan3A_206 = arith.addi %scan3A, %scan3A_205 : i32
      %scan3A_207 = arith.constant 4 : i32
      scf.for %scan3A_210 = %scan3A to %scan3A_206 step %scan3A_207  : i32 {
        %mul3A_211 = arith.constant 1 : i32
        %mul3A_212 = arith.muli %scan3A_210, %mul3A_211 : i32
        %add3A_213 = arith.constant 0 : i32
        %add3A_214 = arith.addi %add3A_213, %mul3A_212 : i32
        %mul3A_215 = arith.constant 16 : i32
        %mul3A_216 = arith.muli %add3A_214, %mul3A_215 : i32
        %get3A = arith.constant 0 : i32
        %get3A_217 = arith.index_cast %get3A : i32 to index
        %get3A_218 = arith.index_cast %mul3A_216 : i32 to index
        %get3A_219 = tpu.vector_load %arg11[%get3A_217, %get3A_218] {strides = array<i32>} : memref<4x3200xf32, #tpu.memory_space<vmem>>, vector<16xf32>,
        %get3A_220 = arith.constant 1 : i32
        %get3A_221 = arith.index_cast %get3A_220 : i32 to index
        %get3A_222 = arith.index_cast %mul3A_216 : i32 to index
        %get3A_223 = tpu.vector_load %arg11[%get3A_221, %get3A_222] {strides = array<i32>} : memref<4x3200xf32, #tpu.memory_space<vmem>>, vector<16xf32>,
        %add3A_224 = arith.addf %get3A_219, %get3A_223 : vector<16xf32>
        %get3A_225 = arith.constant 2 : i32
        %get3A_226 = arith.index_cast %get3A_225 : i32 to index
        %get3A_227 = arith.index_cast %mul3A_216 : i32 to index
        %get3A_228 = tpu.vector_load %arg11[%get3A_226, %get3A_227] {strides = array<i32>} : memref<4x3200xf32, #tpu.memory_space<vmem>>, vector<16xf32>,
        %add3A_229 = arith.addf %add3A_224, %get3A_228 : vector<16xf32>
        %get3A_230 = arith.constant 3 : i32
        %get3A_231 = arith.index_cast %get3A_230 : i32 to index
        %get3A_232 = arith.index_cast %mul3A_216 : i32 to index
        %get3A_233 = tpu.vector_load %arg11[%get3A_231, %get3A_232] {strides = array<i32>} : memref<4x3200xf32, #tpu.memory_space<vmem>>, vector<16xf32>,
        %add3A_234 = arith.addf %add3A_229, %get3A_233 : vector<16xf32>
        %swap3A = arith.constant 0 : i32
        %swap3A_235 = arith.index_cast %swap3A : i32 to index
        %swap3A_236 = arith.index_cast %mul3A_216 : i32 to index
        %swap3A_237 = tpu.vector_load %arg10[%swap3A_235, %swap3A_236] {strides = array<i32>} : memref<2x3200xf32, #tpu.memory_space<vmem>>, vector<16xf32>,
        tpu.vector_store %arg10[%swap3A_235, %swap3A_236], %add3A_234 {strides = array<i32>} : memref<2x3200xf32, #tpu.memory_space<vmem>>, vector<16xf32>,
        %scan3A_238 = arith.constant 1 : i32
        %scan3A_239 = arith.addi %scan3A_210, %scan3A_238 : i32
        %mul3A_240 = arith.constant 1 : i32
        %mul3A_241 = arith.muli %scan3A_239, %mul3A_240 : i32
        %add3A_242 = arith.constant 0 : i32
        %add3A_243 = arith.addi %add3A_242, %mul3A_241 : i32
        %mul3A_244 = arith.constant 16 : i32
        %mul3A_245 = arith.muli %add3A_243, %mul3A_244 : i32
        %get3A_246 = arith.constant 0 : i32
        %get3A_247 = arith.index_cast %get3A_246 : i32 to index
        %get3A_248 = arith.index_cast %mul3A_245 : i32 to index
        %get3A_249 = tpu.vector_load %arg11[%get3A_247, %get3A_248] {strides = array<i32>} : memref<4x3200xf32, #tpu.memory_space<vmem>>, vector<16xf32>,
        %get3A_250 = arith.constant 1 : i32
        %get3A_251 = arith.index_cast %get3A_250 : i32 to index
        %get3A_252 = arith.index_cast %mul3A_245 : i32 to index
        %get3A_253 = tpu.vector_load %arg11[%get3A_251, %get3A_252] {strides = array<i32>} : memref<4x3200xf32, #tpu.memory_space<vmem>>, vector<16xf32>,
        %add3A_254 = arith.addf %get3A_249, %get3A_253 : vector<16xf32>
        %get3A_255 = arith.constant 2 : i32
        %get3A_256 = arith.index_cast %get3A_255 : i32 to index
        %get3A_257 = arith.index_cast %mul3A_245 : i32 to index
        %get3A_258 = tpu.vector_load %arg11[%get3A_256, %get3A_257] {strides = array<i32>} : memref<4x3200xf32, #tpu.memory_space<vmem>>, vector<16xf32>,
        %add3A_259 = arith.addf %add3A_254, %get3A_258 : vector<16xf32>
        %get3A_260 = arith.constant 3 : i32
        %get3A_261 = arith.index_cast %get3A_260 : i32 to index
        %get3A_262 = arith.index_cast %mul3A_245 : i32 to index
        %get3A_263 = tpu.vector_load %arg11[%get3A_261, %get3A_262] {strides = array<i32>} : memref<4x3200xf32, #tpu.memory_space<vmem>>, vector<16xf32>,
        %add3A_264 = arith.addf %add3A_259, %get3A_263 : vector<16xf32>
        %swap3A_265 = arith.constant 0 : i32
        %swap3A_266 = arith.index_cast %swap3A_265 : i32 to index
        %swap3A_267 = arith.index_cast %mul3A_245 : i32 to index
        %swap3A_268 = tpu.vector_load %arg10[%swap3A_266, %swap3A_267] {strides = array<i32>} : memref<2x3200xf32, #tpu.memory_space<vmem>>, vector<16xf32>,
        tpu.vector_store %arg10[%swap3A_266, %swap3A_267], %add3A_264 {strides = array<i32>} : memref<2x3200xf32, #tpu.memory_space<vmem>>, vector<16xf32>,
        %scan3A_269 = arith.constant 2 : i32
        %scan3A_270 = arith.addi %scan3A_210, %scan3A_269 : i32
        %mul3A_271 = arith.constant 1 : i32
        %mul3A_272 = arith.muli %scan3A_270, %mul3A_271 : i32
        %add3A_273 = arith.constant 0 : i32
        %add3A_274 = arith.addi %add3A_273, %mul3A_272 : i32
        %mul3A_275 = arith.constant 16 : i32
        %mul3A_276 = arith.muli %add3A_274, %mul3A_275 : i32
        %get3A_277 = arith.constant 0 : i32
        %get3A_278 = arith.index_cast %get3A_277 : i32 to index
        %get3A_279 = arith.index_cast %mul3A_276 : i32 to index
        %get3A_280 = tpu.vector_load %arg11[%get3A_278, %get3A_279] {strides = array<i32>} : memref<4x3200xf32, #tpu.memory_space<vmem>>, vector<16xf32>,
        %get3A_281 = arith.constant 1 : i32
        %get3A_282 = arith.index_cast %get3A_281 : i32 to index
        %get3A_283 = arith.index_cast %mul3A_276 : i32 to index
        %get3A_284 = tpu.vector_load %arg11[%get3A_282, %get3A_283] {strides = array<i32>} : memref<4x3200xf32, #tpu.memory_space<vmem>>, vector<16xf32>,
        %add3A_285 = arith.addf %get3A_280, %get3A_284 : vector<16xf32>
        %get3A_286 = arith.constant 2 : i32
        %get3A_287 = arith.index_cast %get3A_286 : i32 to index
        %get3A_288 = arith.index_cast %mul3A_276 : i32 to index
        %get3A_289 = tpu.vector_load %arg11[%get3A_287, %get3A_288] {strides = array<i32>} : memref<4x3200xf32, #tpu.memory_space<vmem>>, vector<16xf32>,
        %add3A_290 = arith.addf %add3A_285, %get3A_289 : vector<16xf32>
        %get3A_291 = arith.constant 3 : i32
        %get3A_292 = arith.index_cast %get3A_291 : i32 to index
        %get3A_293 = arith.index_cast %mul3A_276 : i32 to index
        %get3A_294 = tpu.vector_load %arg11[%get3A_292, %get3A_293] {strides = array<i32>} : memref<4x3200xf32, #tpu.memory_space<vmem>>, vector<16xf32>,
        %add3A_295 = arith.addf %add3A_290, %get3A_294 : vector<16xf32>
        %swap3A_296 = arith.constant 0 : i32
        %swap3A_297 = arith.index_cast %swap3A_296 : i32 to index
        %swap3A_298 = arith.index_cast %mul3A_276 : i32 to index
        %swap3A_299 = tpu.vector_load %arg10[%swap3A_297, %swap3A_298] {strides = array<i32>} : memref<2x3200xf32, #tpu.memory_space<vmem>>, vector<16xf32>,
        tpu.vector_store %arg10[%swap3A_297, %swap3A_298], %add3A_295 {strides = array<i32>} : memref<2x3200xf32, #tpu.memory_space<vmem>>, vector<16xf32>,
        %scan3A_300 = arith.constant 3 : i32
        %scan3A_301 = arith.addi %scan3A_210, %scan3A_300 : i32
        %mul3A_302 = arith.constant 1 : i32
        %mul3A_303 = arith.muli %scan3A_301, %mul3A_302 : i32
        %add3A_304 = arith.constant 0 : i32
        %add3A_305 = arith.addi %add3A_304, %mul3A_303 : i32
        %mul3A_306 = arith.constant 16 : i32
        %mul3A_307 = arith.muli %add3A_305, %mul3A_306 : i32
        %get3A_308 = arith.constant 0 : i32
        %get3A_309 = arith.index_cast %get3A_308 : i32 to index
        %get3A_310 = arith.index_cast %mul3A_307 : i32 to index
        %get3A_311 = tpu.vector_load %arg11[%get3A_309, %get3A_310] {strides = array<i32>} : memref<4x3200xf32, #tpu.memory_space<vmem>>, vector<16xf32>,
        %get3A_312 = arith.constant 1 : i32
        %get3A_313 = arith.index_cast %get3A_312 : i32 to index
        %get3A_314 = arith.index_cast %mul3A_307 : i32 to index
        %get3A_315 = tpu.vector_load %arg11[%get3A_313, %get3A_314] {strides = array<i32>} : memref<4x3200xf32, #tpu.memory_space<vmem>>, vector<16xf32>,
        %add3A_316 = arith.addf %get3A_311, %get3A_315 : vector<16xf32>
        %get3A_317 = arith.constant 2 : i32
        %get3A_318 = arith.index_cast %get3A_317 : i32 to index
        %get3A_319 = arith.index_cast %mul3A_307 : i32 to index
        %get3A_320 = tpu.vector_load %arg11[%get3A_318, %get3A_319] {strides = array<i32>} : memref<4x3200xf32, #tpu.memory_space<vmem>>, vector<16xf32>,
        %add3A_321 = arith.addf %add3A_316, %get3A_320 : vector<16xf32>
        %get3A_322 = arith.constant 3 : i32
        %get3A_323 = arith.index_cast %get3A_322 : i32 to index
        %get3A_324 = arith.index_cast %mul3A_307 : i32 to index
        %get3A_325 = tpu.vector_load %arg11[%get3A_323, %get3A_324] {strides = array<i32>} : memref<4x3200xf32, #tpu.memory_space<vmem>>, vector<16xf32>,
        %add3A_326 = arith.addf %add3A_321, %get3A_325 : vector<16xf32>
        %swap3A_327 = arith.constant 0 : i32
        %swap3A_328 = arith.index_cast %swap3A_327 : i32 to index
        %swap3A_329 = arith.index_cast %mul3A_307 : i32 to index
        %swap3A_330 = tpu.vector_load %arg10[%swap3A_328, %swap3A_329] {strides = array<i32>} : memref<2x3200xf32, #tpu.memory_space<vmem>>, vector<16xf32>,
        tpu.vector_store %arg10[%swap3A_328, %swap3A_329], %add3A_326 {strides = array<i32>} : memref<2x3200xf32, #tpu.memory_space<vmem>>, vector<16xf32>,
      }
      %scan3A_208 = arith.constant 200 : i32
      %run_scoped3A_209 = arith.constant 0 : i32
      "tpu.region"() ({
        %run_scoped3A_210 = tpu.sem_alloc : memref<!tpu.dma_semaphore, #tpu.memory_space<semaphore_mem>>
        %dma_start3A_211 = arith.constant 0 : i32
        %dma_start3A_212 = tpu.memref_slice %arg10[%run_scoped3A_209, %dma_start3A_211] : memref<2x3200xf32, #tpu.memory_space<vmem>> -> memref<1x3200xf32, #tpu.memory_space<vmem>>
        %dma_start3A_213 = tpu.memref_squeeze %dma_start3A_212 : memref<1x3200xf32, #tpu.memory_space<vmem>> -> memref<3200xf32, #tpu.memory_space<vmem>>
        %dma_start3A_214 = tpu.memref_slice %arg6[%add3A_197] : memref<320000xf32, #tpu.memory_space<hbm>> -> memref<3200xf32, #tpu.memory_space<hbm>>
        %dma_start3A_215 = tpu.memref_slice %arg6[%add3A_197] : memref<320000xf32, #tpu.memory_space<hbm>> -> memref<3200xf32, #tpu.memory_space<hbm>>
        %dma_start3A_216 = arith.constant 0 : i32
        %dma_start3A_217 = tpu.memref_slice %arg10[%run_scoped3A_209, %dma_start3A_216] : memref<2x3200xf32, #tpu.memory_space<vmem>> -> memref<1x3200xf32, #tpu.memory_space<vmem>>
        %dma_start3A_218 = tpu.memref_squeeze %dma_start3A_217 : memref<1x3200xf32, #tpu.memory_space<vmem>> -> memref<3200xf32, #tpu.memory_space<vmem>>
        tpu.enqueue_dma source(%dma_start3A_218 : memref<3200xf32, #tpu.memory_space<vmem>>) target(%dma_start3A_215 : memref<3200xf32, #tpu.memory_space<hbm>>) target_semaphore(%run_scoped3A_210 : memref<!tpu.dma_semaphore, #tpu.memory_space<semaphore_mem>>)
        %dma_wait3A_219 = arith.constant 0 : i32
        %dma_wait3A_220 = tpu.memref_slice %arg10[%run_scoped3A_209, %dma_wait3A_219] : memref<2x3200xf32, #tpu.memory_space<vmem>> -> memref<1x3200xf32, #tpu.memory_space<vmem>>
        %dma_wait3A_221 = tpu.memref_squeeze %dma_wait3A_220 : memref<1x3200xf32, #tpu.memory_space<vmem>> -> memref<3200xf32, #tpu.memory_space<vmem>>
        %dma_wait3A_222 = tpu.memref_slice %arg6[%add3A_197] : memref<320000xf32, #tpu.memory_space<hbm>> -> memref<3200xf32, #tpu.memory_space<hbm>>
        %dma_wait3A_223 = tpu.memref_slice %arg6[%add3A_197] : memref<320000xf32, #tpu.memory_space<hbm>> -> memref<3200xf32, #tpu.memory_space<hbm>>
        %dma_wait3A_224 = arith.constant 0 : i32
        %dma_wait3A_225 = tpu.memref_slice %arg10[%run_scoped3A_209, %dma_wait3A_224] : memref<2x3200xf32, #tpu.memory_space<vmem>> -> memref<1x3200xf32, #tpu.memory_space<vmem>>
        %dma_wait3A_226 = tpu.memref_squeeze %dma_wait3A_225 : memref<1x3200xf32, #tpu.memory_space<vmem>> -> memref<3200xf32, #tpu.memory_space<vmem>>
        tpu.wait_dma2 semaphore(%run_scoped3A_210 : memref<!tpu.dma_semaphore, #tpu.memory_space<semaphore_mem>>) src(%dma_wait3A_226 : memref<3200xf32, #tpu.memory_space<vmem>>) dst(%dma_wait3A_223 : memref<3200xf32, #tpu.memory_space<hbm>>)
        tpu.yield
      }) : () -> ()
    }
    %while3A_189 = arith.constant 1 : i32
    scf.for %while3A_190 = %while3A_187 to %while3A_183 step %while3A_189  : i32 {
      %mul3A_191 = arith.muli %while3A_190, %while3A_180 : i32
      %add3A_192 = arith.addi %arg1, %mul3A_191 : i32
      %mul3A_193 = arith.constant 160000 : i32
      %mul3A_194 = arith.muli %arg0, %mul3A_193 : i32
      %mul3A_195 = arith.constant 3200 : i32
      %mul3A_196 = arith.muli %add3A_192, %mul3A_195 : i32
      %add3A_197 = arith.addi %mul3A_194, %mul3A_196 : i32
      %run_scoped3A = arith.constant 0 : i32
      %run_scoped3A_198 = arith.constant 0 : i32
      "tpu.region"() ({
        %run_scoped3A_210 = tpu.sem_alloc : memref<!tpu.dma_semaphore, #tpu.memory_space<semaphore_mem>>
        %dma_start3A_211 = arith.constant 0 : i32
        %dma_start3A_212 = tpu.memref_slice %arg11[%run_scoped3A_198, %dma_start3A_211] : memref<4x3200xf32, #tpu.memory_space<vmem>> -> memref<1x3200xf32, #tpu.memory_space<vmem>>
        %dma_start3A_213 = tpu.memref_squeeze %dma_start3A_212 : memref<1x3200xf32, #tpu.memory_space<vmem>> -> memref<3200xf32, #tpu.memory_space<vmem>>
        %dma_start3A_214 = arith.constant 0 : i32
        %dma_start3A_215 = tpu.memref_slice %arg5[%run_scoped3A, %dma_start3A_214] : memref<4x320000xf32, #tpu.memory_space<hbm>> -> memref<1x320000xf32, #tpu.memory_space<hbm>>
        %dma_start3A_216 = tpu.memref_squeeze %dma_start3A_215 : memref<1x320000xf32, #tpu.memory_space<hbm>> -> memref<320000xf32, #tpu.memory_space<hbm>>
        %dma_start3A_217 = tpu.memref_slice %dma_start3A_216[%add3A_197] : memref<320000xf32, #tpu.memory_space<hbm>> -> memref<3200xf32, #tpu.memory_space<hbm>>
        %dma_start3A_218 = arith.constant 0 : i32
        %dma_start3A_219 = tpu.memref_slice %arg11[%run_scoped3A_198, %dma_start3A_218] : memref<4x3200xf32, #tpu.memory_space<vmem>> -> memref<1x3200xf32, #tpu.memory_space<vmem>>
        %dma_start3A_220 = tpu.memref_squeeze %dma_start3A_219 : memref<1x3200xf32, #tpu.memory_space<vmem>> -> memref<3200xf32, #tpu.memory_space<vmem>>
        %dma_start3A_221 = arith.constant 0 : i32
        %dma_start3A_222 = tpu.memref_slice %arg5[%run_scoped3A, %dma_start3A_221] : memref<4x320000xf32, #tpu.memory_space<hbm>> -> memref<1x320000xf32, #tpu.memory_space<hbm>>
        %dma_start3A_223 = tpu.memref_squeeze %dma_start3A_222 : memref<1x320000xf32, #tpu.memory_space<hbm>> -> memref<320000xf32, #tpu.memory_space<hbm>>
        %dma_start3A_224 = tpu.memref_slice %dma_start3A_223[%add3A_197] : memref<320000xf32, #tpu.memory_space<hbm>> -> memref<3200xf32, #tpu.memory_space<hbm>>
        tpu.enqueue_dma source(%dma_start3A_224 : memref<3200xf32, #tpu.memory_space<hbm>>) target(%dma_start3A_220 : memref<3200xf32, #tpu.memory_space<vmem>>) target_semaphore(%run_scoped3A_210 : memref<!tpu.dma_semaphore, #tpu.memory_space<semaphore_mem>>)
        %dma_wait3A_225 = arith.constant 0 : i32
        %dma_wait3A_226 = tpu.memref_slice %arg11[%run_scoped3A_198, %dma_wait3A_225] : memref<4x3200xf32, #tpu.memory_space<vmem>> -> memref<1x3200xf32, #tpu.memory_space<vmem>>
        %dma_wait3A_227 = tpu.memref_squeeze %dma_wait3A_226 : memref<1x3200xf32, #tpu.memory_space<vmem>> -> memref<3200xf32, #tpu.memory_space<vmem>>
        %dma_wait3A_228 = arith.constant 0 : i32
        %dma_wait3A_229 = tpu.memref_slice %arg5[%run_scoped3A, %dma_wait3A_228] : memref<4x320000xf32, #tpu.memory_space<hbm>> -> memref<1x320000xf32, #tpu.memory_space<hbm>>
        %dma_wait3A_230 = tpu.memref_squeeze %dma_wait3A_229 : memref<1x320000xf32, #tpu.memory_space<hbm>> -> memref<320000xf32, #tpu.memory_space<hbm>>
        %dma_wait3A_231 = tpu.memref_slice %dma_wait3A_230[%add3A_197] : memref<320000xf32, #tpu.memory_space<hbm>> -> memref<3200xf32, #tpu.memory_space<hbm>>
        %dma_wait3A_232 = arith.constant 0 : i32
        %dma_wait3A_233 = tpu.memref_slice %arg11[%run_scoped3A_198, %dma_wait3A_232] : memref<4x3200xf32, #tpu.memory_space<vmem>> -> memref<1x3200xf32, #tpu.memory_space<vmem>>
        %dma_wait3A_234 = tpu.memref_squeeze %dma_wait3A_233 : memref<1x3200xf32, #tpu.memory_space<vmem>> -> memref<3200xf32, #tpu.memory_space<vmem>>
        %dma_wait3A_235 = arith.constant 0 : i32
        %dma_wait3A_236 = tpu.memref_slice %arg5[%run_scoped3A, %dma_wait3A_235] : memref<4x320000xf32, #tpu.memory_space<hbm>> -> memref<1x320000xf32, #tpu.memory_space<hbm>>
        %dma_wait3A_237 = tpu.memref_squeeze %dma_wait3A_236 : memref<1x320000xf32, #tpu.memory_space<hbm>> -> memref<320000xf32, #tpu.memory_space<hbm>>
        %dma_wait3A_238 = tpu.memref_slice %dma_wait3A_237[%add3A_197] : memref<320000xf32, #tpu.memory_space<hbm>> -> memref<3200xf32, #tpu.memory_space<hbm>>
        tpu.wait_dma2 semaphore(%run_scoped3A_210 : memref<!tpu.dma_semaphore, #tpu.memory_space<semaphore_mem>>) src(%dma_wait3A_238 : memref<3200xf32, #tpu.memory_space<hbm>>) dst(%dma_wait3A_234 : memref<3200xf32, #tpu.memory_space<vmem>>)
        tpu.yield
      }) : () -> ()
      %run_scoped3A_199 = arith.constant 1 : i32
      %run_scoped3A_200 = arith.constant 1 : i32
      "tpu.region"() ({
        %run_scoped3A_210 = tpu.sem_alloc : memref<!tpu.dma_semaphore, #tpu.memory_space<semaphore_mem>>
        %dma_start3A_211 = arith.constant 0 : i32
        %dma_start3A_212 = tpu.memref_slice %arg11[%run_scoped3A_200, %dma_start3A_211] : memref<4x3200xf32, #tpu.memory_space<vmem>> -> memref<1x3200xf32, #tpu.memory_space<vmem>>
        %dma_start3A_213 = tpu.memref_squeeze %dma_start3A_212 : memref<1x3200xf32, #tpu.memory_space<vmem>> -> memref<3200xf32, #tpu.memory_space<vmem>>
        %dma_start3A_214 = arith.constant 0 : i32
        %dma_start3A_215 = tpu.memref_slice %arg5[%run_scoped3A_199, %dma_start3A_214] : memref<4x320000xf32, #tpu.memory_space<hbm>> -> memref<1x320000xf32, #tpu.memory_space<hbm>>
        %dma_start3A_216 = tpu.memref_squeeze %dma_start3A_215 : memref<1x320000xf32, #tpu.memory_space<hbm>> -> memref<320000xf32, #tpu.memory_space<hbm>>
        %dma_start3A_217 = tpu.memref_slice %dma_start3A_216[%add3A_197] : memref<320000xf32, #tpu.memory_space<hbm>> -> memref<3200xf32, #tpu.memory_space<hbm>>
        %dma_start3A_218 = arith.constant 0 : i32
        %dma_start3A_219 = tpu.memref_slice %arg11[%run_scoped3A_200, %dma_start3A_218] : memref<4x3200xf32, #tpu.memory_space<vmem>> -> memref<1x3200xf32, #tpu.memory_space<vmem>>
        %dma_start3A_220 = tpu.memref_squeeze %dma_start3A_219 : memref<1x3200xf32, #tpu.memory_space<vmem>> -> memref<3200xf32, #tpu.memory_space<vmem>>
        %dma_start3A_221 = arith.constant 0 : i32
        %dma_start3A_222 = tpu.memref_slice %arg5[%run_scoped3A_199, %dma_start3A_221] : memref<4x320000xf32, #tpu.memory_space<hbm>> -> memref<1x320000xf32, #tpu.memory_space<hbm>>
        %dma_start3A_223 = tpu.memref_squeeze %dma_start3A_222 : memref<1x320000xf32, #tpu.memory_space<hbm>> -> memref<320000xf32, #tpu.memory_space<hbm>>
        %dma_start3A_224 = tpu.memref_slice %dma_start3A_223[%add3A_197] : memref<320000xf32, #tpu.memory_space<hbm>> -> memref<3200xf32, #tpu.memory_space<hbm>>
        tpu.enqueue_dma source(%dma_start3A_224 : memref<3200xf32, #tpu.memory_space<hbm>>) target(%dma_start3A_220 : memref<3200xf32, #tpu.memory_space<vmem>>) target_semaphore(%run_scoped3A_210 : memref<!tpu.dma_semaphore, #tpu.memory_space<semaphore_mem>>)
        %dma_wait3A_225 = arith.constant 0 : i32
        %dma_wait3A_226 = tpu.memref_slice %arg11[%run_scoped3A_200, %dma_wait3A_225] : memref<4x3200xf32, #tpu.memory_space<vmem>> -> memref<1x3200xf32, #tpu.memory_space<vmem>>
        %dma_wait3A_227 = tpu.memref_squeeze %dma_wait3A_226 : memref<1x3200xf32, #tpu.memory_space<vmem>> -> memref<3200xf32, #tpu.memory_space<vmem>>
        %dma_wait3A_228 = arith.constant 0 : i32
        %dma_wait3A_229 = tpu.memref_slice %arg5[%run_scoped3A_199, %dma_wait3A_228] : memref<4x320000xf32, #tpu.memory_space<hbm>> -> memref<1x320000xf32, #tpu.memory_space<hbm>>
        %dma_wait3A_230 = tpu.memref_squeeze %dma_wait3A_229 : memref<1x320000xf32, #tpu.memory_space<hbm>> -> memref<320000xf32, #tpu.memory_space<hbm>>
        %dma_wait3A_231 = tpu.memref_slice %dma_wait3A_230[%add3A_197] : memref<320000xf32, #tpu.memory_space<hbm>> -> memref<3200xf32, #tpu.memory_space<hbm>>
        %dma_wait3A_232 = arith.constant 0 : i32
        %dma_wait3A_233 = tpu.memref_slice %arg11[%run_scoped3A_200, %dma_wait3A_232] : memref<4x3200xf32, #tpu.memory_space<vmem>> -> memref<1x3200xf32, #tpu.memory_space<vmem>>
        %dma_wait3A_234 = tpu.memref_squeeze %dma_wait3A_233 : memref<1x3200xf32, #tpu.memory_space<vmem>> -> memref<3200xf32, #tpu.memory_space<vmem>>
        %dma_wait3A_235 = arith.constant 0 : i32
        %dma_wait3A_236 = tpu.memref_slice %arg5[%run_scoped3A_199, %dma_wait3A_235] : memref<4x320000xf32, #tpu.memory_space<hbm>> -> memref<1x320000xf32, #tpu.memory_space<hbm>>
        %dma_wait3A_237 = tpu.memref_squeeze %dma_wait3A_236 : memref<1x320000xf32, #tpu.memory_space<hbm>> -> memref<320000xf32, #tpu.memory_space<hbm>>
        %dma_wait3A_238 = tpu.memref_slice %dma_wait3A_237[%add3A_197] : memref<320000xf32, #tpu.memory_space<hbm>> -> memref<3200xf32, #tpu.memory_space<hbm>>
        tpu.wait_dma2 semaphore(%run_scoped3A_210 : memref<!tpu.dma_semaphore, #tpu.memory_space<semaphore_mem>>) src(%dma_wait3A_238 : memref<3200xf32, #tpu.memory_space<hbm>>) dst(%dma_wait3A_234 : memref<3200xf32, #tpu.memory_space<vmem>>)
        tpu.yield
      }) : () -> ()
      %run_scoped3A_201 = arith.constant 2 : i32
      %run_scoped3A_202 = arith.constant 2 : i32
      "tpu.region"() ({
        %run_scoped3A_210 = tpu.sem_alloc : memref<!tpu.dma_semaphore, #tpu.memory_space<semaphore_mem>>
        %dma_start3A_211 = arith.constant 0 : i32
        %dma_start3A_212 = tpu.memref_slice %arg11[%run_scoped3A_202, %dma_start3A_211] : memref<4x3200xf32, #tpu.memory_space<vmem>> -> memref<1x3200xf32, #tpu.memory_space<vmem>>
        %dma_start3A_213 = tpu.memref_squeeze %dma_start3A_212 : memref<1x3200xf32, #tpu.memory_space<vmem>> -> memref<3200xf32, #tpu.memory_space<vmem>>
        %dma_start3A_214 = arith.constant 0 : i32
        %dma_start3A_215 = tpu.memref_slice %arg5[%run_scoped3A_201, %dma_start3A_214] : memref<4x320000xf32, #tpu.memory_space<hbm>> -> memref<1x320000xf32, #tpu.memory_space<hbm>>
        %dma_start3A_216 = tpu.memref_squeeze %dma_start3A_215 : memref<1x320000xf32, #tpu.memory_space<hbm>> -> memref<320000xf32, #tpu.memory_space<hbm>>
        %dma_start3A_217 = tpu.memref_slice %dma_start3A_216[%add3A_197] : memref<320000xf32, #tpu.memory_space<hbm>> -> memref<3200xf32, #tpu.memory_space<hbm>>
        %dma_start3A_218 = arith.constant 0 : i32
        %dma_start3A_219 = tpu.memref_slice %arg11[%run_scoped3A_202, %dma_start3A_218] : memref<4x3200xf32, #tpu.memory_space<vmem>> -> memref<1x3200xf32, #tpu.memory_space<vmem>>
        %dma_start3A_220 = tpu.memref_squeeze %dma_start3A_219 : memref<1x3200xf32, #tpu.memory_space<vmem>> -> memref<3200xf32, #tpu.memory_space<vmem>>
        %dma_start3A_221 = arith.constant 0 : i32
        %dma_start3A_222 = tpu.memref_slice %arg5[%run_scoped3A_201, %dma_start3A_221] : memref<4x320000xf32, #tpu.memory_space<hbm>> -> memref<1x320000xf32, #tpu.memory_space<hbm>>
        %dma_start3A_223 = tpu.memref_squeeze %dma_start3A_222 : memref<1x320000xf32, #tpu.memory_space<hbm>> -> memref<320000xf32, #tpu.memory_space<hbm>>
        %dma_start3A_224 = tpu.memref_slice %dma_start3A_223[%add3A_197] : memref<320000xf32, #tpu.memory_space<hbm>> -> memref<3200xf32, #tpu.memory_space<hbm>>
        tpu.enqueue_dma source(%dma_start3A_224 : memref<3200xf32, #tpu.memory_space<hbm>>) target(%dma_start3A_220 : memref<3200xf32, #tpu.memory_space<vmem>>) target_semaphore(%run_scoped3A_210 : memref<!tpu.dma_semaphore, #tpu.memory_space<semaphore_mem>>)
        %dma_wait3A_225 = arith.constant 0 : i32
        %dma_wait3A_226 = tpu.memref_slice %arg11[%run_scoped3A_202, %dma_wait3A_225] : memref<4x3200xf32, #tpu.memory_space<vmem>> -> memref<1x3200xf32, #tpu.memory_space<vmem>>
        %dma_wait3A_227 = tpu.memref_squeeze %dma_wait3A_226 : memref<1x3200xf32, #tpu.memory_space<vmem>> -> memref<3200xf32, #tpu.memory_space<vmem>>
        %dma_wait3A_228 = arith.constant 0 : i32
        %dma_wait3A_229 = tpu.memref_slice %arg5[%run_scoped3A_201, %dma_wait3A_228] : memref<4x320000xf32, #tpu.memory_space<hbm>> -> memref<1x320000xf32, #tpu.memory_space<hbm>>
        %dma_wait3A_230 = tpu.memref_squeeze %dma_wait3A_229 : memref<1x320000xf32, #tpu.memory_space<hbm>> -> memref<320000xf32, #tpu.memory_space<hbm>>
        %dma_wait3A_231 = tpu.memref_slice %dma_wait3A_230[%add3A_197] : memref<320000xf32, #tpu.memory_space<hbm>> -> memref<3200xf32, #tpu.memory_space<hbm>>
        %dma_wait3A_232 = arith.constant 0 : i32
        %dma_wait3A_233 = tpu.memref_slice %arg11[%run_scoped3A_202, %dma_wait3A_232] : memref<4x3200xf32, #tpu.memory_space<vmem>> -> memref<1x3200xf32, #tpu.memory_space<vmem>>
        %dma_wait3A_234 = tpu.memref_squeeze %dma_wait3A_233 : memref<1x3200xf32, #tpu.memory_space<vmem>> -> memref<3200xf32, #tpu.memory_space<vmem>>
        %dma_wait3A_235 = arith.constant 0 : i32
        %dma_wait3A_236 = tpu.memref_slice %arg5[%run_scoped3A_201, %dma_wait3A_235] : memref<4x320000xf32, #tpu.memory_space<hbm>> -> memref<1x320000xf32, #tpu.memory_space<hbm>>
        %dma_wait3A_237 = tpu.memref_squeeze %dma_wait3A_236 : memref<1x320000xf32, #tpu.memory_space<hbm>> -> memref<320000xf32, #tpu.memory_space<hbm>>
        %dma_wait3A_238 = tpu.memref_slice %dma_wait3A_237[%add3A_197] : memref<320000xf32, #tpu.memory_space<hbm>> -> memref<3200xf32, #tpu.memory_space<hbm>>
        tpu.wait_dma2 semaphore(%run_scoped3A_210 : memref<!tpu.dma_semaphore, #tpu.memory_space<semaphore_mem>>) src(%dma_wait3A_238 : memref<3200xf32, #tpu.memory_space<hbm>>) dst(%dma_wait3A_234 : memref<3200xf32, #tpu.memory_space<vmem>>)
        tpu.yield
      }) : () -> ()
      %run_scoped3A_203 = arith.constant 3 : i32
      %run_scoped3A_204 = arith.constant 3 : i32
      "tpu.region"() ({
        %run_scoped3A_210 = tpu.sem_alloc : memref<!tpu.dma_semaphore, #tpu.memory_space<semaphore_mem>>
        %dma_start3A_211 = arith.constant 0 : i32
        %dma_start3A_212 = tpu.memref_slice %arg11[%run_scoped3A_204, %dma_start3A_211] : memref<4x3200xf32, #tpu.memory_space<vmem>> -> memref<1x3200xf32, #tpu.memory_space<vmem>>
        %dma_start3A_213 = tpu.memref_squeeze %dma_start3A_212 : memref<1x3200xf32, #tpu.memory_space<vmem>> -> memref<3200xf32, #tpu.memory_space<vmem>>
        %dma_start3A_214 = arith.constant 0 : i32
        %dma_start3A_215 = tpu.memref_slice %arg5[%run_scoped3A_203, %dma_start3A_214] : memref<4x320000xf32, #tpu.memory_space<hbm>> -> memref<1x320000xf32, #tpu.memory_space<hbm>>
        %dma_start3A_216 = tpu.memref_squeeze %dma_start3A_215 : memref<1x320000xf32, #tpu.memory_space<hbm>> -> memref<320000xf32, #tpu.memory_space<hbm>>
        %dma_start3A_217 = tpu.memref_slice %dma_start3A_216[%add3A_197] : memref<320000xf32, #tpu.memory_space<hbm>> -> memref<3200xf32, #tpu.memory_space<hbm>>
        %dma_start3A_218 = arith.constant 0 : i32
        %dma_start3A_219 = tpu.memref_slice %arg11[%run_scoped3A_204, %dma_start3A_218] : memref<4x3200xf32, #tpu.memory_space<vmem>> -> memref<1x3200xf32, #tpu.memory_space<vmem>>
        %dma_start3A_220 = tpu.memref_squeeze %dma_start3A_219 : memref<1x3200xf32, #tpu.memory_space<vmem>> -> memref<3200xf32, #tpu.memory_space<vmem>>
        %dma_start3A_221 = arith.constant 0 : i32
        %dma_start3A_222 = tpu.memref_slice %arg5[%run_scoped3A_203, %dma_start3A_221] : memref<4x320000xf32, #tpu.memory_space<hbm>> -> memref<1x320000xf32, #tpu.memory_space<hbm>>
        %dma_start3A_223 = tpu.memref_squeeze %dma_start3A_222 : memref<1x320000xf32, #tpu.memory_space<hbm>> -> memref<320000xf32, #tpu.memory_space<hbm>>
        %dma_start3A_224 = tpu.memref_slice %dma_start3A_223[%add3A_197] : memref<320000xf32, #tpu.memory_space<hbm>> -> memref<3200xf32, #tpu.memory_space<hbm>>
        tpu.enqueue_dma source(%dma_start3A_224 : memref<3200xf32, #tpu.memory_space<hbm>>) target(%dma_start3A_220 : memref<3200xf32, #tpu.memory_space<vmem>>) target_semaphore(%run_scoped3A_210 : memref<!tpu.dma_semaphore, #tpu.memory_space<semaphore_mem>>)
        %dma_wait3A_225 = arith.constant 0 : i32
        %dma_wait3A_226 = tpu.memref_slice %arg11[%run_scoped3A_204, %dma_wait3A_225] : memref<4x3200xf32, #tpu.memory_space<vmem>> -> memref<1x3200xf32, #tpu.memory_space<vmem>>
        %dma_wait3A_227 = tpu.memref_squeeze %dma_wait3A_226 : memref<1x3200xf32, #tpu.memory_space<vmem>> -> memref<3200xf32, #tpu.memory_space<vmem>>
        %dma_wait3A_228 = arith.constant 0 : i32
        %dma_wait3A_229 = tpu.memref_slice %arg5[%run_scoped3A_203, %dma_wait3A_228] : memref<4x320000xf32, #tpu.memory_space<hbm>> -> memref<1x320000xf32, #tpu.memory_space<hbm>>
        %dma_wait3A_230 = tpu.memref_squeeze %dma_wait3A_229 : memref<1x320000xf32, #tpu.memory_space<hbm>> -> memref<320000xf32, #tpu.memory_space<hbm>>
        %dma_wait3A_231 = tpu.memref_slice %dma_wait3A_230[%add3A_197] : memref<320000xf32, #tpu.memory_space<hbm>> -> memref<3200xf32, #tpu.memory_space<hbm>>
        %dma_wait3A_232 = arith.constant 0 : i32
        %dma_wait3A_233 = tpu.memref_slice %arg11[%run_scoped3A_204, %dma_wait3A_232] : memref<4x3200xf32, #tpu.memory_space<vmem>> -> memref<1x3200xf32, #tpu.memory_space<vmem>>
        %dma_wait3A_234 = tpu.memref_squeeze %dma_wait3A_233 : memref<1x3200xf32, #tpu.memory_space<vmem>> -> memref<3200xf32, #tpu.memory_space<vmem>>
        %dma_wait3A_235 = arith.constant 0 : i32
        %dma_wait3A_236 = tpu.memref_slice %arg5[%run_scoped3A_203, %dma_wait3A_235] : memref<4x320000xf32, #tpu.memory_space<hbm>> -> memref<1x320000xf32, #tpu.memory_space<hbm>>
        %dma_wait3A_237 = tpu.memref_squeeze %dma_wait3A_236 : memref<1x320000xf32, #tpu.memory_space<hbm>> -> memref<320000xf32, #tpu.memory_space<hbm>>
        %dma_wait3A_238 = tpu.memref_slice %dma_wait3A_237[%add3A_197] : memref<320000xf32, #tpu.memory_space<hbm>> -> memref<3200xf32, #tpu.memory_space<hbm>>
        tpu.wait_dma2 semaphore(%run_scoped3A_210 : memref<!tpu.dma_semaphore, #tpu.memory_space<semaphore_mem>>) src(%dma_wait3A_238 : memref<3200xf32, #tpu.memory_space<hbm>>) dst(%dma_wait3A_234 : memref<3200xf32, #tpu.memory_space<vmem>>)
        tpu.yield
      }) : () -> ()
      %scan3A = arith.constant 0 : i32
      %scan3A_205 = arith.constant 200 : i32
      %scan3A_206 = arith.addi %scan3A, %scan3A_205 : i32
      %scan3A_207 = arith.constant 4 : i32
      scf.for %scan3A_210 = %scan3A to %scan3A_206 step %scan3A_207  : i32 {
        %mul3A_211 = arith.constant 1 : i32
        %mul3A_212 = arith.muli %scan3A_210, %mul3A_211 : i32
        %add3A_213 = arith.constant 0 : i32
        %add3A_214 = arith.addi %add3A_213, %mul3A_212 : i32
        %mul3A_215 = arith.constant 16 : i32
        %mul3A_216 = arith.muli %add3A_214, %mul3A_215 : i32
        %get3A = arith.constant 0 : i32
        %get3A_217 = arith.index_cast %get3A : i32 to index
        %get3A_218 = arith.index_cast %mul3A_216 : i32 to index
        %get3A_219 = tpu.vector_load %arg11[%get3A_217, %get3A_218] {strides = array<i32>} : memref<4x3200xf32, #tpu.memory_space<vmem>>, vector<16xf32>,
        %get3A_220 = arith.constant 1 : i32
        %get3A_221 = arith.index_cast %get3A_220 : i32 to index
        %get3A_222 = arith.index_cast %mul3A_216 : i32 to index
        %get3A_223 = tpu.vector_load %arg11[%get3A_221, %get3A_222] {strides = array<i32>} : memref<4x3200xf32, #tpu.memory_space<vmem>>, vector<16xf32>,
        %add3A_224 = arith.addf %get3A_219, %get3A_223 : vector<16xf32>
        %get3A_225 = arith.constant 2 : i32
        %get3A_226 = arith.index_cast %get3A_225 : i32 to index
        %get3A_227 = arith.index_cast %mul3A_216 : i32 to index
        %get3A_228 = tpu.vector_load %arg11[%get3A_226, %get3A_227] {strides = array<i32>} : memref<4x3200xf32, #tpu.memory_space<vmem>>, vector<16xf32>,
        %add3A_229 = arith.addf %add3A_224, %get3A_228 : vector<16xf32>
        %get3A_230 = arith.constant 3 : i32
        %get3A_231 = arith.index_cast %get3A_230 : i32 to index
        %get3A_232 = arith.index_cast %mul3A_216 : i32 to index
        %get3A_233 = tpu.vector_load %arg11[%get3A_231, %get3A_232] {strides = array<i32>} : memref<4x3200xf32, #tpu.memory_space<vmem>>, vector<16xf32>,
        %add3A_234 = arith.addf %add3A_229, %get3A_233 : vector<16xf32>
        %swap3A = arith.constant 0 : i32
        %swap3A_235 = arith.index_cast %swap3A : i32 to index
        %swap3A_236 = arith.index_cast %mul3A_216 : i32 to index
        %swap3A_237 = tpu.vector_load %arg10[%swap3A_235, %swap3A_236] {strides = array<i32>} : memref<2x3200xf32, #tpu.memory_space<vmem>>, vector<16xf32>,
        tpu.vector_store %arg10[%swap3A_235, %swap3A_236], %add3A_234 {strides = array<i32>} : memref<2x3200xf32, #tpu.memory_space<vmem>>, vector<16xf32>,
        %scan3A_238 = arith.constant 1 : i32
        %scan3A_239 = arith.addi %scan3A_210, %scan3A_238 : i32
        %mul3A_240 = arith.constant 1 : i32
        %mul3A_241 = arith.muli %scan3A_239, %mul3A_240 : i32
        %add3A_242 = arith.constant 0 : i32
        %add3A_243 = arith.addi %add3A_242, %mul3A_241 : i32
        %mul3A_244 = arith.constant 16 : i32
        %mul3A_245 = arith.muli %add3A_243, %mul3A_244 : i32
        %get3A_246 = arith.constant 0 : i32
        %get3A_247 = arith.index_cast %get3A_246 : i32 to index
        %get3A_248 = arith.index_cast %mul3A_245 : i32 to index
        %get3A_249 = tpu.vector_load %arg11[%get3A_247, %get3A_248] {strides = array<i32>} : memref<4x3200xf32, #tpu.memory_space<vmem>>, vector<16xf32>,
        %get3A_250 = arith.constant 1 : i32
        %get3A_251 = arith.index_cast %get3A_250 : i32 to index
        %get3A_252 = arith.index_cast %mul3A_245 : i32 to index
        %get3A_253 = tpu.vector_load %arg11[%get3A_251, %get3A_252] {strides = array<i32>} : memref<4x3200xf32, #tpu.memory_space<vmem>>, vector<16xf32>,
        %add3A_254 = arith.addf %get3A_249, %get3A_253 : vector<16xf32>
        %get3A_255 = arith.constant 2 : i32
        %get3A_256 = arith.index_cast %get3A_255 : i32 to index
        %get3A_257 = arith.index_cast %mul3A_245 : i32 to index
        %get3A_258 = tpu.vector_load %arg11[%get3A_256, %get3A_257] {strides = array<i32>} : memref<4x3200xf32, #tpu.memory_space<vmem>>, vector<16xf32>,
        %add3A_259 = arith.addf %add3A_254, %get3A_258 : vector<16xf32>
        %get3A_260 = arith.constant 3 : i32
        %get3A_261 = arith.index_cast %get3A_260 : i32 to index
        %get3A_262 = arith.index_cast %mul3A_245 : i32 to index
        %get3A_263 = tpu.vector_load %arg11[%get3A_261, %get3A_262] {strides = array<i32>} : memref<4x3200xf32, #tpu.memory_space<vmem>>, vector<16xf32>,
        %add3A_264 = arith.addf %add3A_259, %get3A_263 : vector<16xf32>
        %swap3A_265 = arith.constant 0 : i32
        %swap3A_266 = arith.index_cast %swap3A_265 : i32 to index
        %swap3A_267 = arith.index_cast %mul3A_245 : i32 to index
        %swap3A_268 = tpu.vector_load %arg10[%swap3A_266, %swap3A_267] {strides = array<i32>} : memref<2x3200xf32, #tpu.memory_space<vmem>>, vector<16xf32>,
        tpu.vector_store %arg10[%swap3A_266, %swap3A_267], %add3A_264 {strides = array<i32>} : memref<2x3200xf32, #tpu.memory_space<vmem>>, vector<16xf32>,
        %scan3A_269 = arith.constant 2 : i32
        %scan3A_270 = arith.addi %scan3A_210, %scan3A_269 : i32
        %mul3A_271 = arith.constant 1 : i32
        %mul3A_272 = arith.muli %scan3A_270, %mul3A_271 : i32
        %add3A_273 = arith.constant 0 : i32
        %add3A_274 = arith.addi %add3A_273, %mul3A_272 : i32
        %mul3A_275 = arith.constant 16 : i32
        %mul3A_276 = arith.muli %add3A_274, %mul3A_275 : i32
        %get3A_277 = arith.constant 0 : i32
        %get3A_278 = arith.index_cast %get3A_277 : i32 to index
        %get3A_279 = arith.index_cast %mul3A_276 : i32 to index
        %get3A_280 = tpu.vector_load %arg11[%get3A_278, %get3A_279] {strides = array<i32>} : memref<4x3200xf32, #tpu.memory_space<vmem>>, vector<16xf32>,
        %get3A_281 = arith.constant 1 : i32
        %get3A_282 = arith.index_cast %get3A_281 : i32 to index
        %get3A_283 = arith.index_cast %mul3A_276 : i32 to index
        %get3A_284 = tpu.vector_load %arg11[%get3A_282, %get3A_283] {strides = array<i32>} : memref<4x3200xf32, #tpu.memory_space<vmem>>, vector<16xf32>,
        %add3A_285 = arith.addf %get3A_280, %get3A_284 : vector<16xf32>
        %get3A_286 = arith.constant 2 : i32
        %get3A_287 = arith.index_cast %get3A_286 : i32 to index
        %get3A_288 = arith.index_cast %mul3A_276 : i32 to index
        %get3A_289 = tpu.vector_load %arg11[%get3A_287, %get3A_288] {strides = array<i32>} : memref<4x3200xf32, #tpu.memory_space<vmem>>, vector<16xf32>,
        %add3A_290 = arith.addf %add3A_285, %get3A_289 : vector<16xf32>
        %get3A_291 = arith.constant 3 : i32
        %get3A_292 = arith.index_cast %get3A_291 : i32 to index
        %get3A_293 = arith.index_cast %mul3A_276 : i32 to index
        %get3A_294 = tpu.vector_load %arg11[%get3A_292, %get3A_293] {strides = array<i32>} : memref<4x3200xf32, #tpu.memory_space<vmem>>, vector<16xf32>,
        %add3A_295 = arith.addf %add3A_290, %get3A_294 : vector<16xf32>
        %swap3A_296 = arith.constant 0 : i32
        %swap3A_297 = arith.index_cast %swap3A_296 : i32 to index
        %swap3A_298 = arith.index_cast %mul3A_276 : i32 to index
        %swap3A_299 = tpu.vector_load %arg10[%swap3A_297, %swap3A_298] {strides = array<i32>} : memref<2x3200xf32, #tpu.memory_space<vmem>>, vector<16xf32>,
        tpu.vector_store %arg10[%swap3A_297, %swap3A_298], %add3A_295 {strides = array<i32>} : memref<2x3200xf32, #tpu.memory_space<vmem>>, vector<16xf32>,
        %scan3A_300 = arith.constant 3 : i32
        %scan3A_301 = arith.addi %scan3A_210, %scan3A_300 : i32
        %mul3A_302 = arith.constant 1 : i32
        %mul3A_303 = arith.muli %scan3A_301, %mul3A_302 : i32
        %add3A_304 = arith.constant 0 : i32
        %add3A_305 = arith.addi %add3A_304, %mul3A_303 : i32
        %mul3A_306 = arith.constant 16 : i32
        %mul3A_307 = arith.muli %add3A_305, %mul3A_306 : i32
        %get3A_308 = arith.constant 0 : i32
        %get3A_309 = arith.index_cast %get3A_308 : i32 to index
        %get3A_310 = arith.index_cast %mul3A_307 : i32 to index
        %get3A_311 = tpu.vector_load %arg11[%get3A_309, %get3A_310] {strides = array<i32>} : memref<4x3200xf32, #tpu.memory_space<vmem>>, vector<16xf32>,
        %get3A_312 = arith.constant 1 : i32
        %get3A_313 = arith.index_cast %get3A_312 : i32 to index
        %get3A_314 = arith.index_cast %mul3A_307 : i32 to index
        %get3A_315 = tpu.vector_load %arg11[%get3A_313, %get3A_314] {strides = array<i32>} : memref<4x3200xf32, #tpu.memory_space<vmem>>, vector<16xf32>,
        %add3A_316 = arith.addf %get3A_311, %get3A_315 : vector<16xf32>
        %get3A_317 = arith.constant 2 : i32
        %get3A_318 = arith.index_cast %get3A_317 : i32 to index
        %get3A_319 = arith.index_cast %mul3A_307 : i32 to index
        %get3A_320 = tpu.vector_load %arg11[%get3A_318, %get3A_319] {strides = array<i32>} : memref<4x3200xf32, #tpu.memory_space<vmem>>, vector<16xf32>,
        %add3A_321 = arith.addf %add3A_316, %get3A_320 : vector<16xf32>
        %get3A_322 = arith.constant 3 : i32
        %get3A_323 = arith.index_cast %get3A_322 : i32 to index
        %get3A_324 = arith.index_cast %mul3A_307 : i32 to index
        %get3A_325 = tpu.vector_load %arg11[%get3A_323, %get3A_324] {strides = array<i32>} : memref<4x3200xf32, #tpu.memory_space<vmem>>, vector<16xf32>,
        %add3A_326 = arith.addf %add3A_321, %get3A_325 : vector<16xf32>
        %swap3A_327 = arith.constant 0 : i32
        %swap3A_328 = arith.index_cast %swap3A_327 : i32 to index
        %swap3A_329 = arith.index_cast %mul3A_307 : i32 to index
        %swap3A_330 = tpu.vector_load %arg10[%swap3A_328, %swap3A_329] {strides = array<i32>} : memref<2x3200xf32, #tpu.memory_space<vmem>>, vector<16xf32>,
        tpu.vector_store %arg10[%swap3A_328, %swap3A_329], %add3A_326 {strides = array<i32>} : memref<2x3200xf32, #tpu.memory_space<vmem>>, vector<16xf32>,
      }
      %scan3A_208 = arith.constant 200 : i32
      %run_scoped3A_209 = arith.constant 0 : i32
      "tpu.region"() ({
        %run_scoped3A_210 = tpu.sem_alloc : memref<!tpu.dma_semaphore, #tpu.memory_space<semaphore_mem>>
        %dma_start3A_211 = arith.constant 0 : i32
        %dma_start3A_212 = tpu.memref_slice %arg10[%run_scoped3A_209, %dma_start3A_211] : memref<2x3200xf32, #tpu.memory_space<vmem>> -> memref<1x3200xf32, #tpu.memory_space<vmem>>
        %dma_start3A_213 = tpu.memref_squeeze %dma_start3A_212 : memref<1x3200xf32, #tpu.memory_space<vmem>> -> memref<3200xf32, #tpu.memory_space<vmem>>
        %dma_start3A_214 = tpu.memref_slice %arg6[%add3A_197] : memref<320000xf32, #tpu.memory_space<hbm>> -> memref<3200xf32, #tpu.memory_space<hbm>>
        %dma_start3A_215 = tpu.memref_slice %arg6[%add3A_197] : memref<320000xf32, #tpu.memory_space<hbm>> -> memref<3200xf32, #tpu.memory_space<hbm>>
        %dma_start3A_216 = arith.constant 0 : i32
        %dma_start3A_217 = tpu.memref_slice %arg10[%run_scoped3A_209, %dma_start3A_216] : memref<2x3200xf32, #tpu.memory_space<vmem>> -> memref<1x3200xf32, #tpu.memory_space<vmem>>
        %dma_start3A_218 = tpu.memref_squeeze %dma_start3A_217 : memref<1x3200xf32, #tpu.memory_space<vmem>> -> memref<3200xf32, #tpu.memory_space<vmem>>
        tpu.enqueue_dma source(%dma_start3A_218 : memref<3200xf32, #tpu.memory_space<vmem>>) target(%dma_start3A_215 : memref<3200xf32, #tpu.memory_space<hbm>>) target_semaphore(%run_scoped3A_210 : memref<!tpu.dma_semaphore, #tpu.memory_space<semaphore_mem>>)
        %dma_wait3A_219 = arith.constant 0 : i32
        %dma_wait3A_220 = tpu.memref_slice %arg10[%run_scoped3A_209, %dma_wait3A_219] : memref<2x3200xf32, #tpu.memory_space<vmem>> -> memref<1x3200xf32, #tpu.memory_space<vmem>>
        %dma_wait3A_221 = tpu.memref_squeeze %dma_wait3A_220 : memref<1x3200xf32, #tpu.memory_space<vmem>> -> memref<3200xf32, #tpu.memory_space<vmem>>
        %dma_wait3A_222 = tpu.memref_slice %arg6[%add3A_197] : memref<320000xf32, #tpu.memory_space<hbm>> -> memref<3200xf32, #tpu.memory_space<hbm>>
        %dma_wait3A_223 = tpu.memref_slice %arg6[%add3A_197] : memref<320000xf32, #tpu.memory_space<hbm>> -> memref<3200xf32, #tpu.memory_space<hbm>>
        %dma_wait3A_224 = arith.constant 0 : i32
        %dma_wait3A_225 = tpu.memref_slice %arg10[%run_scoped3A_209, %dma_wait3A_224] : memref<2x3200xf32, #tpu.memory_space<vmem>> -> memref<1x3200xf32, #tpu.memory_space<vmem>>
        %dma_wait3A_226 = tpu.memref_squeeze %dma_wait3A_225 : memref<1x3200xf32, #tpu.memory_space<vmem>> -> memref<3200xf32, #tpu.memory_space<vmem>>
        tpu.wait_dma2 semaphore(%run_scoped3A_210 : memref<!tpu.dma_semaphore, #tpu.memory_space<semaphore_mem>>) src(%dma_wait3A_226 : memref<3200xf32, #tpu.memory_space<vmem>>) dst(%dma_wait3A_223 : memref<3200xf32, #tpu.memory_space<hbm>>)
        tpu.yield
      }) : () -> ()
    }
    return
  }
}

module attributes {stable_mosaic.version = 14 : i64} {
  func.func @_gcn_body(%arg0: i32, %arg1: memref<200x10000xf32, #tpu.memory_space<vmem>>, %arg2: memref<10000x128xf32, #tpu.memory_space<vmem>>, %arg3: memref<128x64xf32, #tpu.memory_space<vmem>>, %arg4: memref<1x64xf32, #tpu.memory_space<vmem>>, %arg5: memref<64x32xf32, #tpu.memory_space<vmem>>, %arg6: memref<1x32xf32, #tpu.memory_space<vmem>>, %arg7: memref<200x32xf32, #tpu.memory_space<vmem>>, %arg8: memref<10000x64xf32, #tpu.memory_space<vmem>>, %arg9: memref<10000x32xf32, #tpu.memory_space<vmem>>) attributes {dimension_semantics = [#tpu.dimension_semantics<arbitrary>], iteration_bounds = array<i64: 100>, scalar_prefetch = 0 : i64, scratch_operands = 2 : i64, tpu.core_type = #tpu.core_type<tc>, window_params = [{transform_indices = @transform_0, window_bounds = array<i64: 200, 10000>}, {pipeline_mode = #tpu.pipeline_mode<synchronous>, transform_indices = @transform_1, window_bounds = array<i64: 10000, 128>}, {pipeline_mode = #tpu.pipeline_mode<synchronous>, transform_indices = @transform_2, window_bounds = array<i64: 128, 64>}, {pipeline_mode = #tpu.pipeline_mode<synchronous>, transform_indices = @transform_3, window_bounds = array<i64: 1, 64>}, {pipeline_mode = #tpu.pipeline_mode<synchronous>, transform_indices = @transform_4, window_bounds = array<i64: 64, 32>}, {pipeline_mode = #tpu.pipeline_mode<synchronous>, transform_indices = @transform_5, window_bounds = array<i64: 1, 32>}, {transform_indices = @transform_6, window_bounds = array<i64: 200, 32>}]} {
    %eq3A = arith.constant 0 : i32
    %eq3A_0 = arith.cmpi eq, %arg0, %eq3A : i32
    %convert_element_type3A = arith.extui %eq3A_0 : i1 to i32
    %cond3A = arith.constant 0 : i32
    %cond3A_1 = arith.cmpi ne, %convert_element_type3A, %cond3A : i32
    scf.if %cond3A_1 {
      %get3A = arith.constant 0 : index
      %get3A_10 = arith.constant 0 : index
      %get3A_11 = vector.load %arg2[%get3A, %get3A_10] : memref<10000x128xf32, #tpu.memory_space<vmem>>, vector<10000x128xf32>
      %get3A_12 = arith.constant 0 : index
      %get3A_13 = arith.constant 0 : index
      %get3A_14 = vector.load %arg3[%get3A_12, %get3A_13] : memref<128x64xf32, #tpu.memory_space<vmem>>, vector<128x64xf32>
      %dot_general3A = arith.constant dense<0.000000e+00> : vector<10000x64xf32>
      %dot_general3A_15 = tpu.matmul %get3A_11, %get3A_14, %dot_general3A {dimension_numbers = #tpu.dot_dimension_numbers<[1], [0], [0], [1], [0, 0, 1, 1], [], []>, transpose_lhs_hint = false} : vector<10000x128xf32>, vector<128x64xf32>, vector<10000x64xf32> -> vector<10000x64xf32>
      %swap3A = arith.constant 0 : index
      %swap3A_16 = arith.constant 0 : index
      %swap3A_17 = vector.load %arg8[%swap3A, %swap3A_16] : memref<10000x64xf32, #tpu.memory_space<vmem>>, vector<10000x64xf32>
      tpu.vector_store %arg8[%swap3A, %swap3A_16], %dot_general3A_15 {strides = array<i32>} : memref<10000x64xf32, #tpu.memory_space<vmem>>, vector<10000x64xf32>,
    } else {
    }
    %lt3A = arith.constant 50 : i32
    %lt3A_2 = arith.cmpi slt, %arg0, %lt3A : i32
    %convert_element_type3A_3 = arith.extui %lt3A_2 : i1 to i32
    %cond3A_4 = arith.constant 0 : i32
    %cond3A_5 = arith.cmpi ne, %convert_element_type3A_3, %cond3A_4 : i32
    scf.if %cond3A_5 {
      %get3A = arith.constant 0 : index
      %get3A_10 = arith.constant 0 : index
      %get3A_11 = vector.load %arg1[%get3A, %get3A_10] : memref<200x10000xf32, #tpu.memory_space<vmem>>, vector<200x10000xf32>
      %get3A_12 = arith.constant 0 : index
      %get3A_13 = arith.constant 0 : index
      %get3A_14 = vector.load %arg8[%get3A_12, %get3A_13] : memref<10000x64xf32, #tpu.memory_space<vmem>>, vector<10000x64xf32>
      %dot_general3A = arith.constant dense<0.000000e+00> : vector<200x64xf32>
      %dot_general3A_15 = tpu.matmul %get3A_11, %get3A_14, %dot_general3A {dimension_numbers = #tpu.dot_dimension_numbers<[1], [0], [0], [1], [0, 0, 1, 1], [], []>, transpose_lhs_hint = false} : vector<200x10000xf32>, vector<10000x64xf32>, vector<200x64xf32> -> vector<200x64xf32>
      %get3A_16 = arith.constant 0 : index
      %get3A_17 = arith.constant 0 : index
      %get3A_18 = vector.load %arg4[%get3A_16, %get3A_17] : memref<1x64xf32, #tpu.memory_space<vmem>>, vector<1x64xf32>
      %add3A = vector.broadcast %get3A_18 : vector<1x64xf32> to vector<200x64xf32>
      %add3A_19 = arith.addf %dot_general3A_15, %add3A : vector<200x64xf32>
      %max3A = arith.constant 0.000000e+00 : f32
      %max3A_20 = vector.broadcast %max3A : f32 to vector<200x64xf32>
      %max3A_21 = arith.maximumf %add3A_19, %max3A_20 : vector<200x64xf32>
      %get3A_22 = arith.constant 0 : index
      %get3A_23 = arith.constant 0 : index
      %get3A_24 = vector.load %arg5[%get3A_22, %get3A_23] : memref<64x32xf32, #tpu.memory_space<vmem>>, vector<64x32xf32>
      %dot_general3A_25 = arith.constant dense<0.000000e+00> : vector<200x32xf32>
      %dot_general3A_26 = tpu.matmul %max3A_21, %get3A_24, %dot_general3A_25 {dimension_numbers = #tpu.dot_dimension_numbers<[1], [0], [0], [1], [0, 0, 1, 1], [], []>, transpose_lhs_hint = false} : vector<200x64xf32>, vector<64x32xf32>, vector<200x32xf32> -> vector<200x32xf32>
      %mul3A = arith.constant 200 : i32
      %mul3A_27 = arith.muli %arg0, %mul3A : i32
      %swap3A = arith.index_cast %mul3A_27 : i32 to index
      %swap3A_28 = arith.constant 0 : index
      %swap3A_29 = vector.load %arg9[%swap3A, %swap3A_28] : memref<10000x32xf32, #tpu.memory_space<vmem>>, vector<200x32xf32>
      tpu.vector_store %arg9[%swap3A, %swap3A_28], %dot_general3A_26 {strides = array<i32>} : memref<10000x32xf32, #tpu.memory_space<vmem>>, vector<200x32xf32>,
      %swap3A_30 = arith.constant 0 : index
      %swap3A_31 = arith.constant 0 : index
      %swap3A_32 = vector.load %arg7[%swap3A_30, %swap3A_31] : memref<200x32xf32, #tpu.memory_space<vmem>>, vector<200x32xf32>
      tpu.vector_store %arg7[%swap3A_30, %swap3A_31], %dot_general3A_26 {strides = array<i32>} : memref<200x32xf32, #tpu.memory_space<vmem>>, vector<200x32xf32>,
    } else {
    }
    %ge3A = arith.constant 50 : i32
    %ge3A_6 = arith.cmpi sge, %arg0, %ge3A : i32
    %convert_element_type3A_7 = arith.extui %ge3A_6 : i1 to i32
    %cond3A_8 = arith.constant 0 : i32
    %cond3A_9 = arith.cmpi ne, %convert_element_type3A_7, %cond3A_8 : i32
    scf.if %cond3A_9 {
      %get3A = arith.constant 0 : index
      %get3A_10 = arith.constant 0 : index
      %get3A_11 = vector.load %arg1[%get3A, %get3A_10] : memref<200x10000xf32, #tpu.memory_space<vmem>>, vector<200x10000xf32>
      %get3A_12 = arith.constant 0 : index
      %get3A_13 = arith.constant 0 : index
      %get3A_14 = vector.load %arg9[%get3A_12, %get3A_13] : memref<10000x32xf32, #tpu.memory_space<vmem>>, vector<10000x32xf32>
      %dot_general3A = arith.constant dense<0.000000e+00> : vector<200x32xf32>
      %dot_general3A_15 = tpu.matmul %get3A_11, %get3A_14, %dot_general3A {dimension_numbers = #tpu.dot_dimension_numbers<[1], [0], [0], [1], [0, 0, 1, 1], [], []>, transpose_lhs_hint = false} : vector<200x10000xf32>, vector<10000x32xf32>, vector<200x32xf32> -> vector<200x32xf32>
      %get3A_16 = arith.constant 0 : index
      %get3A_17 = arith.constant 0 : index
      %get3A_18 = vector.load %arg6[%get3A_16, %get3A_17] : memref<1x32xf32, #tpu.memory_space<vmem>>, vector<1x32xf32>
      %add3A = vector.broadcast %get3A_18 : vector<1x32xf32> to vector<200x32xf32>
      %add3A_19 = arith.addf %dot_general3A_15, %add3A : vector<200x32xf32>
      %swap3A = arith.constant 0 : index
      %swap3A_20 = arith.constant 0 : index
      %swap3A_21 = vector.load %arg7[%swap3A, %swap3A_20] : memref<200x32xf32, #tpu.memory_space<vmem>>, vector<200x32xf32>
      tpu.vector_store %arg7[%swap3A, %swap3A_20], %add3A_19 {strides = array<i32>} : memref<200x32xf32, #tpu.memory_space<vmem>>, vector<200x32xf32>,
    } else {
    }
    return
  }
  func.func @transform_0(%arg0: i32) -> (i32, i32) {
    %jit3A = arith.constant 50 : i32
    %eq3A = arith.constant 0 : i32
    %eq3A_0 = arith.cmpi eq, %jit3A, %eq3A : i32
    %jit3A_1 = arith.constant 1 : i32
    %select_n3A = arith.select %eq3A_0, %jit3A_1, %jit3A : i32
    %rem3A = arith.remsi %arg0, %select_n3A : i32
    %ne3A = arith.constant 0 : i32
    %ne3A_2 = arith.cmpi ne, %rem3A, %ne3A : i32
    %lt3A = arith.constant 0 : i32
    %lt3A_3 = arith.cmpi slt, %rem3A, %lt3A : i32
    %lt3A_4 = arith.constant 0 : i32
    %lt3A_5 = arith.cmpi slt, %select_n3A, %lt3A_4 : i32
    %ne3A_6 = arith.xori %lt3A_3, %lt3A_5 : i1
    %and3A = arith.andi %ne3A_6, %ne3A_2 : i1
    %add3A = arith.addi %rem3A, %select_n3A : i32
    %select_n3A_7 = arith.select %and3A, %add3A, %rem3A : i32
    %c0_i32 = arith.constant 0 : i32
    %c0_i32_8 = arith.constant 0 : i32
    return %select_n3A_7, %c0_i32 : i32, i32
  }
  func.func @transform_1(%arg0: i32) -> (i32, i32) {
    %c0_i32 = arith.constant 0 : i32
    %c0_i32_0 = arith.constant 0 : i32
    %c0_i32_1 = arith.constant 0 : i32
    return %c0_i32, %c0_i32_0 : i32, i32
  }
  func.func @transform_2(%arg0: i32) -> (i32, i32) {
    %c0_i32 = arith.constant 0 : i32
    %c0_i32_0 = arith.constant 0 : i32
    %c0_i32_1 = arith.constant 0 : i32
    return %c0_i32, %c0_i32_0 : i32, i32
  }
  func.func @transform_3(%arg0: i32) -> (i32, i32) {
    %c0_i32 = arith.constant 0 : i32
    %c0_i32_0 = arith.constant 0 : i32
    %c0_i32_1 = arith.constant 0 : i32
    return %c0_i32, %c0_i32_0 : i32, i32
  }
  func.func @transform_4(%arg0: i32) -> (i32, i32) {
    %c0_i32 = arith.constant 0 : i32
    %c0_i32_0 = arith.constant 0 : i32
    %c0_i32_1 = arith.constant 0 : i32
    return %c0_i32, %c0_i32_0 : i32, i32
  }
  func.func @transform_5(%arg0: i32) -> (i32, i32) {
    %c0_i32 = arith.constant 0 : i32
    %c0_i32_0 = arith.constant 0 : i32
    %c0_i32_1 = arith.constant 0 : i32
    return %c0_i32, %c0_i32_0 : i32, i32
  }
  func.func @transform_6(%arg0: i32) -> (i32, i32) {
    %jit3A = arith.constant 50 : i32
    %eq3A = arith.constant 0 : i32
    %eq3A_0 = arith.cmpi eq, %jit3A, %eq3A : i32
    %jit3A_1 = arith.constant 1 : i32
    %select_n3A = arith.select %eq3A_0, %jit3A_1, %jit3A : i32
    %rem3A = arith.remsi %arg0, %select_n3A : i32
    %ne3A = arith.constant 0 : i32
    %ne3A_2 = arith.cmpi ne, %rem3A, %ne3A : i32
    %lt3A = arith.constant 0 : i32
    %lt3A_3 = arith.cmpi slt, %rem3A, %lt3A : i32
    %lt3A_4 = arith.constant 0 : i32
    %lt3A_5 = arith.cmpi slt, %select_n3A, %lt3A_4 : i32
    %ne3A_6 = arith.xori %lt3A_3, %lt3A_5 : i1
    %and3A = arith.andi %ne3A_6, %ne3A_2 : i1
    %add3A = arith.addi %rem3A, %select_n3A : i32
    %select_n3A_7 = arith.select %and3A, %add3A, %rem3A : i32
    %c0_i32 = arith.constant 0 : i32
    %c0_i32_8 = arith.constant 0 : i32
    return %select_n3A_7, %c0_i32 : i32, i32
  }
}

module attributes {stable_mosaic.version = 14 : i64} {
  func.func @_tr_body(%arg0: memref<10000x32xf32, #tpu.memory_space<vmem>>, %arg1: memref<32x10000xf32, #tpu.memory_space<vmem>>) attributes {dimension_semantics = [], scalar_prefetch = 0 : i64, scratch_operands = 0 : i64, tpu.core_type = #tpu.core_type<tc>} {
    %get3A = arith.constant 0 : index
    %get3A_0 = arith.constant 0 : index
    %get3A_1 = vector.load %arg0[%get3A, %get3A_0] : memref<10000x32xf32, #tpu.memory_space<vmem>>, vector<10000x32xf32>
    %transpose3A = tpu.transpose %get3A_1, [1, 0] : vector<10000x32xf32> -> vector<32x10000xf32>
    %swap3A = arith.constant 0 : index
    %swap3A_2 = arith.constant 0 : index
    %swap3A_3 = vector.load %arg1[%swap3A, %swap3A_2] : memref<32x10000xf32, #tpu.memory_space<vmem>>, vector<32x10000xf32>
    tpu.vector_store %arg1[%swap3A, %swap3A_2], %transpose3A {strides = array<i32>} : memref<32x10000xf32, #tpu.memory_space<vmem>>, vector<32x10000xf32>,
    return
  }
}

</mosaic_0001>

<sc_bundles>
// kernel: kernel.5.cloned.1.call-start
scs
__scs_entry_jumppad:
0x0: {  	(pc) =	sbr.rel $0x88, $3  }
0x1: {  	(tag) =	ssettag $0x0;
	lr =	simm.s32 $0x1  }
0x2: {  	[smem:$0x3F9A] =	sst lr;
	_ =	strace $0xD0000000  }
0x3: {  	_ = 	snop  }
0x4: {  	_ = 	snop  }
0x5: {  	_ = 	snop  }
0x6: {  	_ = 	snop  }
0x7: {  	_ = 	snop  }
__scs_overlays_trampoline_lowered:
0x8: {  	[smem:$0x3FA9] =	sst s0  }
0x9: {  	[smem:$0x3FAA] =	sst s1  }
0xa: {  	[smem:$0x3FAB] =	sst s2  }
0xb: {  	[smem:$0x3FAC] =	sst s3  }
0xc: {  	[smem:$0x3FAD] =	sst s4  }
0xd: {  	[smem:$0x3FAE] =	sst s5  }
0xe: {  	[smem:$0x3FAF] =	sst s6  }
0xf: {  	[smem:$0x3FB0] =	sst s7  }
0x10: {  	[smem:$0x3FB1] =	sst s8  }
0x11: {  	[smem:$0x3FB2] =	sst s9;
	s0 =	simm.s32 @!p0 $0x0  }
0x12: {  	s1 =	sld [smem:$0x3F98];
	s0 =	simm.s32 @p0 $0x1  }
0x13: {  	[smem:$0x3FB3] =	sst s0;
	s0 =	simm.s32 @!p1 $0x0  }
0x14: {  	s2 =	sld [smem:$0x3F97];
	s0 =	simm.s32 @p1 $0x1  }
0x15: {  	[smem:$0x3FB4] =	sst s0;
	s0 =	simm.s32 @!p2 $0x0  }
0x16: {  	s3 =	sld [smem:$0x3FDB];
	s0 =	simm.s32 @p2 $0x1  }
0x17: {  	s4 =	simm.s32 $0x1BF5;
	[smem:$0x3FB6] =	sst s0  }
0x18: {  	s0 =	sld [smem:$0x3F99];
	_ =	swait.ge [sflag:s4], $0x0  }
0x19: {  	s7 =	sld [smem:$0x3F9A]  }
0x1a: {  	s8 =	sadd.s32 $0xFFFFE003, lr  }
0x1b: {  	s9 =	sadd.s32 $0xFFFFFEF7, lr;
	s5 =	simm.s32 $0xFFFFFFFF;
	p2 =	slt.u32 s8, $0xFFFFF086  }
0x1c: {  	p1 =	slt.u32 s9, $0xF7A;
	s5 =	simm.s32 @!p2 $0x0  }
0x1d: {  	s5 =	simm.s32 @p1 $0x1;
	p0 =	seq.s32 s7, s2  }
0x1e: {  	s7 =	smul.u32 @!p0 $0xF7A, s2;
	p2 =	seq.s32 @!p0 s5, $0x0  }
0x1f: {  	s9 =	smul.u32 $0xF7A, s1;
	s8 =	simm.s32 @!p0 $0x1BF5;
	p2 =	por !p2, p0  }
0x20: {  	[sflag:s8] =	ssyncset.s32 @!p0 $0xFFFFF086;
	s6 =	sadd.s32 @!p0 s3, s7;
	s7 =	simm.s32 @!p0 $0x108  }
0x21: {  	s3 =	sadd.s32 s3, s9;
	s6 =	sadd.s32 @!p0 $0x88, s6;
	s7 =	simm.s32 @p2 $0x1082  }
0x22: {  	[simem:s7], [sflag:s8] =	dma.local @!p0 [hbm:s6], $0xF7A  }
0x23: {  	s9 =	sor.u32 $0xD0000000, s2;
	s6 =	simm.s32 $0x108;
	_ =	swait.ge @!p0 [sflag:s8], $0x0  }
0x24: {  	s3 =	sadd.s32 $0x88, s3;
	s6 =	simm.s32 @!p1 $0x1082;
	[sflag:s4] =	ssyncset.s32 $0xFFFFF086  }
0x25: {  	[simem:s6], [sflag:s4] =	dma.local [hbm:s3], $0xF7A  }
0x26: {  	[smem:$0x3F9A] =	sst s1;
	(tag) =	ssettag s2;
	_ =	strace s9  }
0x27: {  	s1 =	sld [smem:$0x3FAA]  }
0x28: {  	s2 =	sld [smem:$0x3FAB]  }
0x29: {  	s4 =	sld [smem:$0x3FAD]  }
0x2a: {  	p0 =	seq.s32 s5, $0x0;
	s5 =	sld [smem:$0x3FAE]  }
0x2b: {  	s6 =	sld [smem:$0x3FAF]  }
0x2c: {  	s7 =	sld [smem:$0x3FB0]  }
0x2d: {  	s3 =	simm.s32 $0x108;
	s8 =	sld [smem:$0x3FB1]  }
0x2e: {  	s3 =	simm.s32 @!p0 $0x1082;
	s9 =	sld [smem:$0x3FB2]  }
0x2f: {  	lr =	sadd.s32 s0, s3;
	s0 =	sld [smem:$0x3FA9]  }
0x30: {  	s3 =	sld [smem:$0x3FAC]  }
0x31: {  	[smem:$0x3FB5] =	sst s10  }
0x32: {  	s10 =	sld [smem:$0x3FB3];
	_ =	sdelay $0x3  }
0x33: {  	p0 =	seq.s32 s10, $0x1;
	s10 =	sld [smem:$0x3FB5];
	_ =	sdelay $0x3  }
0x34: {  	[smem:$0x3FB5] =	sst s10  }
0x35: {  	s10 =	sld [smem:$0x3FB4];
	_ =	sdelay $0x3  }
0x36: {  	p1 =	seq.s32 s10, $0x1;
	s10 =	sld [smem:$0x3FB5];
	_ =	sdelay $0x3  }
0x37: {  	[smem:$0x3FB5] =	sst s10  }
0x38: {  	s10 =	sld [smem:$0x3FB6]  }
0x39: {  	_ = 	snop;
	(pc) =	sbr.ind lr, $3  }
0x3a: {  	_ = 	snop  }
0x3b: {  	_ = 	snop  }
0x3c: {  	p2 =	seq.s32 s10, $0x1;
	s10 =	sld [smem:$0x3FB5]  }
0x3d: {  	_ =	shalt  }
0x3e: {  	_ =	shalt  }
0x3f: {  	_ =	shalt  }
0x40: {  	_ =	shalt  }
0x41: {  	_ =	shalt  }
0x42: {  	_ =	shalt  }
0x43: {  	_ =	shalt  }
0x44: {  	_ =	shalt  }
0x45: {  	_ =	shalt  }
0x46: {  	_ =	shalt  }
0x47: {  	_ =	shalt  }
0x48: {  	_ =	shalt  }
0x49: {  	_ =	shalt  }
0x4a: {  	_ =	shalt  }
0x4b: {  	_ =	shalt  }
0x4c: {  	_ =	shalt  }
0x4d: {  	_ =	shalt  }
0x4e: {  	_ =	shalt  }
0x4f: {  	_ =	shalt  }
0x50: {  	_ =	shalt  }
0x51: {  	_ =	shalt  }
0x52: {  	_ =	shalt  }
0x53: {  	_ =	shalt  }
0x54: {  	_ =	shalt  }
0x55: {  	_ =	shalt  }
0x56: {  	_ =	shalt  }
0x57: {  	_ =	shalt  }
0x58: {  	_ =	shalt  }
0x59: {  	_ =	shalt  }
0x5a: {  	_ =	shalt  }
0x5b: {  	_ =	shalt  }
0x5c: {  	_ =	shalt  }
0x5d: {  	_ =	shalt  }
0x5e: {  	_ =	shalt  }
0x5f: {  	_ =	shalt  }
0x60: {  	_ =	shalt  }
0x61: {  	_ =	shalt  }
0x62: {  	_ =	shalt  }
0x63: {  	_ =	shalt  }
0x64: {  	_ =	shalt  }
0x65: {  	_ =	shalt  }
0x66: {  	_ =	shalt  }
0x67: {  	_ =	shalt  }
0x68: {  	_ =	shalt  }
0x69: {  	_ =	shalt  }
0x6a: {  	_ =	shalt  }
0x6b: {  	_ =	shalt  }
0x6c: {  	_ =	shalt  }
0x6d: {  	_ =	shalt  }
0x6e: {  	_ =	shalt  }
0x6f: {  	_ =	shalt  }
0x70: {  	_ =	shalt  }
0x71: {  	_ =	shalt  }
0x72: {  	_ =	shalt  }
0x73: {  	_ =	shalt  }
0x74: {  	_ =	shalt  }
0x75: {  	_ =	shalt  }
0x76: {  	_ =	shalt  }
0x77: {  	_ =	shalt  }
0x78: {  	_ =	shalt  }
0x79: {  	_ =	shalt  }
0x7a: {  	_ =	shalt  }
0x7b: {  	_ =	shalt  }
0x7c: {  	_ =	shalt  }
0x7d: {  	_ =	shalt  }
0x7e: {  	_ =	shalt  }
0x7f: {  	_ =	shalt  }
0x80: {  	_ =	shalt  }
0x81: {  	_ =	shalt  }
0x82: {  	_ =	shalt  }
0x83: {  	_ =	shalt  }
0x84: {  	_ =	shalt  }
0x85: {  	_ =	shalt  }
0x86: {  	_ =	shalt  }
0x87: {  	_ =	shalt  }
.Lfunc_end0:
.L_simem_size_0:
called_computation_lowered:
.L_overlay_start_0:
0x88: {  	s2 =	sld [smem:$0x3FD9]  }
0x89: {  	s3 =	sld [smem:$0x3FFE];
	_ =	sdelay $0x1  }
0x8a: {  	s1 =	srdreg.scid  }
0x8b: {  	s0 =	sand.u32 $0x1, s1  }
0x8c: {  	s17 =	sshll.u32 s0, $0xA;
	s2 =	sadd.s32 s3, s2  }
0x8d: {  	s2 =	sadd.s32 s2, s17  }
0x8e: {  	[smem:$0x3FC1] =	sst s2  }
0x8f: {  	_ = 	snop  }
0x90: {  	s2 =	sld [smem:$0x3FD0];
	(tm) =	ssettm $0x1  }
0x91: {  	s18 =	sld [smem:$0x3FFB];
	_ =	sdelay $0x3  }
0x92: {  	_ =	strace s18  }
0x93: {  	s3 =	sld [smem:$0x3FFC];
	_ =	sdelay $0x3  }
0x94: {  	_ =	strace s3  }
0x95: {  	s3 =	sld [smem:$0x3FFD];
	_ =	sdelay $0x3  }
0x96: {  	_ =	strace s3  }
0x97: {  	_ =	strace $0x8FFFFFFF  }
0x98: {  	s19 =	sld [smem:$0x3FDB];
	_ =	sdelay $0x1  }
0x99: {  	s4 =	simm.s32 $_scs_section_size  }
0x9a: {  	s5 =	simm.s32 $_size__tile_overlayer_lowered;
	s6 =	simm.s32 $_tile_overlayer_lowered  }
0x9b: {  	s22 =	simm.s32 $0x1BFF;
	s21 =	sshll.u32 s6, $0x1;
	s3 =	sadd.s32 s4, s19  }
0x9c: {  	s7 =	simm.s32 $0x0;
	s20 =	sshll.u32 s5, $0x1;
	s5 =	sadd.s32 s21, s3  }
0x9d: {  	[timem:s7], [sflag:s22] =	dma.local [hbm:s5], s20  }
0x9e: {  	_ =	swait.ge [sflag:s22], s20  }
0x9f: {  	s4 =	ssub.s32 $0x0, s20;
	[sflag:s22] =	ssyncset.done $0x0  }
0xa0: {  	[sflag:s22] =	ssyncadd.s32 s4;
	_ =	sdelay $0x1  }
0xa1: {  	s23 =	simm.s32 $0x1B8B  }
0xa2: {  	_ =	swait.ge [sflag:s23], $0x1  }
0xa3: {  	[sflag:s23] =	ssyncset.done $0x0  }
0xa4: {  	s25 =	simm.s32 $0x1B8E;
	s24 =	sld [smem:$0x3FFE];
	[sflag:s23] =	ssyncadd.s32 $0xFFFFFFFF  }
0xa5: {  	s26 =	simm.s32 $execute0_lowered;
	[smem:$0x3FD2] =	sst s25  }
0xa6: {  	s5 =	sshll.u32 s26, $0x1;
	_ =	strace $0x80000046;
	[dreg:$0x1] =	wrdreg $0xFFFFFFFF  }
0xa7: {  	s28 =	simm.s32 $_size_execute0_lowered;
	s3 =	sadd.s32 s3, s5;
	[dreg:$0x0] =	wrdreg $0x0  }
0xa8: {  	s5 =	sshll.u32 s28, $0x1;
	[dreg:$0x2] =	wrdreg s3  }
0xa9: {  	[dreg:$0x3] =	wrdreg s5  }
0xaa: {  	[dreg:$0x4] =	wrdreg $0xC0  }
0xab: {  	_ =	task [dreg:s7], $0x5FFFF  }
0xac: {  	[dreg:$0x1] =	wrdreg $0xFFFFFFFF  }
0xad: {  	[dreg:$0x0] =	wrdreg $0x60  }
0xae: {  	[dreg:$0x2] =	wrdreg s24  }
0xaf: {  	[dreg:$0x3] =	wrdreg s2  }
0xb0: {  	[dreg:$0x4] =	wrdreg $0x9  }
0xb1: {  	_ =	task.clear_ibuf [dreg:s7], $0x5FFFF;
	_ =	strace $0x90000046  }
0xb2: {  	s29 =	simm.s32 $0x9;
	_ =	strace $0x80000048  }
0xb3: {  	_ =	swait.ge [sflag:s29], $0x1  }
0xb4: {  	[sflag:s29] =	ssyncadd.s32 $0xFFFFFFFF  }
0xb5: {  	_ =	strace $0x90000048  }
0xb6: {  	_ =	sfence  }
0xb7: {  	s30 =	sld [smem:$0x0];
	_ =	sdelay $0x2  }
0xb8: {  	s31 =	sshll.u32 s1, $0xD;
	s1 =	sshrl.u32 s1, $0x2  }
0xb9: {  	s3 =	sand.u32 $0x4000, s31;
	s1 =	sadd.s32 s1, s30  }
0xba: {  	s0 =	sor.u32 s3, s0;
	s1 =	sshll.u32 s1, $0x11  }
0xbb: {  	s0 =	sor.u32 s1, s0  }
0xbc: {  	s0 =	sadd.s32 $0x8F2B, s0  }
0xbd: {  	[sflag:s0] =	ssyncadd.remote.s32 $0x1  }
0xbe: {  	_ =	sfence.sel $0xFFFF  }
0xbf: {  	[dreg:$0x0] =	wrdreg $0xFFFFFFFF;
	(pc) =	sbr.abs _section_cstart, $3  }
0xc0: {  	[dreg:$0x1] =	wrdreg $0xFFFFFFFF  }
0xc1: {  	_ =	task.clear_ibuf [dreg:s7], $0x2FFFF;
	_ =	strace $0x9FFFFFFF  }
0xc2: {  	(tm) =	ssettm $0x7FFFFFFF  }
0xc3: {  	_ =	shalt  }
tec
execute0_lowered:
.L_overlay_start_1:
0x0: {  	(tag) =	ssettag $0x1  }
0x1: {  	s1 =	srdreg.scid;
	s0 =	stileid.u32  }
0x2: {  	s12 =	rddreg [dreg:$0x0];
	s2 =	stileid.u32  }
0x3: {  	s20 =	simm.s32 $0x7;
	s1 =	sand.u32 $0x1, s1;
	s4 =	sshrl.u32 s0, $0x2  }
0x4: {  	s13 =	sand.u32 $0x3, s0;
	s7 =	sadd.s32 $0x800, s12;
	s29 =	ssub.s32 $0x41, s0  }
0x5: {  	s16 =	sadd.s32 $0x1E210, s12;
	s17 =	sadd.s32 $0x1E220, s12;
	s18 =	sadd.s32 $0x1E230, s12  }
0x6: {  	s3 =	sshll.u32 s1, $0x2;
	s6 =	smul.u32 $0x2780, s13;
	s9 =	ssub.s32 $0x2, s1  }
0x7: {  	s13 =	sshll.u32 s13, $0x4;
	s3 =	sor.u32 s4, s3;
	s4 =	sand.u32 $0x1, s4  }
0x8: {  	s11 =	sshrl.u32 s9, $0x1;
	s5 =	sshrl.u32 s3, $0x1;
	s3 =	simm.s32 $0x0  }
0x9: {  	s8 =	smul.u32 $0xC80, s4;
	s14 =	sadd.s32 s6, s12;
	s6 =	sadd.s32 $0xA600, s12  }
0xa: {  	s19 =	ssub.s32 s9, s11;
	s9 =	sxor.u32 $0xD, s4;
	s5 =	smul.u32 $0x13880, s5  }
0xb: {  	[smem:$0x7FF] =	sst s3;
	s30 =	sadd.s32 $0x14400, s14;
	s14 =	sshrl.u32 s29, $0x4  }
0xc: {  	s31 =	smax.u32 s19, $0x1;
	_ =	strace $0x80000047;
	s10 =	sadd.s32 s8, s5  }
0xd: {  	[dreg:$0x3] =	wrdreg s30;
	s8 =	sadd.s32 $0x1E200, s12;
	s15 =	sshrl.u32 s10, $0x3  }
0xe: {  	[dreg:$0x4] =	wrdreg s31;
	s13 =	sadd.s32 s8, s13;
	s10 =	sadd.s32 s6, s15  }
0xf: {  	s11 =	sadd.s32 s7, s15;
	s15 =	smul.u32 $0x27100, s1;
	s1 =	simm.s32 $0x0  }
.LBB2_1:
0x10: {  	[dreg:$0x5] =	wrdreg s1;
	s1 =	simm.s32 $0x13C00  }
0x11: {  	s12 =	simm.s32 $0x10;
	s21 =	sadd.s32 $0x0, s10;
	s19 =	simm.s32 $0x13D00  }
.LBB2_2:
0x12: {  	[tilespmem:s1], [sflag:$0x1] =	stream.linear.gather [hbm4b:s21+s3], $0x80, $0x38;
	[tilespmem:$0x1B900] =	vst v63  }
0x13: {  	s21 =	smov.u32 s12;
	s1 =	smov.u32 s19;
	p0 =	sne.s32 s12, $0x180  }
.Ltmp0:
0x14: {  	s12 =	sadd.s32 $0x10, s12;
	(pc) =	sbr.rel @p0 .LBB2_2-.Ltmp0, $2  }
0x15: {  	_ =	sdelay $0x2  }
0x16: {  	s19 =	sadd.s32 $0x100, s19;
	s21 =	sadd.s32 s21, s10  }
0x17: {  	[tilespmem:s1], [sflag:$0x1] =	stream.linear.gather [hbm4b:s21+s3], $0x80, $0x38;
	[tilespmem:$0x1B900] =	vst v63  }
0x18: {  	s1 =	simm.s32 $0x15500  }
0x19: {  	s12 =	simm.s32 $0x10;
	s21 =	sadd.s32 $0x0, s11;
	s19 =	simm.s32 $0x15600  }
.LBB2_4:
0x1a: {  	[tilespmem:s1], [sflag:$0x3] =	stream.linear.gather [hbm4b:s21+s3], $0x80, $0x38;
	[tilespmem:$0x1B900] =	vst v63  }
0x1b: {  	s21 =	smov.u32 s12;
	s1 =	smov.u32 s19;
	p0 =	sne.s32 s12, $0x180  }
.Ltmp1:
0x1c: {  	s12 =	sadd.s32 $0x10, s12;
	(pc) =	sbr.rel @p0 .LBB2_4-.Ltmp1, $2  }
0x1d: {  	_ =	sdelay $0x2  }
0x1e: {  	s19 =	sadd.s32 $0x100, s19;
	s21 =	sadd.s32 s21, s11  }
0x1f: {  	[tilespmem:s1], [sflag:$0x3] =	stream.linear.gather [hbm4b:s21+s3], $0x80, $0x38;
	[tilespmem:$0x1B900] =	vst v63  }
0x20: {  	s1 =	simm.s32 $0x0;
	s0 =	rddreg [dreg:$0x3]  }
0x21: {  	[tilespmem:s1], [sflag:$0x7] =	stream.linear.gather [hbm4b:s0+s1], $0x13C00, $0x38;
	[tilespmem:$0x1B900] =	vst v63  }
0x22: {  	_ =	swait.ge [sflag:s20], $0x13C00  }
0x23: {  	[sflag:s20] =	ssyncset.done $0x0  }
0x24: {  	p0 =	por $0x1, $0x1;
	p1 =	por $0x0, $0x0;
	[sflag:s20] =	ssyncadd.s32 $0xFFFEC400  }
.LBB2_7:
0x25: {  	s25 =	sand.u32 $0x1, s1  }
0x26: {  	s24 =	sadd.s32 $0x1, s1;
	s12 =	sadd.s32 $0x1, s25  }
0x27: {  	p2 =	sge.u32 s24, s9;
	_ =	swait.ge [sflag:s12], $0xC80  }
.Ltmp2:
0x28: {  	[sflag:s12] =	ssyncset.done $0x0;
	(pc) =	sbr.rel @p2 .LBB2_13-.Ltmp2, $4  }
0x29: {  	s31 =	sadd.s32 $0x3, s25;
	[sflag:s12] =	ssyncadd.s32 $0xFFFFF380  }
0x2a: {  	_ =	swait.ge [sflag:s31], $0xC80  }
0x2b: {  	[sflag:s31] =	ssyncset.done $0x0  }
0x2c: {  	[sflag:s31] =	ssyncadd.s32 $0xFFFFF380  }
0x2d: {  	s12 =	sshll.u32 s24, $0x1  }
0x2e: {  	s12 =	sor.u32 s4, s12  }
0x2f: {  	s12 =	smul.u32 $0xC80, s12  }
0x30: {  	s19 =	simm.s32 $0x1  }
0x31: {  	s31 =	simm.s32 $0x10;
	s19 =	simm.s32 @!p0 $0x0;
	s22 =	sadd.s32 s5, s12  }
0x32: {  	s21 =	sshll.u32 s19, $0x7;
	s19 =	sxor.u32 $0x1, s25;
	s26 =	sshrl.u32 s22, $0x3  }
0x33: {  	s29 =	sor.u32 $0x13C00, s21;
	s28 =	sadd.s32 $0x1, s19;
	s30 =	sadd.s32 s6, s26  }
0x34: {  	s12 =	sor.u32 $0x15500, s21;
	s21 =	sadd.s32 $0x100, s29;
	s22 =	sadd.s32 $0x0, s30  }
.LBB2_9:
0x35: {  	[tilespmem:s29], [sflag:s28] =	stream.linear.gather [hbm4b:s22+s3], $0x80, $0x38;
	[tilespmem:$0x1B900] =	vst v63  }
0x36: {  	s22 =	smov.u32 s31;
	s29 =	smov.u32 s21;
	p2 =	sne.s32 s31, $0x180  }
.Ltmp3:
0x37: {  	s31 =	sadd.s32 $0x10, s31;
	(pc) =	sbr.rel @p2 .LBB2_9-.Ltmp3, $2  }
0x38: {  	_ =	sdelay $0x2  }
0x39: {  	s21 =	sadd.s32 $0x100, s21;
	s22 =	sadd.s32 s22, s30  }
0x3a: {  	[tilespmem:s29], [sflag:s28] =	stream.linear.gather [hbm4b:s22+s3], $0x80, $0x38;
	[tilespmem:$0x1B900] =	vst v63  }
0x3b: {  	s19 =	sadd.s32 $0x3, s19;
	s26 =	sadd.s32 s7, s26  }
0x3c: {  	s28 =	simm.s32 $0x10;
	s21 =	sadd.s32 $0x100, s12;
	s22 =	sadd.s32 $0x0, s26  }
.LBB2_11:
0x3d: {  	[tilespmem:s12], [sflag:s19] =	stream.linear.gather [hbm4b:s22+s3], $0x80, $0x38;
	[tilespmem:$0x1B900] =	vst v63  }
0x3e: {  	s22 =	smov.u32 s28;
	s12 =	smov.u32 s21;
	p2 =	sne.s32 s28, $0x180  }
.Ltmp4:
0x3f: {  	s28 =	sadd.s32 $0x10, s28;
	(pc) =	sbr.rel @p2 .LBB2_11-.Ltmp4, $2  }
0x40: {  	_ =	sdelay $0x2  }
0x41: {  	s21 =	sadd.s32 $0x100, s21;
	s22 =	sadd.s32 s22, s26  }
0x42: {  	[tilespmem:s12], [sflag:s19] =	stream.linear.gather [hbm4b:s22+s3], $0x80, $0x38;
	[tilespmem:$0x1B900] =	vst v63  }
.LBB2_13:
0x43: {  	p2 =	slt.u32 s1, $0x2  }
0x44: {  	s19 =	simm.s32 $0x0;
	s12 =	sadd.s32 @!p2 $0x5, s25  }
0x45: {  	s21 =	sand.u32 $0x40, s19;
	s19 =	sand.u32 $0x1F00, s19;
	_ =	swait.ge @!p2 [sflag:s12], $0xC80  }
0x46: {  	s31 =	sshll.u32 s25, $0x7;
	s19 =	sor.u32 s19, s21;
	[sflag:s12] =	ssyncset.done @!p2 $0x0  }
0x47: {  	s29 =	sor.u32 s31, s19;
	[sflag:s12] =	ssyncadd.s32 @!p2 $0xFFFFF380  }
0x48: {  	v0 =	vld [tilespmem:s29+$0x15500]  }
0x49: {  	v1 =	vld [tilespmem:s29+$0x13C00];
	_ =	sdelay $0x3  }
0x4a: {  	v2 =	vshll.u32 v0, $0x3  }
0x4b: {  	v3 =	vshll.u32 v1, $0x3;
	v0 =	vand.u32 $0x7F, v0;
	v2 =	vand.u32 $0xFFFFFC00, v2  }
0x4c: {  	v1 =	vand.u32 $0x7F, v1;
	v3 =	vand.u32 $0xFFFFFC00, v3;
	v0 =	vor.u32 v0, v2  }
0x4d: {  	v1 =	vor.u32 v1, v3  }
0x4e: {  	v2 =	vor.u32 $0x80, v0  }
0x4f: {  	v5 =	vld [tilespmem:s29+$0x15510];
	v4 =	vor.u32 $0x80, v1  }
0x50: {  	v3 =	vld [tilespmem:s29+$0x13C10];
	v6 =	vor.u32 $0x100, v0  }
0x51: {  	v7 =	vor.u32 $0x100, v1;
	v8 =	vld.idx.msk [tilespmem:v0+s3+$0x0], $0xffff  }
0x52: {  	v10 =	vor.u32 $0x180, v0;
	v9 =	vld.idx.msk [tilespmem:v1+s3+$0x0], $0xffff  }
0x53: {  	v11 =	vor.u32 $0x180, v1;
	v2 =	vld.idx.msk [tilespmem:v2+s3+$0x0], $0xffff  }
0x54: {  	v12 =	vor.u32 $0x200, v0;
	v4 =	vld.idx.msk [tilespmem:v4+s3+$0x0], $0xffff  }
0x55: {  	v13 =	vor.u32 $0x200, v1;
	v6 =	vld.idx.msk [tilespmem:v6+s3+$0x0], $0xffff  }
0x56: {  	v14 =	vor.u32 $0x280, v0;
	v7 =	vld.idx.msk [tilespmem:v7+s3+$0x0], $0xffff  }
0x57: {  	v15 =	vor.u32 $0x280, v1;
	v10 =	vld.idx.msk [tilespmem:v10+s3+$0x0], $0xffff;
	v8 =	vmul.f32 v8, v9  }
0x58: {  	v9 =	vld.idx.msk [tilespmem:v11+s3+$0x0], $0xffff;
	v11 =	vor.u32 $0x300, v0  }
0x59: {  	v16 =	vor.u32 $0x300, v1;
	v12 =	vld.idx.msk [tilespmem:v12+s3+$0x0], $0xffff;
	v2 =	vmul.f32 v2, v4;
	v8 =	vadd.f32 $0.0e+00, v8  }
0x5a: {  	v0 =	vor.u32 $0x380, v0;
	v4 =	vld.idx.msk [tilespmem:v13+s3+$0x0], $0xffff  }
0x5b: {  	v1 =	vor.u32 $0x380, v1;
	v13 =	vld.idx.msk [tilespmem:v14+s3+$0x0], $0xffff;
	v6 =	vmul.f32 v6, v7;
	v2 =	vadd.f32 v2, v8  }
0x5c: {  	v7 =	vld.idx.msk [tilespmem:v15+s3+$0x0], $0xffff  }
0x5d: {  	v8 =	vld.idx.msk [tilespmem:v11+s3+$0x0], $0xffff;
	v2 =	vadd.f32 v6, v2;
	v6 =	vmul.f32 v10, v9  }
0x5e: {  	v9 =	vld.idx.msk [tilespmem:v16+s3+$0x0], $0xffff  }
0x5f: {  	v10 =	vld.idx.msk [tilespmem:v0+s3+$0x0], $0xffff;
	v0 =	vadd.f32 v6, v2;
	v2 =	vmul.f32 v12, v4  }
0x60: {  	v1 =	vld.idx.msk [tilespmem:v1+s3+$0x0], $0xffff  }
0x61: {  	v0 =	vadd.f32 v2, v0;
	v2 =	vmul.f32 v13, v7  }
0x62: {  	v4 =	vshll.u32 v3, $0x3;
	v6 =	vshll.u32 v5, $0x3  }
0x63: {  	v3 =	vand.u32 $0x7F, v3;
	v7 =	vmul.f32 v8, v9;
	v2 =	vadd.f32 v2, v0  }
0x64: {  	v5 =	vand.u32 $0x7F, v5;
	v4 =	vand.u32 $0xFFFFFC00, v4;
	v6 =	vand.u32 $0xFFFFFC00, v6  }
0x65: {  	v4 =	vor.u32 v3, v4;
	v1 =	vmul.f32 v10, v1;
	v2 =	vadd.f32 v7, v2  }
0x66: {  	v5 =	vor.u32 v5, v6;
	v6 =	vld [tilespmem:s29+$0x13C20]  }
0x67: {  	v3 =	vor.u32 $0x80, v5;
	v0 =	vld [tilespmem:s29+$0x15530];
	v2 =	vadd.f32 v1, v2  }
0x68: {  	v8 =	vor.u32 $0x80, v4;
	v7 =	vld [tilespmem:s29+$0x15520]  }
0x69: {  	v9 =	vor.u32 $0x100, v5;
	v1 =	vld [tilespmem:s29+$0x13C30];
	[tilespmem:s29+$0x16E00] =	vst v2  }
0x6a: {  	v10 =	vor.u32 $0x100, v4;
	v11 =	vld.idx.msk [tilespmem:v4+s3+$0x0], $0xffff  }
0x6b: {  	v12 =	vor.u32 $0x180, v5;
	v13 =	vld.idx.msk [tilespmem:v5+s3+$0x0], $0xffff  }
0x6c: {  	v18 =	vor.u32 $0x200, v5;
	v17 =	vld.idx.msk [tilespmem:v3+s3+$0x0], $0xffff  }
0x6d: {  	v16 =	vor.u32 $0x180, v4;
	v19 =	vor.u32 $0x200, v4;
	v22 =	vor.u32 $0x280, v5;
	v8 =	vld.idx.msk [tilespmem:v8+s3+$0x0], $0xffff  }
0x6e: {  	v23 =	vor.u32 $0x280, v4;
	v25 =	vor.u32 $0x300, v5;
	v14 =	vshll.u32 v6, $0x3;
	v20 =	vld.idx.msk [tilespmem:v9+s3+$0x0], $0xffff  }
0x6f: {  	v26 =	vor.u32 $0x380, v5;
	v14 =	vand.u32 $0xFFFFFC00, v14;
	v2 =	vshll.u32 v7, $0x3;
	v24 =	vld.idx.msk [tilespmem:v10+s3+$0x0], $0xffff  }
0x70: {  	v3 =	vshll.u32 v0, $0x3;
	v7 =	vand.u32 $0x7F, v7;
	v12 =	vld.idx.msk [tilespmem:v12+s3+$0x0], $0xffff;
	v5 =	vand.u32 $0x7F, v6  }
0x71: {  	v27 =	vld.idx.msk [tilespmem:v18+s3+$0x0], $0xffff;
	v15 =	vand.u32 $0xFFFFFC00, v2;
	v3 =	vand.u32 $0xFFFFFC00, v3;
	v9 =	vmul.f32 v13, v11  }
0x72: {  	v21 =	vor.u32 v5, v14;
	v2 =	vshll.u32 v1, $0x3;
	v10 =	vor.u32 v7, v15;
	v7 =	vld.idx.msk [tilespmem:v16+s3+$0x0], $0xffff  }
0x73: {  	v28 =	vld.idx.msk [tilespmem:v22+s3+$0x0], $0xffff;
	v11 =	vor.u32 $0x300, v4;
	v8 =	vmul.f32 v17, v8;
	v6 =	vadd.f32 $0.0e+00, v9  }
0x74: {  	v14 =	vld.idx.msk [tilespmem:v19+s3+$0x0], $0xffff;
	v18 =	vor.u32 $0x100, v21;
	v15 =	vor.u32 $0x180, v21;
	v4 =	vor.u32 $0x380, v4  }
0x75: {  	v5 =	vld.idx.msk [tilespmem:v25+s3+$0x0], $0xffff;
	v25 =	vor.u32 $0x280, v21;
	v6 =	vadd.f32 v8, v6;
	v8 =	vmul.f32 v20, v24  }
0x76: {  	s26 =	sshll.u32 s1, $0x1;
	s1 =	simm.s32 $0x80;
	s12 =	simm.s32 $0x40;
	v29 =	vld.idx.msk [tilespmem:v23+s3+$0x0], $0xffff;
	v2 =	vand.u32 $0xFFFFFC00, v2;
	v16 =	vor.u32 $0x180, v10;
	v19 =	vor.u32 $0x200, v10  }
0x77: {  	s21 =	sor.u32 s4, s26;
	s26 =	sand.u32 $0x1F00, s1;
	s22 =	sand.u32 $0x40, s12;
	v23 =	vor.u32 $0x300, v10;
	v12 =	vmul.f32 v12, v7;
	v7 =	vld.idx.msk [tilespmem:v26+s3+$0x0], $0xffff;
	v8 =	vadd.f32 v8, v6  }
0x78: {  	s19 =	simm.s32 $0x1;
	s22 =	sor.u32 s26, s22;
	v22 =	vor.u32 $0x380, v10;
	v17 =	vor.u32 $0x80, v21;
	v13 =	vor.u32 $0x100, v10;
	v6 =	vld.idx.msk [tilespmem:v11+s3+$0x0], $0xffff  }
0x79: {  	s21 =	smul.u32 $0xC80, s21;
	s19 =	simm.s32 @!p1 $0x0;
	s30 =	sor.u32 s31, s22;
	v9 =	vor.u32 $0x80, v10;
	v11 =	vadd.f32 v12, v8;
	v12 =	vmul.f32 v27, v14;
	v8 =	vld.idx.msk [tilespmem:v4+s3+$0x0], $0xffff  }
0x7a: {  	s19 =	sshll.u32 s19, $0x7;
	v26 =	vor.u32 $0x300, v21;
	v24 =	vor.u32 $0x200, v21;
	v20 =	vor.u32 $0x280, v10;
	v4 =	vld [tilespmem:s30+$0x15500]  }
0x7b: {  	s28 =	sadd.s32 s5, s21;
	s26 =	sor.u32 $0x16E00, s19;
	s19 =	simm.s32 $0x4;
	v27 =	vor.u32 $0x380, v21;
	v11 =	vadd.f32 v12, v11;
	v12 =	vmul.f32 v28, v29  }
.LBB2_14:
0x7c: {  	s19 =	sadd.s32 $0x4, s19  }
0x7d: {  	v5 =	vmul.f32 v5, v6;
	p2 =	slt.u32 s19, $0xC4;
	v28 =	vld [tilespmem:s30+$0x13C00];
	v11 =	vadd.f32 v12, v11  }
0x7e: {  	v29 =	vld [tilespmem:s30+$0x15530]  }
0x7f: {  	v7 =	vmul.f32 v7, v8;
	v6 =	vshll.u32 v4, $0x3;
	v30 =	vld [tilespmem:s30+$0x13C30];
	v5 =	vadd.f32 v5, v11  }
0x80: {  	v14 =	vand.u32 $0xFFFFFC00, v6;
	v11 =	vld [tilespmem:s30+$0x13C10]  }
0x81: {  	v12 =	vld [tilespmem:s30+$0x15510];
	v7 =	vadd.f32 v7, v5  }
0x82: {  	v8 =	vand.u32 $0x7F, v0;
	v6 =	vld [tilespmem:s30+$0x15520]  }
0x83: {  	v5 =	vld [tilespmem:s30+$0x13C20];
	[tilespmem:s29+$0x16E10] =	vst v7;
	v7 =	vand.u32 $0x7F, v1;
	v0 =	vmov v29  }
0x84: {  	v31 =	vor.u32 v8, v3;
	v21 =	vld.idx.msk [tilespmem:v21+s3+$0x0], $0xffff;
	v29 =	vor.u32 v7, v2;
	v1 =	vmov v30  }
0x85: {  	v2 =	vshll.u32 v11, $0x3;
	v30 =	vld.idx.msk [tilespmem:v10+s3+$0x0], $0xffff;
	v32 =	vor.u32 $0x80, v29  }
0x86: {  	v10 =	vand.u32 $0xFFFFFC00, v2;
	v2 =	vshll.u32 v12, $0x3;
	v33 =	vld.idx.msk [tilespmem:v17+s3+$0x0], $0xffff  }
0x87: {  	v17 =	vand.u32 $0xFFFFFC00, v2;
	v2 =	vshll.u32 v6, $0x3;
	v9 =	vld.idx.msk [tilespmem:v9+s3+$0x0], $0xffff  }
0x88: {  	v3 =	vshll.u32 v5, $0x3;
	v8 =	vand.u32 $0xFFFFFC00, v2;
	v18 =	vld.idx.msk [tilespmem:v18+s3+$0x0], $0xffff  }
0x89: {  	v2 =	vshll.u32 v1, $0x3;
	v7 =	vand.u32 $0xFFFFFC00, v3;
	v13 =	vld.idx.msk [tilespmem:v13+s3+$0x0], $0xffff  }
0x8a: {  	v2 =	vand.u32 $0xFFFFFC00, v2;
	v3 =	vshll.u32 v0, $0x3;
	v15 =	vld.idx.msk [tilespmem:v15+s3+$0x0], $0xffff  }
0x8b: {  	v3 =	vand.u32 $0xFFFFFC00, v3;
	v21 =	vmul.f32 v30, v21;
	v30 =	vor.u32 $0x180, v29;
	v16 =	vld.idx.msk [tilespmem:v16+s3+$0x0], $0xffff  }
0x8c: {  	v34 =	vand.u32 $0x7F, v28;
	v28 =	vshll.u32 v28, $0x3;
	v24 =	vld.idx.msk [tilespmem:v24+s3+$0x0], $0xffff  }
0x8d: {  	v28 =	vand.u32 $0xFFFFFC00, v28;
	v21 =	vadd.f32 $0.0e+00, v21;
	v9 =	vmul.f32 v9, v33;
	v19 =	vld.idx.msk [tilespmem:v19+s3+$0x0], $0xffff  }
0x8e: {  	v28 =	vor.u32 v34, v28;
	v33 =	vor.u32 $0x200, v31;
	v25 =	vld.idx.msk [tilespmem:v25+s3+$0x0], $0xffff  }
0x8f: {  	v9 =	vadd.f32 v9, v21;
	v13 =	vmul.f32 v13, v18;
	v18 =	vld.idx.msk [tilespmem:v20+s3+$0x0], $0xffff;
	v20 =	vor.u32 $0x280, v29  }
0x90: {  	v21 =	vor.u32 $0x80, v28;
	v26 =	vld.idx.msk [tilespmem:v26+s3+$0x0], $0xffff  }
0x91: {  	v34 =	vor.u32 $0x100, v28;
	v9 =	vadd.f32 v13, v9;
	v13 =	vld.idx.msk [tilespmem:v23+s3+$0x0], $0xffff;
	v23 =	vor.u32 $0x300, v29  }
0x92: {  	v15 =	vmul.f32 v16, v15;
	v16 =	vld.idx.msk [tilespmem:v27+s3+$0x0], $0xffff  }
0x93: {  	v19 =	vmul.f32 v19, v24  }
0x94: {  	v9 =	vadd.f32 v15, v9;
	v15 =	vld.idx.msk [tilespmem:v22+s3+$0x0], $0xffff;
	v22 =	vor.u32 $0x380, v31  }
0x95: {  	v18 =	vmul.f32 v18, v25  }
0x96: {  	v9 =	vadd.f32 v19, v9  }
0x97: {  	v13 =	vmul.f32 v13, v26  }
0x98: {  	v9 =	vadd.f32 v18, v9;
	_ =	sdelay $0x1  }
0x99: {  	v9 =	vadd.f32 v13, v9;
	v13 =	vmul.f32 v15, v16;
	_ =	sdelay $0x1  }
0x9a: {  	v9 =	vadd.f32 v13, v9  }
0x9b: {  	v13 =	vor.u32 $0x80, v31  }
0x9c: {  	[tilespmem:s29+$0x16E20] =	vst v9;
	v9 =	vor.u32 $0x100, v29  }
0x9d: {  	v16 =	vor.u32 $0x100, v31;
	v15 =	vld.idx.msk [tilespmem:v29+s3+$0x0], $0xffff  }
0x9e: {  	v18 =	vld.idx.msk [tilespmem:v31+s3+$0x0], $0xffff  }
0x9f: {  	v24 =	vor.u32 $0x180, v31;
	v19 =	vld.idx.msk [tilespmem:v32+s3+$0x0], $0xffff  }
0xa0: {  	v25 =	vor.u32 $0x200, v29;
	v13 =	vld.idx.msk [tilespmem:v13+s3+$0x0], $0xffff  }
0xa1: {  	v9 =	vld.idx.msk [tilespmem:v9+s3+$0x0], $0xffff  }
0xa2: {  	v16 =	vld.idx.msk [tilespmem:v16+s3+$0x0], $0xffff  }
0xa3: {  	v27 =	vor.u32 $0x280, v31;
	v26 =	vld.idx.msk [tilespmem:v30+s3+$0x0], $0xffff  }
0xa4: {  	v30 =	vor.u32 $0x180, v28;
	v15 =	vmul.f32 v18, v15;
	v18 =	vld.idx.msk [tilespmem:v24+s3+$0x0], $0xffff  }
0xa5: {  	v29 =	vor.u32 $0x380, v29;
	v24 =	vld.idx.msk [tilespmem:v25+s3+$0x0], $0xffff;
	v25 =	vor.u32 $0x300, v31  }
0xa6: {  	v31 =	vor.u32 $0x200, v28;
	v15 =	vadd.f32 $0.0e+00, v15;
	v13 =	vmul.f32 v13, v19;
	v19 =	vld.idx.msk [tilespmem:v33+s3+$0x0], $0xffff  }
0xa7: {  	v20 =	vld.idx.msk [tilespmem:v20+s3+$0x0], $0xffff  }
0xa8: {  	v32 =	vor.u32 $0x280, v28;
	v13 =	vadd.f32 v13, v15;
	v9 =	vmul.f32 v16, v9;
	v15 =	vld.idx.msk [tilespmem:v27+s3+$0x0], $0xffff  }
0xa9: {  	v16 =	vld.idx.msk [tilespmem:v23+s3+$0x0], $0xffff  }
0xaa: {  	v23 =	vor.u32 $0x300, v28;
	v9 =	vadd.f32 v9, v13;
	v13 =	vmul.f32 v18, v26;
	v18 =	vld.idx.msk [tilespmem:v25+s3+$0x0], $0xffff  }
0xab: {  	v25 =	vld.idx.msk [tilespmem:v29+s3+$0x0], $0xffff  }
0xac: {  	v26 =	vor.u32 $0x380, v28;
	v9 =	vadd.f32 v13, v9;
	v13 =	vmul.f32 v19, v24;
	v19 =	vld.idx.msk [tilespmem:v22+s3+$0x0], $0xffff;
	_ =	sdelay $0x1  }
0xad: {  	v9 =	vadd.f32 v13, v9;
	v13 =	vmul.f32 v15, v20;
	_ =	sdelay $0x1  }
0xae: {  	v9 =	vadd.f32 v13, v9;
	v13 =	vmul.f32 v18, v16  }
0xaf: {  	v4 =	vand.u32 $0x7F, v4  }
0xb0: {  	v4 =	vor.u32 v4, v14;
	v9 =	vadd.f32 v13, v9;
	v13 =	vmul.f32 v19, v25;
	_ =	sdelay $0x1  }
0xb1: {  	v14 =	vor.u32 $0x80, v4;
	v9 =	vadd.f32 v13, v9;
	_ =	sdelay $0x1  }
0xb2: {  	v11 =	vand.u32 $0x7F, v11;
	v12 =	vand.u32 $0x7F, v12;
	v13 =	vor.u32 $0x100, v4;
	[tilespmem:s29+$0x16E30] =	vst v9;
	s29 =	smov.u32 s30  }
0xb3: {  	v11 =	vor.u32 v11, v10;
	v9 =	vld.idx.msk [tilespmem:v4+s3+$0x0], $0xffff  }
0xb4: {  	v12 =	vor.u32 v12, v17;
	v15 =	vor.u32 $0x180, v4;
	v10 =	vld.idx.msk [tilespmem:v28+s3+$0x0], $0xffff  }
0xb5: {  	v16 =	vor.u32 $0x80, v12;
	v14 =	vld.idx.msk [tilespmem:v14+s3+$0x0], $0xffff  }
0xb6: {  	v18 =	vor.u32 $0x200, v4;
	v19 =	vor.u32 $0x80, v11;
	v17 =	vld.idx.msk [tilespmem:v21+s3+$0x0], $0xffff  }
0xb7: {  	v20 =	vor.u32 $0x100, v12;
	v13 =	vld.idx.msk [tilespmem:v13+s3+$0x0], $0xffff  }
0xb8: {  	v24 =	vor.u32 $0x100, v11;
	v22 =	vor.u32 $0x280, v4;
	v21 =	vld.idx.msk [tilespmem:v34+s3+$0x0], $0xffff  }
0xb9: {  	v25 =	vor.u32 $0x180, v12;
	v15 =	vld.idx.msk [tilespmem:v15+s3+$0x0], $0xffff  }
0xba: {  	v27 =	vor.u32 $0x300, v4;
	v28 =	vor.u32 $0x180, v11;
	v9 =	vmul.f32 v9, v10;
	v10 =	vld.idx.msk [tilespmem:v30+s3+$0x0], $0xffff  }
0xbb: {  	v29 =	vor.u32 $0x200, v12;
	v4 =	vor.u32 $0x380, v4;
	v18 =	vld.idx.msk [tilespmem:v18+s3+$0x0], $0xffff  }
0xbc: {  	v30 =	vor.u32 $0x200, v11;
	v9 =	vadd.f32 $0.0e+00, v9;
	v14 =	vmul.f32 v14, v17;
	v17 =	vld.idx.msk [tilespmem:v31+s3+$0x0], $0xffff  }
0xbd: {  	v31 =	vor.u32 $0x280, v12;
	v22 =	vld.idx.msk [tilespmem:v22+s3+$0x0], $0xffff  }
0xbe: {  	v9 =	vadd.f32 v14, v9;
	v13 =	vmul.f32 v13, v21;
	v14 =	vld.idx.msk [tilespmem:v32+s3+$0x0], $0xffff;
	v32 =	vor.u32 $0x280, v11  }
0xbf: {  	v21 =	vld.idx.msk [tilespmem:v27+s3+$0x0], $0xffff;
	v27 =	vor.u32 $0x300, v12  }
0xc0: {  	v9 =	vadd.f32 v13, v9;
	v10 =	vmul.f32 v15, v10;
	v13 =	vld.idx.msk [tilespmem:v23+s3+$0x0], $0xffff;
	v23 =	vor.u32 $0x300, v11  }
0xc1: {  	v33 =	vor.u32 $0x380, v12;
	v4 =	vld.idx.msk [tilespmem:v4+s3+$0x0], $0xffff  }
0xc2: {  	v34 =	vor.u32 $0x380, v11;
	v9 =	vadd.f32 v10, v9;
	v10 =	vmul.f32 v18, v17;
	v15 =	vld.idx.msk [tilespmem:v26+s3+$0x0], $0xffff;
	_ =	sdelay $0x1  }
0xc3: {  	v9 =	vadd.f32 v10, v9;
	v10 =	vmul.f32 v22, v14;
	_ =	sdelay $0x1  }
0xc4: {  	v9 =	vadd.f32 v10, v9;
	v10 =	vmul.f32 v21, v13;
	_ =	sdelay $0x1  }
0xc5: {  	v9 =	vadd.f32 v10, v9;
	v4 =	vmul.f32 v4, v15;
	_ =	sdelay $0x1  }
0xc6: {  	v4 =	vadd.f32 v4, v9  }
0xc7: {  	v6 =	vand.u32 $0x7F, v6  }
0xc8: {  	v10 =	vor.u32 v6, v8;
	[tilespmem:s29+$0x16E00] =	vst v4  }
0xc9: {  	v9 =	vor.u32 $0x80, v10;
	v4 =	vld.idx.msk [tilespmem:v11+s3+$0x0], $0xffff  }
0xca: {  	v5 =	vand.u32 $0x7F, v5;
	v6 =	vld.idx.msk [tilespmem:v12+s3+$0x0], $0xffff  }
0xcb: {  	v21 =	vor.u32 v5, v7;
	v8 =	vld.idx.msk [tilespmem:v16+s3+$0x0], $0xffff  }
0xcc: {  	v17 =	vor.u32 $0x80, v21;
	v5 =	vld.idx.msk [tilespmem:v19+s3+$0x0], $0xffff  }
0xcd: {  	v13 =	vor.u32 $0x100, v10;
	v7 =	vld.idx.msk [tilespmem:v20+s3+$0x0], $0xffff  }
0xce: {  	v18 =	vor.u32 $0x100, v21;
	v11 =	vld.idx.msk [tilespmem:v24+s3+$0x0], $0xffff  }
0xcf: {  	v15 =	vor.u32 $0x180, v21;
	v12 =	vld.idx.msk [tilespmem:v25+s3+$0x0], $0xffff  }
0xd0: {  	v4 =	vmul.f32 v6, v4;
	v6 =	vld.idx.msk [tilespmem:v28+s3+$0x0], $0xffff  }
0xd1: {  	s1 =	sadd.s32 $0x80, s1;
	s12 =	sadd.s32 $0x40, s12;
	v16 =	vor.u32 $0x180, v10;
	v14 =	vld.idx.msk [tilespmem:v29+s3+$0x0], $0xffff  }
0xd2: {  	s21 =	sand.u32 $0x40, s12;
	s22 =	sand.u32 $0x1F00, s1;
	v19 =	vor.u32 $0x200, v10;
	v4 =	vadd.f32 $0.0e+00, v4;
	v5 =	vmul.f32 v8, v5;
	v8 =	vld.idx.msk [tilespmem:v30+s3+$0x0], $0xffff  }
0xd3: {  	s21 =	sor.u32 s22, s21;
	v24 =	vor.u32 $0x200, v21;
	v28 =	vld.idx.msk [tilespmem:v31+s3+$0x0], $0xffff  }
0xd4: {  	s30 =	sor.u32 s31, s21;
	v20 =	vor.u32 $0x280, v10;
	v4 =	vadd.f32 v5, v4;
	v7 =	vmul.f32 v7, v11;
	v29 =	vld.idx.msk [tilespmem:v32+s3+$0x0], $0xffff  }
0xd5: {  	v25 =	vor.u32 $0x280, v21;
	v5 =	vld.idx.msk [tilespmem:v27+s3+$0x0], $0xffff  }
.Ltmp5:
0xd6: {  	v4 =	vadd.f32 v7, v4;
	v11 =	vmul.f32 v12, v6;
	v6 =	vld.idx.msk [tilespmem:v23+s3+$0x0], $0xffff;
	v23 =	vor.u32 $0x300, v10;
	(pc) =	sbr.rel @p2 .LBB2_14-.Ltmp5, $4  }
0xd7: {  	v26 =	vor.u32 $0x300, v21;
	v7 =	vld.idx.msk [tilespmem:v33+s3+$0x0], $0xffff  }
0xd8: {  	v22 =	vor.u32 $0x380, v10;
	v11 =	vadd.f32 v11, v4;
	v12 =	vmul.f32 v14, v8;
	v8 =	vld.idx.msk [tilespmem:v34+s3+$0x0], $0xffff  }
0xd9: {  	v27 =	vor.u32 $0x380, v21;
	v4 =	vld [tilespmem:s30+$0x15500]  }
0xda: {  	v11 =	vadd.f32 v12, v11;
	v12 =	vmul.f32 v28, v29  }
0xdb: {  	_ = 	snop  }
0xdc: {  	v14 =	vld [tilespmem:s30+$0x13C00];
	v54 =	vmul.f32 v5, v6;
	v11 =	vadd.f32 v12, v11  }
0xdd: {  	v5 =	vld [tilespmem:s30+$0x15530]  }
0xde: {  	v6 =	vld [tilespmem:s30+$0x13C30];
	v7 =	vmul.f32 v7, v8;
	v28 =	vadd.f32 v54, v11  }
0xdf: {  	v12 =	vld [tilespmem:s30+$0x15510]  }
0xe0: {  	v8 =	vld [tilespmem:s30+$0x13C20];
	v28 =	vadd.f32 v7, v28  }
0xe1: {  	v11 =	vld [tilespmem:s30+$0x13C10]  }
0xe2: {  	v7 =	vld [tilespmem:s30+$0x15520];
	[tilespmem:s29+$0x16E10] =	vst v28  }
0xe3: {  	v21 =	vld.idx.msk [tilespmem:v21+s3+$0x0], $0xffff  }
0xe4: {  	v10 =	vld.idx.msk [tilespmem:v10+s3+$0x0], $0xffff  }
0xe5: {  	v17 =	vld.idx.msk [tilespmem:v17+s3+$0x0], $0xffff  }
0xe6: {  	v9 =	vld.idx.msk [tilespmem:v9+s3+$0x0], $0xffff  }
0xe7: {  	v18 =	vld.idx.msk [tilespmem:v18+s3+$0x0], $0xffff  }
0xe8: {  	v13 =	vld.idx.msk [tilespmem:v13+s3+$0x0], $0xffff  }
0xe9: {  	v15 =	vld.idx.msk [tilespmem:v15+s3+$0x0], $0xffff;
	v10 =	vmul.f32 v10, v21  }
0xea: {  	v16 =	vld.idx.msk [tilespmem:v16+s3+$0x0], $0xffff  }
0xeb: {  	v55 =	vld.idx.msk [tilespmem:v24+s3+$0x0], $0xffff;
	v9 =	vmul.f32 v9, v17;
	v10 =	vadd.f32 $0.0e+00, v10  }
0xec: {  	v56 =	vld.idx.msk [tilespmem:v19+s3+$0x0], $0xffff  }
0xed: {  	v57 =	vld.idx.msk [tilespmem:v25+s3+$0x0], $0xffff;
	v58 =	vmul.f32 v13, v18;
	v9 =	vadd.f32 v9, v10  }
0xee: {  	v59 =	vld.idx.msk [tilespmem:v20+s3+$0x0], $0xffff  }
0xef: {  	v60 =	vld.idx.msk [tilespmem:v26+s3+$0x0], $0xffff;
	v61 =	vmul.f32 v16, v15;
	v9 =	vadd.f32 v58, v9  }
0xf0: {  	v62 =	vld.idx.msk [tilespmem:v23+s3+$0x0], $0xffff  }
0xf1: {  	v63 =	vld.idx.msk [tilespmem:v27+s3+$0x0], $0xffff;
	v17 =	vmul.f32 v56, v55;
	v9 =	vadd.f32 v61, v9  }
0xf2: {  	v20 =	vld.idx.msk [tilespmem:v22+s3+$0x0], $0xffff  }
0xf3: {  	v13 =	vmul.f32 v59, v57;
	v9 =	vadd.f32 v17, v9;
	_ =	sdelay $0x1  }
0xf4: {  	v15 =	vmul.f32 v62, v60;
	v9 =	vadd.f32 v13, v9  }
0xf5: {  	v0 =	vand.u32 $0x7F, v0;
	v1 =	vand.u32 $0x7F, v1  }
0xf6: {  	v1 =	vor.u32 v1, v2;
	v22 =	vmul.f32 v20, v63;
	v21 =	vadd.f32 v15, v9  }
0xf7: {  	v0 =	vor.u32 v0, v3  }
0xf8: {  	v23 =	vor.u32 $0x80, v1;
	v2 =	vadd.f32 v22, v21  }
0xf9: {  	v24 =	vor.u32 $0x80, v0  }
0xfa: {  	v25 =	vor.u32 $0x100, v1;
	[tilespmem:s29+$0x16E20] =	vst v2  }
0xfb: {  	v27 =	vor.u32 $0x100, v0;
	v26 =	vld.idx.msk [tilespmem:v1+s3+$0x0], $0xffff  }
0xfc: {  	v28 =	vor.u32 $0x180, v1;
	v29 =	vld.idx.msk [tilespmem:v0+s3+$0x0], $0xffff  }
0xfd: {  	v30 =	vor.u32 $0x180, v0;
	v3 =	vld.idx.msk [tilespmem:v23+s3+$0x0], $0xffff  }
0xfe: {  	v31 =	vor.u32 $0x200, v1;
	v9 =	vld.idx.msk [tilespmem:v24+s3+$0x0], $0xffff  }
0xff: {  	v32 =	vor.u32 $0x200, v0;
	v2 =	vld.idx.msk [tilespmem:v25+s3+$0x0], $0xffff  }
0x100: {  	v33 =	vor.u32 $0x280, v1;
	v13 =	vld.idx.msk [tilespmem:v27+s3+$0x0], $0xffff  }
0x101: {  	v34 =	vor.u32 $0x280, v0;
	v15 =	vld.idx.msk [tilespmem:v28+s3+$0x0], $0xffff;
	v10 =	vmul.f32 v29, v26  }
0x102: {  	v35 =	vor.u32 $0x300, v1;
	v17 =	vld.idx.msk [tilespmem:v30+s3+$0x0], $0xffff  }
0x103: {  	v36 =	vor.u32 $0x300, v0;
	v18 =	vld.idx.msk [tilespmem:v31+s3+$0x0], $0xffff;
	v3 =	vmul.f32 v9, v3;
	v10 =	vadd.f32 $0.0e+00, v10  }
0x104: {  	v1 =	vor.u32 $0x380, v1;
	v37 =	vld.idx.msk [tilespmem:v32+s3+$0x0], $0xffff  }
0x105: {  	v0 =	vor.u32 $0x380, v0;
	v38 =	vld.idx.msk [tilespmem:v33+s3+$0x0], $0xffff;
	v2 =	vmul.f32 v13, v2;
	v3 =	vadd.f32 v3, v10  }
0x106: {  	v39 =	vld.idx.msk [tilespmem:v34+s3+$0x0], $0xffff  }
0x107: {  	v40 =	vld.idx.msk [tilespmem:v35+s3+$0x0], $0xffff;
	v41 =	vmul.f32 v17, v15;
	v2 =	vadd.f32 v2, v3  }
0x108: {  	v42 =	vld.idx.msk [tilespmem:v36+s3+$0x0], $0xffff  }
0x109: {  	v1 =	vld.idx.msk [tilespmem:v1+s3+$0x0], $0xffff;
	v43 =	vmul.f32 v37, v18;
	v2 =	vadd.f32 v41, v2  }
0x10a: {  	v0 =	vld.idx.msk [tilespmem:v0+s3+$0x0], $0xffff  }
0x10b: {  	v45 =	vmul.f32 v39, v38;
	v2 =	vadd.f32 v43, v2  }
0x10c: {  	v44 =	vshll.u32 v4, $0x3;
	v49 =	vand.u32 $0x7F, v4  }
0x10d: {  	v9 =	vand.u32 $0xFFFFFC00, v44;
	v47 =	vmul.f32 v42, v40;
	v2 =	vadd.f32 v45, v2  }
0x10e: {  	v46 =	vshll.u32 v14, $0x3;
	v48 =	vand.u32 $0x7F, v14;
	v4 =	vor.u32 v49, v9  }
0x10f: {  	v10 =	vand.u32 $0xFFFFFC00, v46;
	v0 =	vmul.f32 v0, v1;
	v2 =	vadd.f32 v47, v2  }
0x110: {  	v50 =	vor.u32 v48, v10  }
0x111: {  	v51 =	vor.u32 $0x80, v4;
	v0 =	vadd.f32 v0, v2  }
0x112: {  	v52 =	vor.u32 $0x80, v50  }
0x113: {  	v9 =	vor.u32 $0x100, v4;
	[tilespmem:s29+$0x16E30] =	vst v0  }
0x114: {  	v53 =	vor.u32 $0x100, v50;
	v54 =	vld.idx.msk [tilespmem:v4+s3+$0x0], $0xffff  }
0x115: {  	v55 =	vor.u32 $0x180, v4;
	v13 =	vld.idx.msk [tilespmem:v50+s3+$0x0], $0xffff  }
0x116: {  	v56 =	vor.u32 $0x180, v50;
	v3 =	vld.idx.msk [tilespmem:v51+s3+$0x0], $0xffff  }
0x117: {  	v57 =	vor.u32 $0x200, v4;
	v2 =	vld.idx.msk [tilespmem:v52+s3+$0x0], $0xffff  }
0x118: {  	v58 =	vor.u32 $0x200, v50;
	v9 =	vld.idx.msk [tilespmem:v9+s3+$0x0], $0xffff  }
0x119: {  	v59 =	vor.u32 $0x280, v4;
	v0 =	vld.idx.msk [tilespmem:v53+s3+$0x0], $0xffff  }
0x11a: {  	v60 =	vor.u32 $0x280, v50;
	v14 =	vld.idx.msk [tilespmem:v55+s3+$0x0], $0xffff;
	v10 =	vmul.f32 v54, v13  }
0x11b: {  	v62 =	vor.u32 $0x300, v4;
	v61 =	vld.idx.msk [tilespmem:v56+s3+$0x0], $0xffff  }
0x11c: {  	v63 =	vor.u32 $0x300, v50;
	v16 =	vld.idx.msk [tilespmem:v57+s3+$0x0], $0xffff;
	v2 =	vmul.f32 v3, v2;
	v10 =	vadd.f32 $0.0e+00, v10  }
0x11d: {  	v1 =	vor.u32 $0x380, v50;
	v25 =	vld.idx.msk [tilespmem:v58+s3+$0x0], $0xffff  }
0x11e: {  	v24 =	vor.u32 $0x380, v4;
	v26 =	vld.idx.msk [tilespmem:v59+s3+$0x0], $0xffff;
	v0 =	vmul.f32 v9, v0;
	v2 =	vadd.f32 v2, v10  }
0x11f: {  	v27 =	vld.idx.msk [tilespmem:v60+s3+$0x0], $0xffff  }
0x120: {  	v28 =	vld.idx.msk [tilespmem:v62+s3+$0x0], $0xffff;
	v29 =	vmul.f32 v14, v61;
	v0 =	vadd.f32 v0, v2  }
0x121: {  	v30 =	vld.idx.msk [tilespmem:v63+s3+$0x0], $0xffff  }
0x122: {  	v1 =	vld.idx.msk [tilespmem:v1+s3+$0x0], $0xffff;
	v31 =	vmul.f32 v16, v25;
	v0 =	vadd.f32 v29, v0  }
0x123: {  	v3 =	vld.idx.msk [tilespmem:v24+s3+$0x0], $0xffff  }
0x124: {  	v33 =	vmul.f32 v26, v27;
	v0 =	vadd.f32 v31, v0  }
0x125: {  	v32 =	vshll.u32 v11, $0x3;
	v36 =	vand.u32 $0x7F, v11  }
0x126: {  	v4 =	vand.u32 $0xFFFFFC00, v32;
	v35 =	vmul.f32 v28, v30;
	v0 =	vadd.f32 v33, v0  }
0x127: {  	v34 =	vshll.u32 v12, $0x3;
	v37 =	vand.u32 $0x7F, v12;
	v4 =	vor.u32 v36, v4  }
0x128: {  	v9 =	vand.u32 $0xFFFFFC00, v34;
	v1 =	vmul.f32 v3, v1;
	v0 =	vadd.f32 v35, v0  }
0x129: {  	v38 =	vor.u32 v37, v9  }
0x12a: {  	v39 =	vor.u32 $0x80, v38;
	v0 =	vadd.f32 v1, v0  }
0x12b: {  	v40 =	vor.u32 $0x80, v4  }
0x12c: {  	v9 =	vor.u32 $0x100, v38;
	[tilespmem:s30+$0x16E00] =	vst v0  }
0x12d: {  	v41 =	vor.u32 $0x100, v4;
	v10 =	vld.idx.msk [tilespmem:v4+s3+$0x0], $0xffff  }
0x12e: {  	v11 =	vor.u32 $0x180, v38;
	v42 =	vld.idx.msk [tilespmem:v38+s3+$0x0], $0xffff  }
0x12f: {  	v43 =	vor.u32 $0x180, v4;
	v3 =	vld.idx.msk [tilespmem:v39+s3+$0x0], $0xffff  }
0x130: {  	v44 =	vor.u32 $0x200, v38;
	v1 =	vld.idx.msk [tilespmem:v40+s3+$0x0], $0xffff  }
0x131: {  	v45 =	vor.u32 $0x200, v4;
	v9 =	vld.idx.msk [tilespmem:v9+s3+$0x0], $0xffff  }
0x132: {  	v46 =	vor.u32 $0x280, v38;
	v0 =	vld.idx.msk [tilespmem:v41+s3+$0x0], $0xffff  }
0x133: {  	v47 =	vor.u32 $0x280, v4;
	v11 =	vld.idx.msk [tilespmem:v11+s3+$0x0], $0xffff;
	v10 =	vmul.f32 v42, v10  }
0x134: {  	v48 =	vor.u32 $0x300, v38;
	v13 =	vld.idx.msk [tilespmem:v43+s3+$0x0], $0xffff  }
0x135: {  	v49 =	vor.u32 $0x300, v4;
	v14 =	vld.idx.msk [tilespmem:v44+s3+$0x0], $0xffff;
	v1 =	vmul.f32 v3, v1;
	v10 =	vadd.f32 $0.0e+00, v10  }
0x136: {  	v2 =	vor.u32 $0x380, v38;
	v50 =	vld.idx.msk [tilespmem:v45+s3+$0x0], $0xffff  }
0x137: {  	v4 =	vor.u32 $0x380, v4;
	v51 =	vld.idx.msk [tilespmem:v46+s3+$0x0], $0xffff;
	v0 =	vmul.f32 v9, v0;
	v1 =	vadd.f32 v1, v10  }
0x138: {  	v52 =	vld.idx.msk [tilespmem:v47+s3+$0x0], $0xffff  }
0x139: {  	v53 =	vld.idx.msk [tilespmem:v48+s3+$0x0], $0xffff;
	v54 =	vmul.f32 v11, v13;
	v0 =	vadd.f32 v0, v1  }
0x13a: {  	v55 =	vld.idx.msk [tilespmem:v49+s3+$0x0], $0xffff  }
0x13b: {  	v2 =	vld.idx.msk [tilespmem:v2+s3+$0x0], $0xffff;
	v56 =	vmul.f32 v14, v50;
	v0 =	vadd.f32 v54, v0  }
0x13c: {  	v57 =	vld.idx.msk [tilespmem:v4+s3+$0x0], $0xffff  }
0x13d: {  	v58 =	vmul.f32 v51, v52;
	v0 =	vadd.f32 v56, v0  }
0x13e: {  	v59 =	vshll.u32 v7, $0x3;
	v60 =	vshll.u32 v8, $0x3  }
0x13f: {  	v7 =	vand.u32 $0x7F, v7;
	v61 =	vmul.f32 v53, v55;
	v0 =	vadd.f32 v58, v0  }
0x140: {  	v8 =	vand.u32 $0x7F, v8;
	v4 =	vand.u32 $0xFFFFFC00, v59;
	v9 =	vand.u32 $0xFFFFFC00, v60  }
0x141: {  	v8 =	vor.u32 v8, v9;
	v62 =	vmul.f32 v2, v57;
	v0 =	vadd.f32 v61, v0  }
0x142: {  	v63 =	vor.u32 v7, v4  }
0x143: {  	v15 =	vor.u32 $0x80, v8;
	v0 =	vadd.f32 v62, v0  }
0x144: {  	v16 =	vor.u32 $0x80, v63  }
0x145: {  	v17 =	vor.u32 $0x100, v8;
	[tilespmem:s30+$0x16E10] =	vst v0  }
0x146: {  	v18 =	vor.u32 $0x100, v63;
	v19 =	vld.idx.msk [tilespmem:v8+s3+$0x0], $0xffff  }
0x147: {  	v9 =	vor.u32 $0x180, v8;
	v20 =	vld.idx.msk [tilespmem:v63+s3+$0x0], $0xffff  }
0x148: {  	v21 =	vor.u32 $0x180, v63;
	v3 =	vld.idx.msk [tilespmem:v15+s3+$0x0], $0xffff  }
0x149: {  	v22 =	vor.u32 $0x200, v8;
	v1 =	vld.idx.msk [tilespmem:v16+s3+$0x0], $0xffff  }
0x14a: {  	v23 =	vor.u32 $0x200, v63;
	v4 =	vld.idx.msk [tilespmem:v17+s3+$0x0], $0xffff  }
0x14b: {  	v24 =	vor.u32 $0x280, v8;
	v0 =	vld.idx.msk [tilespmem:v18+s3+$0x0], $0xffff  }
0x14c: {  	v25 =	vor.u32 $0x280, v63;
	v9 =	vld.idx.msk [tilespmem:v9+s3+$0x0], $0xffff;
	v7 =	vmul.f32 v20, v19  }
0x14d: {  	v26 =	vor.u32 $0x300, v8;
	v11 =	vld.idx.msk [tilespmem:v21+s3+$0x0], $0xffff  }
0x14e: {  	v27 =	vor.u32 $0x300, v63;
	v12 =	vld.idx.msk [tilespmem:v22+s3+$0x0], $0xffff;
	v1 =	vmul.f32 v1, v3;
	v7 =	vadd.f32 $0.0e+00, v7  }
0x14f: {  	v2 =	vor.u32 $0x380, v63;
	v29 =	vld.idx.msk [tilespmem:v23+s3+$0x0], $0xffff  }
0x150: {  	v28 =	vor.u32 $0x380, v8;
	v30 =	vld.idx.msk [tilespmem:v24+s3+$0x0], $0xffff;
	v0 =	vmul.f32 v0, v4;
	v1 =	vadd.f32 v1, v7  }
0x151: {  	v31 =	vld.idx.msk [tilespmem:v25+s3+$0x0], $0xffff  }
0x152: {  	v32 =	vld.idx.msk [tilespmem:v26+s3+$0x0], $0xffff;
	v33 =	vmul.f32 v11, v9;
	v0 =	vadd.f32 v0, v1  }
0x153: {  	v34 =	vld.idx.msk [tilespmem:v27+s3+$0x0], $0xffff  }
0x154: {  	v35 =	vld.idx.msk [tilespmem:v2+s3+$0x0], $0xffff;
	v8 =	vmul.f32 v29, v12;
	v0 =	vadd.f32 v33, v0  }
0x155: {  	v3 =	vld.idx.msk [tilespmem:v28+s3+$0x0], $0xffff  }
0x156: {  	v4 =	vmul.f32 v31, v30;
	v0 =	vadd.f32 v8, v0  }
0x157: {  	v36 =	vshll.u32 v6, $0x3;
	v6 =	vand.u32 $0x7F, v6  }
0x158: {  	v37 =	vshll.u32 v5, $0x3;
	v7 =	vmul.f32 v34, v32;
	v0 =	vadd.f32 v4, v0  }
0x159: {  	v5 =	vand.u32 $0x7F, v5;
	v38 =	vand.u32 $0xFFFFFC00, v37;
	v2 =	vand.u32 $0xFFFFFC00, v36  }
0x15a: {  	v2 =	vor.u32 v6, v2;
	v1 =	vmul.f32 v35, v3;
	v0 =	vadd.f32 v7, v0  }
0x15b: {  	v39 =	vor.u32 v5, v38  }
0x15c: {  	v40 =	vor.u32 $0x80, v2;
	v0 =	vadd.f32 v1, v0  }
0x15d: {  	v41 =	vor.u32 $0x80, v39  }
0x15e: {  	v42 =	vor.u32 $0x100, v2;
	[tilespmem:s30+$0x16E20] =	vst v0  }
0x15f: {  	v44 =	vor.u32 $0x100, v39;
	v43 =	vld.idx.msk [tilespmem:v2+s3+$0x0], $0xffff  }
0x160: {  	v45 =	vor.u32 $0x180, v2;
	v46 =	vld.idx.msk [tilespmem:v39+s3+$0x0], $0xffff  }
0x161: {  	v47 =	vor.u32 $0x180, v39;
	v4 =	vld.idx.msk [tilespmem:v40+s3+$0x0], $0xffff  }
0x162: {  	v48 =	vor.u32 $0x200, v2;
	v1 =	vld.idx.msk [tilespmem:v41+s3+$0x0], $0xffff  }
0x163: {  	v49 =	vor.u32 $0x200, v39;
	v0 =	vld.idx.msk [tilespmem:v42+s3+$0x0], $0xffff  }
0x164: {  	v50 =	vor.u32 $0x280, v2;
	v6 =	vld.idx.msk [tilespmem:v44+s3+$0x0], $0xffff  }
0x165: {  	v51 =	vor.u32 $0x280, v39;
	v7 =	vld.idx.msk [tilespmem:v45+s3+$0x0], $0xffff;
	v5 =	vmul.f32 v46, v43  }
0x166: {  	v52 =	vor.u32 $0x300, v2;
	v9 =	vld.idx.msk [tilespmem:v47+s3+$0x0], $0xffff  }
0x167: {  	v53 =	vor.u32 $0x300, v39;
	v10 =	vld.idx.msk [tilespmem:v48+s3+$0x0], $0xffff;
	v1 =	vmul.f32 v1, v4;
	v5 =	vadd.f32 $0.0e+00, v5  }
0x168: {  	v3 =	vor.u32 $0x380, v39;
	v54 =	vld.idx.msk [tilespmem:v49+s3+$0x0], $0xffff  }
0x169: {  	v2 =	vor.u32 $0x380, v2;
	v55 =	vld.idx.msk [tilespmem:v50+s3+$0x0], $0xffff;
	v0 =	vmul.f32 v6, v0;
	v1 =	vadd.f32 v1, v5  }
0x16a: {  	v56 =	vld.idx.msk [tilespmem:v51+s3+$0x0], $0xffff  }
0x16b: {  	v57 =	vld.idx.msk [tilespmem:v52+s3+$0x0], $0xffff;
	v58 =	vmul.f32 v9, v7;
	v0 =	vadd.f32 v0, v1  }
0x16c: {  	v59 =	vld.idx.msk [tilespmem:v53+s3+$0x0], $0xffff  }
0x16d: {  	v3 =	vld.idx.msk [tilespmem:v3+s3+$0x0], $0xffff;
	v60 =	vmul.f32 v54, v10;
	v0 =	vadd.f32 v58, v0  }
0x16e: {  	v2 =	vld.idx.msk [tilespmem:v2+s3+$0x0], $0xffff  }
0x16f: {  	v61 =	vmul.f32 v56, v55;
	v0 =	vadd.f32 v60, v0;
	_ =	sdelay $0x1  }
0x170: {  	v62 =	vmul.f32 v59, v57;
	v0 =	vadd.f32 v61, v0;
	_ =	sdelay $0x1  }
0x171: {  	v63 =	vmul.f32 v3, v2;
	v0 =	vadd.f32 v62, v0;
	_ =	sdelay $0x1  }
0x172: {  	s12 =	sshrl.u32 s28, $0x1;
	v0 =	vadd.f32 v63, v0  }
0x173: {  	s1 =	sadd.s32 $0x5, s25;
	s12 =	sadd.s32 s12, s13  }
0x174: {  	s19 =	simm.s32 $0x40;
	s21 =	sadd.s32 $0x100, s26;
	s22 =	sadd.s32 $0x0, s12;
	[tilespmem:s30+$0x16E30] =	vst v0  }
.LBB2_16:
0x175: {  	[hbm4b:s22+s3] =	stream.linear.scatter [tilespmem:s26], [sflag:s1], $0x80, $0x38;
	[tilespmem:$0x1B900] =	vst v63  }
0x176: {  	s22 =	smov.u32 s19;
	s26 =	smov.u32 s21;
	p2 =	seq.s32 s19, $0x600  }
.Ltmp6:
0x177: {  	s19 =	sadd.s32 $0x40, s19;
	(pc) =	sbr.rel @!p2 .LBB2_16-.Ltmp6, $2  }
0x178: {  	_ =	sdelay $0x2  }
0x179: {  	s21 =	sadd.s32 $0x100, s21;
	s22 =	sadd.s32 s22, s12  }
0x17a: {  	[hbm4b:s22+s3] =	stream.linear.scatter [tilespmem:s26], [sflag:s1], $0x80, $0x38;
	[tilespmem:$0x1B900] =	vst v63  }
0x17b: {  	p2 =	seq.s32 s24, s9  }
.Ltmp7:
0x17c: {  	_ = 	snop;
	(pc) =	sbr.rel @!p2 .LBB2_7-.Ltmp7, $2  }
0x17d: {  	_ =	sdelay $0x2  }
0x17e: {  	p0 =	por !p0, !p0;
	p1 =	por !p1, !p1;
	s1 =	smov.u32 s24  }
0x17f: {  	s0 =	simm.s32 $0x5  }
0x180: {  	_ =	swait.ge [sflag:s0], $0xC80  }
0x181: {  	[sflag:s0] =	ssyncset.done $0x0  }
0x182: {  	s31 =	simm.s32 $0x6;
	[sflag:s0] =	ssyncadd.s32 $0xFFFFF380  }
0x183: {  	_ =	swait.ge [sflag:s31], $0xC80  }
0x184: {  	[sflag:s31] =	ssyncset.done $0x0  }
0x185: {  	[sflag:s31] =	ssyncadd.s32 $0xFFFFF380  }
0x186: {  	s1 =	simm.s32 $0x0;
	[bflag:$0x0] =	sbarrier.arrive $0xFFFF  }
.LBB2_19:
0x187: {  	s12 =	sshll.u32 s1, $0x4  }
0x188: {  	s12 =	sor.u32 s2, s12  }
0x189: {  	s12 =	smul.u32 $0xC80, s12;
	_ =	sdelay $0x1  }
0x18a: {  	s12 =	sadd.s32 s15, s12  }
0x18b: {  	s19 =	sshrl.u32 s12, $0x1  }
0x18c: {  	s25 =	simm.s32 $0x18700;
	s24 =	sadd.s32 s8, s19  }
0x18d: {  	s26 =	simm.s32 $0x40;
	s21 =	simm.s32 $0x18900;
	s22 =	sadd.s32 $0x0, s24  }
.LBB2_20:
0x18e: {  	[tilespmem:s25], [sflag:$0x7] =	stream.linear.gather [hbm4b:s22+s3], $0x80, $0x38;
	[tilespmem:$0x1B900] =	vst v63  }
0x18f: {  	s22 =	smov.u32 s26;
	s25 =	smov.u32 s21;
	p0 =	sne.s32 s26, $0x600  }
.Ltmp8:
0x190: {  	s26 =	sadd.s32 $0x40, s26;
	(pc) =	sbr.rel @p0 .LBB2_20-.Ltmp8, $2  }
0x191: {  	_ =	sdelay $0x2  }
0x192: {  	s21 =	sadd.s32 $0x200, s21;
	s22 =	sadd.s32 s22, s24  }
0x193: {  	[tilespmem:s25], [sflag:$0x7] =	stream.linear.gather [hbm4b:s22+s3], $0x80, $0x38;
	[tilespmem:$0x1B900] =	vst v63  }
0x194: {  	s24 =	sadd.s32 s19, s16;
	_ =	swait.ge [sflag:s20], $0xC80  }
0x195: {  	s25 =	simm.s32 $0x18780;
	s26 =	simm.s32 $0x40;
	[sflag:s20] =	ssyncset.done $0x0  }
0x196: {  	s21 =	simm.s32 $0x18980;
	s22 =	sadd.s32 $0x0, s24;
	[sflag:s20] =	ssyncadd.s32 $0xFFFFF380  }
.LBB2_22:
0x197: {  	[tilespmem:s25], [sflag:$0x7] =	stream.linear.gather [hbm4b:s22+s3], $0x80, $0x38;
	[tilespmem:$0x1B900] =	vst v63  }
0x198: {  	s22 =	smov.u32 s26;
	s25 =	smov.u32 s21;
	p0 =	sne.s32 s26, $0x600  }
.Ltmp9:
0x199: {  	s26 =	sadd.s32 $0x40, s26;
	(pc) =	sbr.rel @p0 .LBB2_22-.Ltmp9, $2  }
0x19a: {  	_ =	sdelay $0x2  }
0x19b: {  	s21 =	sadd.s32 $0x200, s21;
	s22 =	sadd.s32 s22, s24  }
0x19c: {  	[tilespmem:s25], [sflag:$0x7] =	stream.linear.gather [hbm4b:s22+s3], $0x80, $0x38;
	[tilespmem:$0x1B900] =	vst v63  }
0x19d: {  	s24 =	sadd.s32 s19, s17;
	_ =	swait.ge [sflag:s20], $0xC80  }
0x19e: {  	s25 =	simm.s32 $0x18800;
	s26 =	simm.s32 $0x40;
	[sflag:s20] =	ssyncset.done $0x0  }
0x19f: {  	s21 =	simm.s32 $0x18A00;
	s22 =	sadd.s32 $0x0, s24;
	[sflag:s20] =	ssyncadd.s32 $0xFFFFF380  }
.LBB2_24:
0x1a0: {  	[tilespmem:s25], [sflag:$0x7] =	stream.linear.gather [hbm4b:s22+s3], $0x80, $0x38;
	[tilespmem:$0x1B900] =	vst v63  }
0x1a1: {  	s22 =	smov.u32 s26;
	s25 =	smov.u32 s21;
	p0 =	sne.s32 s26, $0x600  }
.Ltmp10:
0x1a2: {  	s26 =	sadd.s32 $0x40, s26;
	(pc) =	sbr.rel @p0 .LBB2_24-.Ltmp10, $2  }
0x1a3: {  	_ =	sdelay $0x2  }
0x1a4: {  	s21 =	sadd.s32 $0x200, s21;
	s22 =	sadd.s32 s22, s24  }
0x1a5: {  	[tilespmem:s25], [sflag:$0x7] =	stream.linear.gather [hbm4b:s22+s3], $0x80, $0x38;
	[tilespmem:$0x1B900] =	vst v63  }
0x1a6: {  	s19 =	sadd.s32 s19, s18;
	_ =	swait.ge [sflag:s20], $0xC80  }
0x1a7: {  	s24 =	simm.s32 $0x18880;
	s25 =	simm.s32 $0x40;
	[sflag:s20] =	ssyncset.done $0x0  }
0x1a8: {  	s21 =	simm.s32 $0x18A80;
	s22 =	sadd.s32 $0x0, s19;
	[sflag:s20] =	ssyncadd.s32 $0xFFFFF380  }
.LBB2_26:
0x1a9: {  	[tilespmem:s24], [sflag:$0x7] =	stream.linear.gather [hbm4b:s22+s3], $0x80, $0x38;
	[tilespmem:$0x1B900] =	vst v63  }
0x1aa: {  	s22 =	smov.u32 s25;
	s24 =	smov.u32 s21;
	p0 =	sne.s32 s25, $0x600  }
.Ltmp11:
0x1ab: {  	s25 =	sadd.s32 $0x40, s25;
	(pc) =	sbr.rel @p0 .LBB2_26-.Ltmp11, $2  }
0x1ac: {  	_ =	sdelay $0x2  }
0x1ad: {  	s21 =	sadd.s32 $0x200, s21;
	s22 =	sadd.s32 s22, s19  }
0x1ae: {  	[tilespmem:s24], [sflag:$0x7] =	stream.linear.gather [hbm4b:s22+s3], $0x80, $0x38;
	[tilespmem:$0x1B900] =	vst v63  }
0x1af: {  	s21 =	simm.s32 $0x0  }
0x1b0: {  	s19 =	simm.s32 $0x0;
	_ =	swait.ge [sflag:s20], $0xC80;
	s21 =	sand.u32 $0x3FFFFE00, s21  }
0x1b1: {  	s22 =	sand.u32 $0x40, s19;
	[sflag:s20] =	ssyncset.done $0x0;
	s21 =	sadd.s32 $0x18700, s21  }
0x1b2: {  	[sflag:s20] =	ssyncadd.s32 $0xFFFFF380;
	s31 =	sor.u32 s22, s21  }
0x1b3: {  	v0 =	vld [tilespmem:s31+$0x0]  }
0x1b4: {  	v1 =	vld [tilespmem:s31+$0x80];
	_ =	sdelay $0x1  }
0x1b5: {  	v2 =	vld [tilespmem:s31+$0x100];
	_ =	sdelay $0x1  }
0x1b6: {  	v3 =	vld [tilespmem:s31+$0x180]  }
0x1b7: {  	v0 =	vadd.f32 v1, v0;
	_ =	sdelay $0x1  }
0x1b8: {  	s0 =	simm.s32 $0x0;
	v0 =	vadd.f32 v2, v0  }
0x1b9: {  	s24 =	sand.u32 $0x3FFFFF00, s0  }
0x1ba: {  	s25 =	sadd.s32 $0x16E00, s24;
	v0 =	vadd.f32 v3, v0  }
0x1bb: {  	s26 =	sor.u32 $0x10, s22;
	s24 =	sor.u32 s22, s25  }
0x1bc: {  	s23 =	sor.u32 s26, s21;
	[tilespmem:s24+$0x0] =	vst v0  }
0x1bd: {  	v0 =	vld [tilespmem:s23+$0x0]  }
0x1be: {  	v1 =	vld [tilespmem:s23+$0x80];
	_ =	sdelay $0x1  }
0x1bf: {  	v2 =	vld [tilespmem:s23+$0x100];
	_ =	sdelay $0x1  }
0x1c0: {  	v3 =	vld [tilespmem:s23+$0x180]  }
0x1c1: {  	v0 =	vadd.f32 v1, v0;
	_ =	sdelay $0x1  }
0x1c2: {  	v0 =	vadd.f32 v2, v0;
	_ =	sdelay $0x1  }
0x1c3: {  	v0 =	vadd.f32 v3, v0  }
0x1c4: {  	s29 =	sor.u32 $0x20, s22;
	s28 =	sor.u32 s26, s25  }
0x1c5: {  	s30 =	sor.u32 s29, s21;
	[tilespmem:s28+$0x0] =	vst v0  }
0x1c6: {  	v0 =	vld [tilespmem:s30+$0x0]  }
0x1c7: {  	v1 =	vld [tilespmem:s30+$0x80];
	_ =	sdelay $0x1  }
0x1c8: {  	v2 =	vld [tilespmem:s30+$0x100];
	_ =	sdelay $0x1  }
0x1c9: {  	v3 =	vld [tilespmem:s30+$0x180]  }
0x1ca: {  	v0 =	vadd.f32 v1, v0;
	_ =	sdelay $0x1  }
0x1cb: {  	v0 =	vadd.f32 v2, v0;
	_ =	sdelay $0x1  }
0x1cc: {  	v0 =	vadd.f32 v3, v0  }
0x1cd: {  	s22 =	sor.u32 $0x30, s22;
	s31 =	sor.u32 s29, s25  }
0x1ce: {  	s21 =	sor.u32 s22, s21;
	[tilespmem:s31+$0x0] =	vst v0  }
0x1cf: {  	v2 =	vld [tilespmem:s21+$0x0]  }
0x1d0: {  	v3 =	vld [tilespmem:s21+$0x80];
	_ =	sdelay $0x1  }
0x1d1: {  	v1 =	vld [tilespmem:s21+$0x100];
	_ =	sdelay $0x1  }
0x1d2: {  	v0 =	vld [tilespmem:s21+$0x180]  }
0x1d3: {  	s25 =	sor.u32 s22, s25;
	s24 =	simm.s32 $0x0;
	v2 =	vadd.f32 v3, v2  }
.LBB2_28:
0x1d4: {  	_ = 	snop  }
0x1d5: {  	s24 =	sadd.s32 $0x4, s24;
	v1 =	vadd.f32 v1, v2  }
0x1d6: {  	s21 =	sshll.u32 s24, $0x6;
	s22 =	sshll.u32 s24, $0x5;
	p0 =	slt.u32 s24, $0xC4  }
0x1d7: {  	s19 =	sadd.s32 $0x40, s19;
	s21 =	sand.u32 $0x3FFFFE00, s21;
	s22 =	sand.u32 $0x3FFFFF00, s22;
	v0 =	vadd.f32 v0, v1  }
0x1d8: {  	s28 =	sand.u32 $0x40, s19;
	s26 =	sadd.s32 $0x18700, s21;
	s21 =	sadd.s32 $0x16E00, s22  }
0x1d9: {  	s30 =	sor.u32 $0x10, s28;
	s22 =	sor.u32 s28, s26;
	s29 =	sor.u32 s28, s21;
	[tilespmem:s25+$0x0] =	vst v0  }
0x1da: {  	s23 =	sor.u32 $0x20, s28;
	s31 =	sor.u32 s30, s21;
	s28 =	sor.u32 $0x30, s28;
	v0 =	vld [tilespmem:s22+$0x0]  }
0x1db: {  	s0 =	sor.u32 s23, s21;
	s25 =	sor.u32 s28, s21;
	v1 =	vld [tilespmem:s22+$0x80];
	_ =	sdelay $0x1  }
0x1dc: {  	v2 =	vld [tilespmem:s22+$0x100];
	_ =	sdelay $0x1  }
0x1dd: {  	v3 =	vld [tilespmem:s22+$0x180]  }
0x1de: {  	v0 =	vadd.f32 v1, v0;
	_ =	sdelay $0x1  }
0x1df: {  	v0 =	vadd.f32 v2, v0;
	_ =	sdelay $0x1  }
0x1e0: {  	v0 =	vadd.f32 v3, v0;
	_ =	sdelay $0x1  }
0x1e1: {  	s21 =	sor.u32 s30, s26;
	[tilespmem:s29+$0x0] =	vst v0  }
0x1e2: {  	v0 =	vld [tilespmem:s21+$0x0]  }
0x1e3: {  	v1 =	vld [tilespmem:s21+$0x80];
	_ =	sdelay $0x1  }
0x1e4: {  	v2 =	vld [tilespmem:s21+$0x100];
	_ =	sdelay $0x1  }
0x1e5: {  	v3 =	vld [tilespmem:s21+$0x180]  }
0x1e6: {  	v0 =	vadd.f32 v1, v0;
	_ =	sdelay $0x1  }
0x1e7: {  	v0 =	vadd.f32 v2, v0;
	_ =	sdelay $0x1  }
0x1e8: {  	v0 =	vadd.f32 v3, v0;
	_ =	sdelay $0x1  }
0x1e9: {  	s21 =	sor.u32 s23, s26;
	[tilespmem:s31+$0x0] =	vst v0  }
0x1ea: {  	v0 =	vld [tilespmem:s21+$0x0]  }
0x1eb: {  	v1 =	vld [tilespmem:s21+$0x80];
	_ =	sdelay $0x1  }
0x1ec: {  	v2 =	vld [tilespmem:s21+$0x100];
	_ =	sdelay $0x1  }
0x1ed: {  	v3 =	vld [tilespmem:s21+$0x180]  }
0x1ee: {  	v0 =	vadd.f32 v1, v0;
	_ =	sdelay $0x1  }
0x1ef: {  	v0 =	vadd.f32 v2, v0;
	_ =	sdelay $0x1  }
0x1f0: {  	v0 =	vadd.f32 v3, v0;
	_ =	sdelay $0x1  }
0x1f1: {  	[tilespmem:s0+$0x0] =	vst v0;
	s0 =	sor.u32 s28, s26  }
0x1f2: {  	v2 =	vld [tilespmem:s0+$0x0]  }
0x1f3: {  	v3 =	vld [tilespmem:s0+$0x80]  }
.Ltmp12:
0x1f4: {  	v1 =	vld [tilespmem:s0+$0x100];
	(pc) =	sbr.rel @p0 .LBB2_28-.Ltmp12, $2  }
0x1f5: {  	v0 =	vld [tilespmem:s0+$0x180];
	_ =	sdelay $0x2  }
0x1f6: {  	v2 =	vadd.f32 v3, v2  }
0x1f7: {  	_ = 	snop  }
0x1f8: {  	v1 =	vadd.f32 v1, v2;
	_ =	sdelay $0x1  }
0x1f9: {  	s0 =	sshrl.u32 s12, $0x3;
	s31 =	rddreg [dreg:$0x1];
	v0 =	vadd.f32 v0, v1  }
0x1fa: {  	s19 =	simm.s32 $0x16E00;
	s12 =	sadd.s32 s31, s0  }
0x1fb: {  	s24 =	simm.s32 $0x10;
	s21 =	simm.s32 $0x16F00;
	s22 =	sadd.s32 $0x0, s12;
	[tilespmem:s25+$0x0] =	vst v0  }
.LBB2_30:
0x1fc: {  	[hbm4b:s22+s3] =	stream.linear.scatter [tilespmem:s19], [sflag:$0x7], $0x80, $0x38;
	[tilespmem:$0x1B900] =	vst v63  }
0x1fd: {  	s0 =	smov.u32 s24;
	s19 =	smov.u32 s21;
	p0 =	sne.s32 s24, $0x180  }
.Ltmp13:
0x1fe: {  	s24 =	sadd.s32 $0x10, s24;
	(pc) =	sbr.rel @p0 .LBB2_30-.Ltmp13, $2  }
0x1ff: {  	_ =	sdelay $0x2  }
0x200: {  	s21 =	sadd.s32 $0x100, s21;
	s22 =	sadd.s32 s0, s12  }
0x201: {  	s1 =	sadd.s32 $0x1, s1  }
0x202: {  	p0 =	sne.s32 s1, s14  }
.Ltmp14:
0x203: {  	_ = 	snop;
	(pc) =	sbr.rel @p0 .LBB2_19-.Ltmp14, $4  }
0x204: {  	[hbm4b:s22+s3] =	stream.linear.scatter [tilespmem:s19], [sflag:$0x7], $0x80, $0x38;
	[tilespmem:$0x1B900] =	vst v63  }
0x205: {  	_ =	swait.ge [sflag:s20], $0xC80  }
0x206: {  	[sflag:s20] =	ssyncset.done $0x0  }
0x207: {  	[sflag:s20] =	ssyncadd.s32 $0xFFFFF380  }
0x208: {  	s1 =	rddreg [dreg:$0x5]  }
0x209: {  	s0 =	rddreg [dreg:$0x4];
	s1 =	sadd.s32 $0x1, s1  }
0x20a: {  	p0 =	sne.s32 s1, s0  }
.Ltmp15:
0x20b: {  	_ = 	snop;
	(pc) =	sbr.rel @p0 .LBB2_1-.Ltmp15, $1  }
0x20c: {  	_ =	sdelay $0x3  }
0x20d: {  	_ =	sfence.sel $0x180000  }
0x20e: {  	[bflag:$0x0] =	sbarrier.arrive $0xFFFF  }
0x20f: {  	_ =	strace $0x90000047  }
0x210: {  	[bflag:$0x2] =	sbarrier.arrive $0xFFFF  }
0x211: {  	p0 =	sne.s32 s2, $0x0;
	s0 =	rddreg [dreg:$0x2]  }
0x212: {  	s0 =	sadd.s32 @!p0 $0x100000, s0  }
0x213: {  	[sflag:s0] =	ssyncadd.tile.s32 @!p0 $0x1;
	_ =	shalt  }
.Lfunc_end2:
_tile_overlayer_lowered:
.L_overlay_start_2:
0x214: {  	(tag) =	ssettag $0x2  }
0x215: {  	s0 =	rddreg [dreg:$0x0];
	s2 =	stileid.u32  }
0x216: {  	s1 =	rddreg [dreg:$0x1];
	p0 =	sne.s32 s2, $0x0  }
0x217: {  	s3 =	rddreg [dreg:$0x2];
	[bflag:$0x3] =	sbarrier.arrive $0xFFFF;
	s2 =	simm.s32 @!p0 $0x1C07  }
0x218: {  	[timem:s3], [sflag:s2] =	dma.local @!p0 [hbm:s0], s1  }
0x219: {  	s0 =	simm.s32 @!p0 $0x7  }
0x21a: {  	_ =	swait.ge @!p0 [sflag:s0], s1  }
0x21b: {  	s1 =	ssub.s32 @!p0 $0x0, s1;
	[sflag:s0] =	ssyncset.done @!p0 $0x0  }
0x21c: {  	[sflag:s0] =	ssyncadd.s32 @!p0 s1  }
0x21d: {  	[bflag:$0x3] =	sbarrier.arrive $0xFFFF  }
0x21e: {  	_ =	shalt  }

</sc_bundles>
